<compile_context>
chip_gen: v7x
topology: tpu7x:2x2x1
jax: 0.10.2.dev20260603
libtpu: 0.0.44.dev20260713+nightly
codegen_flags: <defaults>
</compile_context>

<pallas_src>
import functools

import jax
import jax.numpy as jnp
from jax import lax
from jax.experimental import pallas as pl
from jax.experimental.pallas import tpu as pltpu
from jax.experimental.pallas import tpu_sc as plsc

NC = 2
NS = 16
NW = NC * NS
L = 16
C = 64

NBUF = 4
DG = 3
DS = NBUF - DG
SLAB = 8
SUPER = 2


def _sc_aggregate(h_pad, sd4, n_pad, d):
    rows_per_tile = n_pad // NS
    zchunks = rows_per_tile // C
    cpw = sd4.shape[2]
    nslab = cpw // SLAB
    nmain = nslab * SLAB
    assert nmain == cpw and nslab % SUPER == 0
    mesh = plsc.VectorSubcoreMesh(core_axis_name="c", subcore_axis_name="s")

    @functools.partial(
        pl.kernel,
        out_type=(
            jax.ShapeDtypeStruct((NC, n_pad, d), jnp.float32),
            jax.ShapeDtypeStruct((NW, n_pad), jnp.float32),
        ),
        mesh=mesh,
        compiler_params=pltpu.CompilerParams(needs_layout_passes=False),
        scratch_types=[
            [pltpu.VMEM((SLAB, C), jnp.int32) for _ in range(2)],
            [pltpu.VMEM((SLAB, C), jnp.int32) for _ in range(2)],
            [pltpu.VMEM((C, d), jnp.float32) for _ in range(NBUF)],
            pltpu.VMEM((n_pad,), jnp.float32),
            pltpu.VMEM_SHARED((n_pad, d), jnp.float32),
            [pltpu.SemaphoreType.DMA for _ in range(NBUF)],
            [pltpu.SemaphoreType.DMA for _ in range(NBUF)],
            [pltpu.SemaphoreType.DMA for _ in range(2)],
        ],
    )
    def agg(h_ref, sd_ref, feat_ref, deg_ref, sslab, dslab, rows,
            degs, acc, gsem, ssem, lsem):
        cid = lax.axis_index("c")
        sid = lax.axis_index("s")
        wid = cid * NS + sid
        ones16 = jnp.full((L,), 1.0, jnp.float32)

        zvec = jnp.zeros((L,), jnp.float32)

        def slab_copy_start(s, ring):
            pltpu.async_copy(sd_ref.at[0, wid, pl.ds(s * SLAB, SLAB)],
                             sslab[ring], lsem[ring])
            pltpu.async_copy(sd_ref.at[1, wid, pl.ds(s * SLAB, SLAB)],
                             dslab[ring], lsem[ring])

        def slab_copy_wait(s, ring):
            pltpu.make_async_copy(sd_ref.at[0, wid, pl.ds(s * SLAB, SLAB)],
                                  sslab[ring], lsem[ring]).wait()
            pltpu.make_async_copy(sd_ref.at[1, wid, pl.ds(s * SLAB, SLAB)],
                                  dslab[ring], lsem[ring]).wait()

        def zrow(i, carry):
            for j in range(d // L):
                rows[0][i, pl.ds(j * L, L)] = zvec
            return carry

        lax.fori_loop(0, C, zrow, 0)
        if nmain > 0:
            slab_copy_start(0, 0)

        r0 = sid * rows_per_tile
        for k in range(zchunks):
            pltpu.async_copy(rows[0], acc.at[pl.ds(r0 + k * C, C)], ssem[0])

        def zdeg(i, carry):
            for j in range(8):
                degs[pl.ds(i * 8 * L + j * L, L)] = zvec
            return carry

        lax.fori_loop(0, n_pad // (8 * L), zdeg, 0)

        for k in range(zchunks):
            pltpu.make_async_copy(rows[0], acc.at[pl.ds(r0 + k * C, C)],
                                  ssem[0]).wait()
        plsc.subcore_barrier()

        def gather(ring, k, b):
            pltpu.async_copy(h_ref.at[sslab[ring].at[k]], rows[b], gsem[b])

        def deg_count(ring, k):
            for g in range(C // L):
                dvec = dslab[ring][k, pl.ds(g * L, L)]
                plsc.addupdate_scatter(degs, [dvec], ones16)

        if nmain > 0:
            slab_copy_wait(0, 0)
            for jj in range(DG):
                gather(0, jj, jj % NBUF)

            def super_body(p, carry):
                for half in range(SUPER):
                    s = p * SUPER + half
                    for k in range(SLAB):
                        j = s * SLAB + k
                        b = (SLAB * half + k) % NBUF
                        bg = (SLAB * half + k + DG) % NBUF

                        pltpu.make_async_copy(
                            h_ref.at[sslab[half].at[k]], rows[b], gsem[b]
                        ).wait()
                        pltpu.async_copy(rows[b], acc.at[dslab[half].at[k]],
                                         ssem[b], add=True)
                        deg_count(half, k)

                        if k == 2:
                            @pl.when(s + 1 < nslab)
                            def _():
                                slab_copy_start(s + 1, 1 - half)

                        @pl.when(j >= DS)
                        def _():
                            pltpu.make_async_copy(
                                rows[bg], acc.at[dslab[half].at[k]], ssem[bg]
                            ).wait()

                        if k == SLAB - DG:
                            @pl.when(s + 1 < nslab)
                            def _():
                                slab_copy_wait(s + 1, 1 - half)
                        if k < SLAB - DG:
                            gather(half, k + DG, bg)
                        else:
                            @pl.when(s + 1 < nslab)
                            def _():
                                gather(1 - half, k + DG - SLAB, bg)
                return carry

            lax.fori_loop(0, nslab // SUPER, super_body, 0)

            for j in range(nmain - DS, nmain):
                b = j % NBUF
                pltpu.make_async_copy(
                    rows[b], acc.at[dslab[0].at[0]], ssem[b]
                ).wait()

        plsc.subcore_barrier()

        pltpu.sync_copy(acc.at[pl.ds(r0, rows_per_tile)],
                        feat_ref.at[cid, pl.ds(r0, rows_per_tile)])
        pltpu.sync_copy(degs, deg_ref.at[wid])

    return agg(h_pad, sd4)


def _tc_self(h_self, W_self, bm):
    n, d = h_self.shape
    out = W_self.shape[1]

    def body(hs_ref, ws_ref, o_ref):
        o_ref[...] = jnp.dot(hs_ref[...], ws_ref[...],
                             preferred_element_type=jnp.float32)

    return pl.pallas_call(
        body,
        grid=(n // bm,),
        in_specs=[
            pl.BlockSpec((bm, d), lambda i: (i, 0)),
            pl.BlockSpec((d, out), lambda i: (0, 0)),
        ],
        out_specs=pl.BlockSpec((bm, out), lambda i: (i, 0)),
        out_shape=jax.ShapeDtypeStruct((n, out), jnp.float32),
    )(h_self, W_self)


def _tc_finish(partials, deg_all, selfz, W_neigh, bm):
    n, out = selfz.shape
    d = W_neigh.shape[0]

    def body(p_ref, dg_ref, sz_ref, wn_ref, o_ref):
        deg = jnp.sum(dg_ref[...], axis=1, keepdims=True)
        neigh = (p_ref[0] + p_ref[1]) / jnp.maximum(deg, 1.0)
        z = sz_ref[...] + jnp.dot(neigh, wn_ref[...],
                                  preferred_element_type=jnp.float32)
        z = jnp.maximum(z, 0.0)
        nrm = jnp.sqrt(jnp.sum(z * z, axis=1, keepdims=True))
        nrm = jnp.where(nrm == 0.0, 1.0, nrm)
        o_ref[...] = z / nrm

    return pl.pallas_call(
        body,
        grid=(n // bm,),
        in_specs=[
            pl.BlockSpec((NC, bm, d), lambda i: (0, i, 0)),
            pl.BlockSpec((bm, NW), lambda i: (i, 0)),
            pl.BlockSpec((bm, out), lambda i: (i, 0)),
            pl.BlockSpec((d, out), lambda i: (0, 0)),
        ],
        out_specs=pl.BlockSpec((bm, out), lambda i: (i, 0)),
        out_shape=jax.ShapeDtypeStruct((n, out), jnp.float32),
    )(partials, deg_all, selfz, W_neigh)


def kernel(h_neigh, h_self, edge_index, W_neigh, W_self):
    n, d = h_neigh.shape
    e = edge_index.shape[1]

    n_pad = ((n + NS * C - 1) // (NS * C)) * (NS * C)
    if n_pad == n:
        n_pad += NS * C

    step = NW * C * SLAB * SUPER
    e_pad = ((e + step - 1) // step) * step
    cpw = e_pad // (NW * C)

    ei = edge_index.astype(jnp.int32)
    pad = e_pad - e
    if pad:
        ar = jnp.arange(pad, dtype=jnp.int32)
        fill = jnp.stack([ar % n, n + ar % (n_pad - n)])
        ei = jnp.concatenate([ei, fill], axis=1)
    sd4 = ei.reshape(2, NW, cpw, C)

    bm = next(b for b in (1000, 400, 200, 100, 50, 25, 10, 5, 1)
              if n % b == 0 and (b % 8 == 0 or b == n))
    selfz = _tc_self(h_self, W_self, bm)
    partials, deg_all = _sc_aggregate(h_neigh, sd4, n_pad, d)
    return _tc_finish(partials, deg_all.T, selfz, W_neigh, bm)

# --- scband reference (transcript-rebuilt; emitter-appended) ---
"""Pipeline reference for scband-conv-layer-32220844654996 (READ-ONLY COPY).

The authoritative reference and input builder live on the scoring server;
editing this copy changes nothing except your own understanding.
"""

import jax, jax.numpy as jnp
import numpy as np
import math

N = 10000
E = 320000
D = 128
OUT = 128


def _xavier_uniform(key, fan_in, fan_out, gain):
    bound = gain * math.sqrt(6.0 / (fan_in + fan_out))
    return jax.random.uniform(key, (fan_in, fan_out), minval=-bound, maxval=bound, dtype=jnp.float32)


def setup_inputs(seed: int = 0) -> dict:
    key = jax.random.key(seed)
    k1, k2, k3, k4, k5 = jax.random.split(key, 5)
    h_neigh = jax.random.normal(k1, (N, D), dtype=jnp.float32)
    h_self = jax.random.normal(k2, (N, D), dtype=jnp.float32)
    edge_index = jax.random.randint(k3, (2, E), 0, N)
    gain = math.sqrt(2.0)  # calculate_gain('relu')
    # stored as [in, out] so forward is h @ W (equivalent to torch Linear with W.T)
    W_neigh = _xavier_uniform(k4, D, OUT, gain)
    W_self = _xavier_uniform(k5, D, OUT, gain)
    return {"h_neigh": h_neigh, "h_self": h_self, "edge_index": edge_index, "W_neigh": W_neigh, "W_self": W_self}


def reference(h_neigh, h_self, edge_index, W_neigh, W_self):
    # dropout p=0.0 -> identity
    src = edge_index[0]
    dst = edge_index[1]
    # message passing: copy_src('h','m') then mean('m','neigh')
    msgs = jnp.take(h_neigh, src, axis=0)
    agg_sum = jax.ops.segment_sum(msgs, dst, num_segments=N)
    deg = jax.ops.segment_sum(jnp.ones((E,), dtype=jnp.float32), dst, num_segments=N)
    neigh = agg_sum / jnp.maximum(deg, 1.0)[:, None]
    # z = relu(fc_self(h_self) + fc_neigh(neigh))
    z = jax.nn.relu(h_self @ W_self + neigh @ W_neigh)
    # norm=True: L2 row normalization with zero-norm guard
    z_norm = jnp.linalg.norm(z, ord=2, axis=1, keepdims=True)
    z_norm = jnp.where(z_norm == 0, jnp.float32(1.0), z_norm)
    z = z / z_norm
    return z


if False:  # reference __main__ guard neutralized (emitter)
    out = reference(**setup_inputs())
    print(out.shape, out.dtype)

if __name__ == "__main__":
    import jax
    _d = setup_inputs()
    print(jax.jit(kernel)(*tuple(_d.values())))

</pallas_src>

<mosaic_0001>
#map = affine_map<(d0, d1) -> (0, 0)>
#map1 = affine_map<(d0, d1) -> (0, 0, 0, 0)>
#map2 = affine_map<(d0, d1) -> (0, 0, 0)>
module attributes {stable_mosaic.version = 14 : i64} {
  func.func @agg(%arg0: i32, %arg1: i32, %arg2: memref<10000x128xf32, #tpu.memory_space<hbm>>, %arg3: memref<2x32x160x64xi32, #tpu.memory_space<hbm>>, %arg4: memref<2x10240x128xf32, #tpu.memory_space<hbm>>, %arg5: memref<32x10240xf32, #tpu.memory_space<hbm>>, %arg6: memref<8x64xi32, #tpu.memory_space<vmem>>, %arg7: memref<8x64xi32, #tpu.memory_space<vmem>>, %arg8: memref<8x64xi32, #tpu.memory_space<vmem>>, %arg9: memref<8x64xi32, #tpu.memory_space<vmem>>, %arg10: memref<64x128xf32, #tpu.memory_space<vmem>>, %arg11: memref<64x128xf32, #tpu.memory_space<vmem>>, %arg12: memref<64x128xf32, #tpu.memory_space<vmem>>, %arg13: memref<64x128xf32, #tpu.memory_space<vmem>>, %arg14: memref<10240xf32, #tpu.memory_space<vmem>>, %arg15: memref<10240x128xf32, #tpu.memory_space<vmem_shared>>, %arg16: memref<!tpu.dma_semaphore, #tpu.memory_space<semaphore_mem>>, %arg17: memref<!tpu.dma_semaphore, #tpu.memory_space<semaphore_mem>>, %arg18: memref<!tpu.dma_semaphore, #tpu.memory_space<semaphore_mem>>, %arg19: memref<!tpu.dma_semaphore, #tpu.memory_space<semaphore_mem>>, %arg20: memref<!tpu.dma_semaphore, #tpu.memory_space<semaphore_mem>>, %arg21: memref<!tpu.dma_semaphore, #tpu.memory_space<semaphore_mem>>, %arg22: memref<!tpu.dma_semaphore, #tpu.memory_space<semaphore_mem>>, %arg23: memref<!tpu.dma_semaphore, #tpu.memory_space<semaphore_mem>>, %arg24: memref<!tpu.dma_semaphore, #tpu.memory_space<semaphore_mem>>, %arg25: memref<!tpu.dma_semaphore, #tpu.memory_space<semaphore_mem>>) attributes {dimension_semantics = [#tpu.dimension_semantics<core_parallel>, #tpu.dimension_semantics<subcore_parallel>], iteration_bounds = array<i64: 2, 16>, scalar_prefetch = 0 : i64, scratch_operands = 20 : i64, tpu.core_type = #tpu.core_type<sc_vector_subcore>, window_params = [{transform_indices = #map}, {transform_indices = #map1}, {transform_indices = #map2}, {transform_indices = #map}]} {
    %mul3A = arith.constant 16 : i32
    %mul3A_0 = arith.muli %arg0, %mul3A : i32
    %add3A = arith.addi %mul3A_0, %arg1 : i32
    %broadcast_in_dim3A = arith.constant 1.000000e+00 : f32
    %broadcast_in_dim3A_1 = vector.broadcast %broadcast_in_dim3A : f32 to vector<16xf32>
    %broadcast_in_dim3A_2 = arith.constant 0.000000e+00 : f32
    %broadcast_in_dim3A_3 = vector.broadcast %broadcast_in_dim3A_2 : f32 to vector<16xf32>
    %scan3A = arith.constant 0 : i32
    %scan3A_4 = arith.constant 0 : i32
    %scan3A_5 = arith.constant 64 : i32
    %scan3A_6 = arith.addi %scan3A_4, %scan3A_5 : i32
    %scan3A_7 = arith.constant 1 : i32
    scf.for %scan3A_206 = %scan3A_4 to %scan3A_6 step %scan3A_7  : i32 {
      %swap3A = arith.index_cast %scan3A_206 : i32 to index
      %swap3A_207 = arith.constant 0 : index
      %swap3A_208 = tpu.vector_load %arg10[%swap3A, %swap3A_207] {strides = array<i32>} : memref<64x128xf32, #tpu.memory_space<vmem>>, vector<16xf32>,
      tpu.vector_store %arg10[%swap3A, %swap3A_207], %broadcast_in_dim3A_3 {strides = array<i32>} : memref<64x128xf32, #tpu.memory_space<vmem>>, vector<16xf32>,
      %swap3A_209 = arith.index_cast %scan3A_206 : i32 to index
      %swap3A_210 = arith.constant 16 : index
      %swap3A_211 = tpu.vector_load %arg10[%swap3A_209, %swap3A_210] {strides = array<i32>} : memref<64x128xf32, #tpu.memory_space<vmem>>, vector<16xf32>,
      tpu.vector_store %arg10[%swap3A_209, %swap3A_210], %broadcast_in_dim3A_3 {strides = array<i32>} : memref<64x128xf32, #tpu.memory_space<vmem>>, vector<16xf32>,
      %swap3A_212 = arith.index_cast %scan3A_206 : i32 to index
      %swap3A_213 = arith.constant 32 : index
      %swap3A_214 = tpu.vector_load %arg10[%swap3A_212, %swap3A_213] {strides = array<i32>} : memref<64x128xf32, #tpu.memory_space<vmem>>, vector<16xf32>,
      tpu.vector_store %arg10[%swap3A_212, %swap3A_213], %broadcast_in_dim3A_3 {strides = array<i32>} : memref<64x128xf32, #tpu.memory_space<vmem>>, vector<16xf32>,
      %swap3A_215 = arith.index_cast %scan3A_206 : i32 to index
      %swap3A_216 = arith.constant 48 : index
      %swap3A_217 = tpu.vector_load %arg10[%swap3A_215, %swap3A_216] {strides = array<i32>} : memref<64x128xf32, #tpu.memory_space<vmem>>, vector<16xf32>,
      tpu.vector_store %arg10[%swap3A_215, %swap3A_216], %broadcast_in_dim3A_3 {strides = array<i32>} : memref<64x128xf32, #tpu.memory_space<vmem>>, vector<16xf32>,
      %swap3A_218 = arith.index_cast %scan3A_206 : i32 to index
      %swap3A_219 = arith.constant 64 : index
      %swap3A_220 = tpu.vector_load %arg10[%swap3A_218, %swap3A_219] {strides = array<i32>} : memref<64x128xf32, #tpu.memory_space<vmem>>, vector<16xf32>,
      tpu.vector_store %arg10[%swap3A_218, %swap3A_219], %broadcast_in_dim3A_3 {strides = array<i32>} : memref<64x128xf32, #tpu.memory_space<vmem>>, vector<16xf32>,
      %swap3A_221 = arith.index_cast %scan3A_206 : i32 to index
      %swap3A_222 = arith.constant 80 : index
      %swap3A_223 = tpu.vector_load %arg10[%swap3A_221, %swap3A_222] {strides = array<i32>} : memref<64x128xf32, #tpu.memory_space<vmem>>, vector<16xf32>,
      tpu.vector_store %arg10[%swap3A_221, %swap3A_222], %broadcast_in_dim3A_3 {strides = array<i32>} : memref<64x128xf32, #tpu.memory_space<vmem>>, vector<16xf32>,
      %swap3A_224 = arith.index_cast %scan3A_206 : i32 to index
      %swap3A_225 = arith.constant 96 : index
      %swap3A_226 = tpu.vector_load %arg10[%swap3A_224, %swap3A_225] {strides = array<i32>} : memref<64x128xf32, #tpu.memory_space<vmem>>, vector<16xf32>,
      tpu.vector_store %arg10[%swap3A_224, %swap3A_225], %broadcast_in_dim3A_3 {strides = array<i32>} : memref<64x128xf32, #tpu.memory_space<vmem>>, vector<16xf32>,
      %swap3A_227 = arith.index_cast %scan3A_206 : i32 to index
      %swap3A_228 = arith.constant 112 : index
      %swap3A_229 = tpu.vector_load %arg10[%swap3A_227, %swap3A_228] {strides = array<i32>} : memref<64x128xf32, #tpu.memory_space<vmem>>, vector<16xf32>,
      tpu.vector_store %arg10[%swap3A_227, %swap3A_228], %broadcast_in_dim3A_3 {strides = array<i32>} : memref<64x128xf32, #tpu.memory_space<vmem>>, vector<16xf32>,
    }
    %scan3A_8 = arith.constant 64 : i32
    %dma_start3A = arith.constant 0 : i32
    %dma_start3A_9 = arith.constant 0 : i32
    %dma_start3A_10 = arith.constant 0 : i32
    %dma_start3A_11 = tpu.memref_slice %arg3[%dma_start3A, %add3A, %dma_start3A_9, %dma_start3A_10] : memref<2x32x160x64xi32, #tpu.memory_space<hbm>> -> memref<1x1x8x64xi32, #tpu.memory_space<hbm>>
    %dma_start3A_12 = tpu.memref_squeeze %dma_start3A_11 : memref<1x1x8x64xi32, #tpu.memory_space<hbm>> -> memref<8x64xi32, #tpu.memory_space<hbm>>
    %dma_start3A_13 = arith.constant 0 : i32
    %dma_start3A_14 = arith.constant 0 : i32
    %dma_start3A_15 = tpu.memref_slice %arg3[%dma_start3A, %add3A, %dma_start3A_13, %dma_start3A_14] : memref<2x32x160x64xi32, #tpu.memory_space<hbm>> -> memref<1x1x8x64xi32, #tpu.memory_space<hbm>>
    %dma_start3A_16 = tpu.memref_squeeze %dma_start3A_15 : memref<1x1x8x64xi32, #tpu.memory_space<hbm>> -> memref<8x64xi32, #tpu.memory_space<hbm>>
    tpu.enqueue_dma source(%dma_start3A_16 : memref<8x64xi32, #tpu.memory_space<hbm>>) target(%arg6 : memref<8x64xi32, #tpu.memory_space<vmem>>) target_semaphore(%arg24 : memref<!tpu.dma_semaphore, #tpu.memory_space<semaphore_mem>>)
    %dma_start3A_17 = arith.constant 1 : i32
    %dma_start3A_18 = arith.constant 0 : i32
    %dma_start3A_19 = arith.constant 0 : i32
    %dma_start3A_20 = tpu.memref_slice %arg3[%dma_start3A_17, %add3A, %dma_start3A_18, %dma_start3A_19] : memref<2x32x160x64xi32, #tpu.memory_space<hbm>> -> memref<1x1x8x64xi32, #tpu.memory_space<hbm>>
    %dma_start3A_21 = tpu.memref_squeeze %dma_start3A_20 : memref<1x1x8x64xi32, #tpu.memory_space<hbm>> -> memref<8x64xi32, #tpu.memory_space<hbm>>
    %dma_start3A_22 = arith.constant 0 : i32
    %dma_start3A_23 = arith.constant 0 : i32
    %dma_start3A_24 = tpu.memref_slice %arg3[%dma_start3A_17, %add3A, %dma_start3A_22, %dma_start3A_23] : memref<2x32x160x64xi32, #tpu.memory_space<hbm>> -> memref<1x1x8x64xi32, #tpu.memory_space<hbm>>
    %dma_start3A_25 = tpu.memref_squeeze %dma_start3A_24 : memref<1x1x8x64xi32, #tpu.memory_space<hbm>> -> memref<8x64xi32, #tpu.memory_space<hbm>>
    tpu.enqueue_dma source(%dma_start3A_25 : memref<8x64xi32, #tpu.memory_space<hbm>>) target(%arg8 : memref<8x64xi32, #tpu.memory_space<vmem>>) target_semaphore(%arg24 : memref<!tpu.dma_semaphore, #tpu.memory_space<semaphore_mem>>)
    %mul3A_26 = arith.constant 640 : i32
    %mul3A_27 = arith.muli %arg1, %mul3A_26 : i32
    %add3A_28 = arith.constant 0 : i32
    %add3A_29 = arith.addi %mul3A_27, %add3A_28 : i32
    %dma_start3A_30 = arith.constant 0 : i32
    %dma_start3A_31 = tpu.memref_slice %arg15[%add3A_29, %dma_start3A_30] : memref<10240x128xf32, #tpu.memory_space<vmem_shared>> -> memref<64x128xf32, #tpu.memory_space<vmem_shared>>
    %dma_start3A_32 = arith.constant 0 : i32
    %dma_start3A_33 = tpu.memref_slice %arg15[%add3A_29, %dma_start3A_32] : memref<10240x128xf32, #tpu.memory_space<vmem_shared>> -> memref<64x128xf32, #tpu.memory_space<vmem_shared>>
    tpu.enqueue_dma source(%arg10 : memref<64x128xf32, #tpu.memory_space<vmem>>) target(%dma_start3A_33 : memref<64x128xf32, #tpu.memory_space<vmem_shared>>) target_semaphore(%arg20 : memref<!tpu.dma_semaphore, #tpu.memory_space<semaphore_mem>>)
    %add3A_34 = arith.constant 64 : i32
    %add3A_35 = arith.addi %mul3A_27, %add3A_34 : i32
    %dma_start3A_36 = arith.constant 0 : i32
    %dma_start3A_37 = tpu.memref_slice %arg15[%add3A_35, %dma_start3A_36] : memref<10240x128xf32, #tpu.memory_space<vmem_shared>> -> memref<64x128xf32, #tpu.memory_space<vmem_shared>>
    %dma_start3A_38 = arith.constant 0 : i32
    %dma_start3A_39 = tpu.memref_slice %arg15[%add3A_35, %dma_start3A_38] : memref<10240x128xf32, #tpu.memory_space<vmem_shared>> -> memref<64x128xf32, #tpu.memory_space<vmem_shared>>
    tpu.enqueue_dma source(%arg10 : memref<64x128xf32, #tpu.memory_space<vmem>>) target(%dma_start3A_39 : memref<64x128xf32, #tpu.memory_space<vmem_shared>>) target_semaphore(%arg20 : memref<!tpu.dma_semaphore, #tpu.memory_space<semaphore_mem>>)
    %add3A_40 = arith.constant 128 : i32
    %add3A_41 = arith.addi %mul3A_27, %add3A_40 : i32
    %dma_start3A_42 = arith.constant 0 : i32
    %dma_start3A_43 = tpu.memref_slice %arg15[%add3A_41, %dma_start3A_42] : memref<10240x128xf32, #tpu.memory_space<vmem_shared>> -> memref<64x128xf32, #tpu.memory_space<vmem_shared>>
    %dma_start3A_44 = arith.constant 0 : i32
    %dma_start3A_45 = tpu.memref_slice %arg15[%add3A_41, %dma_start3A_44] : memref<10240x128xf32, #tpu.memory_space<vmem_shared>> -> memref<64x128xf32, #tpu.memory_space<vmem_shared>>
    tpu.enqueue_dma source(%arg10 : memref<64x128xf32, #tpu.memory_space<vmem>>) target(%dma_start3A_45 : memref<64x128xf32, #tpu.memory_space<vmem_shared>>) target_semaphore(%arg20 : memref<!tpu.dma_semaphore, #tpu.memory_space<semaphore_mem>>)
    %add3A_46 = arith.constant 192 : i32
    %add3A_47 = arith.addi %mul3A_27, %add3A_46 : i32
    %dma_start3A_48 = arith.constant 0 : i32
    %dma_start3A_49 = tpu.memref_slice %arg15[%add3A_47, %dma_start3A_48] : memref<10240x128xf32, #tpu.memory_space<vmem_shared>> -> memref<64x128xf32, #tpu.memory_space<vmem_shared>>
    %dma_start3A_50 = arith.constant 0 : i32
    %dma_start3A_51 = tpu.memref_slice %arg15[%add3A_47, %dma_start3A_50] : memref<10240x128xf32, #tpu.memory_space<vmem_shared>> -> memref<64x128xf32, #tpu.memory_space<vmem_shared>>
    tpu.enqueue_dma source(%arg10 : memref<64x128xf32, #tpu.memory_space<vmem>>) target(%dma_start3A_51 : memref<64x128xf32, #tpu.memory_space<vmem_shared>>) target_semaphore(%arg20 : memref<!tpu.dma_semaphore, #tpu.memory_space<semaphore_mem>>)
    %add3A_52 = arith.constant 256 : i32
    %add3A_53 = arith.addi %mul3A_27, %add3A_52 : i32
    %dma_start3A_54 = arith.constant 0 : i32
    %dma_start3A_55 = tpu.memref_slice %arg15[%add3A_53, %dma_start3A_54] : memref<10240x128xf32, #tpu.memory_space<vmem_shared>> -> memref<64x128xf32, #tpu.memory_space<vmem_shared>>
    %dma_start3A_56 = arith.constant 0 : i32
    %dma_start3A_57 = tpu.memref_slice %arg15[%add3A_53, %dma_start3A_56] : memref<10240x128xf32, #tpu.memory_space<vmem_shared>> -> memref<64x128xf32, #tpu.memory_space<vmem_shared>>
    tpu.enqueue_dma source(%arg10 : memref<64x128xf32, #tpu.memory_space<vmem>>) target(%dma_start3A_57 : memref<64x128xf32, #tpu.memory_space<vmem_shared>>) target_semaphore(%arg20 : memref<!tpu.dma_semaphore, #tpu.memory_space<semaphore_mem>>)
    %add3A_58 = arith.constant 320 : i32
    %add3A_59 = arith.addi %mul3A_27, %add3A_58 : i32
    %dma_start3A_60 = arith.constant 0 : i32
    %dma_start3A_61 = tpu.memref_slice %arg15[%add3A_59, %dma_start3A_60] : memref<10240x128xf32, #tpu.memory_space<vmem_shared>> -> memref<64x128xf32, #tpu.memory_space<vmem_shared>>
    %dma_start3A_62 = arith.constant 0 : i32
    %dma_start3A_63 = tpu.memref_slice %arg15[%add3A_59, %dma_start3A_62] : memref<10240x128xf32, #tpu.memory_space<vmem_shared>> -> memref<64x128xf32, #tpu.memory_space<vmem_shared>>
    tpu.enqueue_dma source(%arg10 : memref<64x128xf32, #tpu.memory_space<vmem>>) target(%dma_start3A_63 : memref<64x128xf32, #tpu.memory_space<vmem_shared>>) target_semaphore(%arg20 : memref<!tpu.dma_semaphore, #tpu.memory_space<semaphore_mem>>)
    %add3A_64 = arith.constant 384 : i32
    %add3A_65 = arith.addi %mul3A_27, %add3A_64 : i32
    %dma_start3A_66 = arith.constant 0 : i32
    %dma_start3A_67 = tpu.memref_slice %arg15[%add3A_65, %dma_start3A_66] : memref<10240x128xf32, #tpu.memory_space<vmem_shared>> -> memref<64x128xf32, #tpu.memory_space<vmem_shared>>
    %dma_start3A_68 = arith.constant 0 : i32
    %dma_start3A_69 = tpu.memref_slice %arg15[%add3A_65, %dma_start3A_68] : memref<10240x128xf32, #tpu.memory_space<vmem_shared>> -> memref<64x128xf32, #tpu.memory_space<vmem_shared>>
    tpu.enqueue_dma source(%arg10 : memref<64x128xf32, #tpu.memory_space<vmem>>) target(%dma_start3A_69 : memref<64x128xf32, #tpu.memory_space<vmem_shared>>) target_semaphore(%arg20 : memref<!tpu.dma_semaphore, #tpu.memory_space<semaphore_mem>>)
    %add3A_70 = arith.constant 448 : i32
    %add3A_71 = arith.addi %mul3A_27, %add3A_70 : i32
    %dma_start3A_72 = arith.constant 0 : i32
    %dma_start3A_73 = tpu.memref_slice %arg15[%add3A_71, %dma_start3A_72] : memref<10240x128xf32, #tpu.memory_space<vmem_shared>> -> memref<64x128xf32, #tpu.memory_space<vmem_shared>>
    %dma_start3A_74 = arith.constant 0 : i32
    %dma_start3A_75 = tpu.memref_slice %arg15[%add3A_71, %dma_start3A_74] : memref<10240x128xf32, #tpu.memory_space<vmem_shared>> -> memref<64x128xf32, #tpu.memory_space<vmem_shared>>
    tpu.enqueue_dma source(%arg10 : memref<64x128xf32, #tpu.memory_space<vmem>>) target(%dma_start3A_75 : memref<64x128xf32, #tpu.memory_space<vmem_shared>>) target_semaphore(%arg20 : memref<!tpu.dma_semaphore, #tpu.memory_space<semaphore_mem>>)
    %add3A_76 = arith.constant 512 : i32
    %add3A_77 = arith.addi %mul3A_27, %add3A_76 : i32
    %dma_start3A_78 = arith.constant 0 : i32
    %dma_start3A_79 = tpu.memref_slice %arg15[%add3A_77, %dma_start3A_78] : memref<10240x128xf32, #tpu.memory_space<vmem_shared>> -> memref<64x128xf32, #tpu.memory_space<vmem_shared>>
    %dma_start3A_80 = arith.constant 0 : i32
    %dma_start3A_81 = tpu.memref_slice %arg15[%add3A_77, %dma_start3A_80] : memref<10240x128xf32, #tpu.memory_space<vmem_shared>> -> memref<64x128xf32, #tpu.memory_space<vmem_shared>>
    tpu.enqueue_dma source(%arg10 : memref<64x128xf32, #tpu.memory_space<vmem>>) target(%dma_start3A_81 : memref<64x128xf32, #tpu.memory_space<vmem_shared>>) target_semaphore(%arg20 : memref<!tpu.dma_semaphore, #tpu.memory_space<semaphore_mem>>)
    %add3A_82 = arith.constant 576 : i32
    %add3A_83 = arith.addi %mul3A_27, %add3A_82 : i32
    %dma_start3A_84 = arith.constant 0 : i32
    %dma_start3A_85 = tpu.memref_slice %arg15[%add3A_83, %dma_start3A_84] : memref<10240x128xf32, #tpu.memory_space<vmem_shared>> -> memref<64x128xf32, #tpu.memory_space<vmem_shared>>
    %dma_start3A_86 = arith.constant 0 : i32
    %dma_start3A_87 = tpu.memref_slice %arg15[%add3A_83, %dma_start3A_86] : memref<10240x128xf32, #tpu.memory_space<vmem_shared>> -> memref<64x128xf32, #tpu.memory_space<vmem_shared>>
    tpu.enqueue_dma source(%arg10 : memref<64x128xf32, #tpu.memory_space<vmem>>) target(%dma_start3A_87 : memref<64x128xf32, #tpu.memory_space<vmem_shared>>) target_semaphore(%arg20 : memref<!tpu.dma_semaphore, #tpu.memory_space<semaphore_mem>>)
    %scan3A_88 = arith.constant 0 : i32
    %scan3A_89 = arith.constant 0 : i32
    %scan3A_90 = arith.constant 80 : i32
    %scan3A_91 = arith.addi %scan3A_89, %scan3A_90 : i32
    %scan3A_92 = arith.constant 1 : i32
    scf.for %scan3A_206 = %scan3A_89 to %scan3A_91 step %scan3A_92  : i32 {
      %mul3A_207 = arith.constant 8 : i32
      %mul3A_208 = arith.muli %scan3A_206, %mul3A_207 : i32
      %mul3A_209 = arith.constant 16 : i32
      %mul3A_210 = arith.muli %mul3A_208, %mul3A_209 : i32
      %add3A_211 = arith.constant 0 : i32
      %add3A_212 = arith.addi %mul3A_210, %add3A_211 : i32
      %swap3A = arith.index_cast %add3A_212 : i32 to index
      %swap3A_213 = tpu.vector_load %arg14[%swap3A] {strides = array<i32>} : memref<10240xf32, #tpu.memory_space<vmem>>, vector<16xf32>,
      tpu.vector_store %arg14[%swap3A], %broadcast_in_dim3A_3 {strides = array<i32>} : memref<10240xf32, #tpu.memory_space<vmem>>, vector<16xf32>,
      %mul3A_214 = arith.constant 8 : i32
      %mul3A_215 = arith.muli %scan3A_206, %mul3A_214 : i32
      %mul3A_216 = arith.constant 16 : i32
      %mul3A_217 = arith.muli %mul3A_215, %mul3A_216 : i32
      %add3A_218 = arith.constant 16 : i32
      %add3A_219 = arith.addi %mul3A_217, %add3A_218 : i32
      %swap3A_220 = arith.index_cast %add3A_219 : i32 to index
      %swap3A_221 = tpu.vector_load %arg14[%swap3A_220] {strides = array<i32>} : memref<10240xf32, #tpu.memory_space<vmem>>, vector<16xf32>,
      tpu.vector_store %arg14[%swap3A_220], %broadcast_in_dim3A_3 {strides = array<i32>} : memref<10240xf32, #tpu.memory_space<vmem>>, vector<16xf32>,
      %mul3A_222 = arith.constant 8 : i32
      %mul3A_223 = arith.muli %scan3A_206, %mul3A_222 : i32
      %mul3A_224 = arith.constant 16 : i32
      %mul3A_225 = arith.muli %mul3A_223, %mul3A_224 : i32
      %add3A_226 = arith.constant 32 : i32
      %add3A_227 = arith.addi %mul3A_225, %add3A_226 : i32
      %swap3A_228 = arith.index_cast %add3A_227 : i32 to index
      %swap3A_229 = tpu.vector_load %arg14[%swap3A_228] {strides = array<i32>} : memref<10240xf32, #tpu.memory_space<vmem>>, vector<16xf32>,
      tpu.vector_store %arg14[%swap3A_228], %broadcast_in_dim3A_3 {strides = array<i32>} : memref<10240xf32, #tpu.memory_space<vmem>>, vector<16xf32>,
      %mul3A_230 = arith.constant 8 : i32
      %mul3A_231 = arith.muli %scan3A_206, %mul3A_230 : i32
      %mul3A_232 = arith.constant 16 : i32
      %mul3A_233 = arith.muli %mul3A_231, %mul3A_232 : i32
      %add3A_234 = arith.constant 48 : i32
      %add3A_235 = arith.addi %mul3A_233, %add3A_234 : i32
      %swap3A_236 = arith.index_cast %add3A_235 : i32 to index
      %swap3A_237 = tpu.vector_load %arg14[%swap3A_236] {strides = array<i32>} : memref<10240xf32, #tpu.memory_space<vmem>>, vector<16xf32>,
      tpu.vector_store %arg14[%swap3A_236], %broadcast_in_dim3A_3 {strides = array<i32>} : memref<10240xf32, #tpu.memory_space<vmem>>, vector<16xf32>,
      %mul3A_238 = arith.constant 8 : i32
      %mul3A_239 = arith.muli %scan3A_206, %mul3A_238 : i32
      %mul3A_240 = arith.constant 16 : i32
      %mul3A_241 = arith.muli %mul3A_239, %mul3A_240 : i32
      %add3A_242 = arith.constant 64 : i32
      %add3A_243 = arith.addi %mul3A_241, %add3A_242 : i32
      %swap3A_244 = arith.index_cast %add3A_243 : i32 to index
      %swap3A_245 = tpu.vector_load %arg14[%swap3A_244] {strides = array<i32>} : memref<10240xf32, #tpu.memory_space<vmem>>, vector<16xf32>,
      tpu.vector_store %arg14[%swap3A_244], %broadcast_in_dim3A_3 {strides = array<i32>} : memref<10240xf32, #tpu.memory_space<vmem>>, vector<16xf32>,
      %mul3A_246 = arith.constant 8 : i32
      %mul3A_247 = arith.muli %scan3A_206, %mul3A_246 : i32
      %mul3A_248 = arith.constant 16 : i32
      %mul3A_249 = arith.muli %mul3A_247, %mul3A_248 : i32
      %add3A_250 = arith.constant 80 : i32
      %add3A_251 = arith.addi %mul3A_249, %add3A_250 : i32
      %swap3A_252 = arith.index_cast %add3A_251 : i32 to index
      %swap3A_253 = tpu.vector_load %arg14[%swap3A_252] {strides = array<i32>} : memref<10240xf32, #tpu.memory_space<vmem>>, vector<16xf32>,
      tpu.vector_store %arg14[%swap3A_252], %broadcast_in_dim3A_3 {strides = array<i32>} : memref<10240xf32, #tpu.memory_space<vmem>>, vector<16xf32>,
      %mul3A_254 = arith.constant 8 : i32
      %mul3A_255 = arith.muli %scan3A_206, %mul3A_254 : i32
      %mul3A_256 = arith.constant 16 : i32
      %mul3A_257 = arith.muli %mul3A_255, %mul3A_256 : i32
      %add3A_258 = arith.constant 96 : i32
      %add3A_259 = arith.addi %mul3A_257, %add3A_258 : i32
      %swap3A_260 = arith.index_cast %add3A_259 : i32 to index
      %swap3A_261 = tpu.vector_load %arg14[%swap3A_260] {strides = array<i32>} : memref<10240xf32, #tpu.memory_space<vmem>>, vector<16xf32>,
      tpu.vector_store %arg14[%swap3A_260], %broadcast_in_dim3A_3 {strides = array<i32>} : memref<10240xf32, #tpu.memory_space<vmem>>, vector<16xf32>,
      %mul3A_262 = arith.constant 8 : i32
      %mul3A_263 = arith.muli %scan3A_206, %mul3A_262 : i32
      %mul3A_264 = arith.constant 16 : i32
      %mul3A_265 = arith.muli %mul3A_263, %mul3A_264 : i32
      %add3A_266 = arith.constant 112 : i32
      %add3A_267 = arith.addi %mul3A_265, %add3A_266 : i32
      %swap3A_268 = arith.index_cast %add3A_267 : i32 to index
      %swap3A_269 = tpu.vector_load %arg14[%swap3A_268] {strides = array<i32>} : memref<10240xf32, #tpu.memory_space<vmem>>, vector<16xf32>,
      tpu.vector_store %arg14[%swap3A_268], %broadcast_in_dim3A_3 {strides = array<i32>} : memref<10240xf32, #tpu.memory_space<vmem>>, vector<16xf32>,
    }
    %scan3A_93 = arith.constant 80 : i32
    %add3A_94 = arith.constant 0 : i32
    %add3A_95 = arith.addi %mul3A_27, %add3A_94 : i32
    %dma_wait3A = arith.constant 0 : i32
    %dma_wait3A_96 = tpu.memref_slice %arg15[%add3A_95, %dma_wait3A] : memref<10240x128xf32, #tpu.memory_space<vmem_shared>> -> memref<64x128xf32, #tpu.memory_space<vmem_shared>>
    %dma_wait3A_97 = arith.constant 0 : i32
    %dma_wait3A_98 = tpu.memref_slice %arg15[%add3A_95, %dma_wait3A_97] : memref<10240x128xf32, #tpu.memory_space<vmem_shared>> -> memref<64x128xf32, #tpu.memory_space<vmem_shared>>
    tpu.wait_dma2 semaphore(%arg20 : memref<!tpu.dma_semaphore, #tpu.memory_space<semaphore_mem>>) src(%arg10 : memref<64x128xf32, #tpu.memory_space<vmem>>) dst(%dma_wait3A_98 : memref<64x128xf32, #tpu.memory_space<vmem_shared>>)
    %add3A_99 = arith.constant 64 : i32
    %add3A_100 = arith.addi %mul3A_27, %add3A_99 : i32
    %dma_wait3A_101 = arith.constant 0 : i32
    %dma_wait3A_102 = tpu.memref_slice %arg15[%add3A_100, %dma_wait3A_101] : memref<10240x128xf32, #tpu.memory_space<vmem_shared>> -> memref<64x128xf32, #tpu.memory_space<vmem_shared>>
    %dma_wait3A_103 = arith.constant 0 : i32
    %dma_wait3A_104 = tpu.memref_slice %arg15[%add3A_100, %dma_wait3A_103] : memref<10240x128xf32, #tpu.memory_space<vmem_shared>> -> memref<64x128xf32, #tpu.memory_space<vmem_shared>>
    tpu.wait_dma2 semaphore(%arg20 : memref<!tpu.dma_semaphore, #tpu.memory_space<semaphore_mem>>) src(%arg10 : memref<64x128xf32, #tpu.memory_space<vmem>>) dst(%dma_wait3A_104 : memref<64x128xf32, #tpu.memory_space<vmem_shared>>)
    %add3A_105 = arith.constant 128 : i32
    %add3A_106 = arith.addi %mul3A_27, %add3A_105 : i32
    %dma_wait3A_107 = arith.constant 0 : i32
    %dma_wait3A_108 = tpu.memref_slice %arg15[%add3A_106, %dma_wait3A_107] : memref<10240x128xf32, #tpu.memory_space<vmem_shared>> -> memref<64x128xf32, #tpu.memory_space<vmem_shared>>
    %dma_wait3A_109 = arith.constant 0 : i32
    %dma_wait3A_110 = tpu.memref_slice %arg15[%add3A_106, %dma_wait3A_109] : memref<10240x128xf32, #tpu.memory_space<vmem_shared>> -> memref<64x128xf32, #tpu.memory_space<vmem_shared>>
    tpu.wait_dma2 semaphore(%arg20 : memref<!tpu.dma_semaphore, #tpu.memory_space<semaphore_mem>>) src(%arg10 : memref<64x128xf32, #tpu.memory_space<vmem>>) dst(%dma_wait3A_110 : memref<64x128xf32, #tpu.memory_space<vmem_shared>>)
    %add3A_111 = arith.constant 192 : i32
    %add3A_112 = arith.addi %mul3A_27, %add3A_111 : i32
    %dma_wait3A_113 = arith.constant 0 : i32
    %dma_wait3A_114 = tpu.memref_slice %arg15[%add3A_112, %dma_wait3A_113] : memref<10240x128xf32, #tpu.memory_space<vmem_shared>> -> memref<64x128xf32, #tpu.memory_space<vmem_shared>>
    %dma_wait3A_115 = arith.constant 0 : i32
    %dma_wait3A_116 = tpu.memref_slice %arg15[%add3A_112, %dma_wait3A_115] : memref<10240x128xf32, #tpu.memory_space<vmem_shared>> -> memref<64x128xf32, #tpu.memory_space<vmem_shared>>
    tpu.wait_dma2 semaphore(%arg20 : memref<!tpu.dma_semaphore, #tpu.memory_space<semaphore_mem>>) src(%arg10 : memref<64x128xf32, #tpu.memory_space<vmem>>) dst(%dma_wait3A_116 : memref<64x128xf32, #tpu.memory_space<vmem_shared>>)
    %add3A_117 = arith.constant 256 : i32
    %add3A_118 = arith.addi %mul3A_27, %add3A_117 : i32
    %dma_wait3A_119 = arith.constant 0 : i32
    %dma_wait3A_120 = tpu.memref_slice %arg15[%add3A_118, %dma_wait3A_119] : memref<10240x128xf32, #tpu.memory_space<vmem_shared>> -> memref<64x128xf32, #tpu.memory_space<vmem_shared>>
    %dma_wait3A_121 = arith.constant 0 : i32
    %dma_wait3A_122 = tpu.memref_slice %arg15[%add3A_118, %dma_wait3A_121] : memref<10240x128xf32, #tpu.memory_space<vmem_shared>> -> memref<64x128xf32, #tpu.memory_space<vmem_shared>>
    tpu.wait_dma2 semaphore(%arg20 : memref<!tpu.dma_semaphore, #tpu.memory_space<semaphore_mem>>) src(%arg10 : memref<64x128xf32, #tpu.memory_space<vmem>>) dst(%dma_wait3A_122 : memref<64x128xf32, #tpu.memory_space<vmem_shared>>)
    %add3A_123 = arith.constant 320 : i32
    %add3A_124 = arith.addi %mul3A_27, %add3A_123 : i32
    %dma_wait3A_125 = arith.constant 0 : i32
    %dma_wait3A_126 = tpu.memref_slice %arg15[%add3A_124, %dma_wait3A_125] : memref<10240x128xf32, #tpu.memory_space<vmem_shared>> -> memref<64x128xf32, #tpu.memory_space<vmem_shared>>
    %dma_wait3A_127 = arith.constant 0 : i32
    %dma_wait3A_128 = tpu.memref_slice %arg15[%add3A_124, %dma_wait3A_127] : memref<10240x128xf32, #tpu.memory_space<vmem_shared>> -> memref<64x128xf32, #tpu.memory_space<vmem_shared>>
    tpu.wait_dma2 semaphore(%arg20 : memref<!tpu.dma_semaphore, #tpu.memory_space<semaphore_mem>>) src(%arg10 : memref<64x128xf32, #tpu.memory_space<vmem>>) dst(%dma_wait3A_128 : memref<64x128xf32, #tpu.memory_space<vmem_shared>>)
    %add3A_129 = arith.constant 384 : i32
    %add3A_130 = arith.addi %mul3A_27, %add3A_129 : i32
    %dma_wait3A_131 = arith.constant 0 : i32
    %dma_wait3A_132 = tpu.memref_slice %arg15[%add3A_130, %dma_wait3A_131] : memref<10240x128xf32, #tpu.memory_space<vmem_shared>> -> memref<64x128xf32, #tpu.memory_space<vmem_shared>>
    %dma_wait3A_133 = arith.constant 0 : i32
    %dma_wait3A_134 = tpu.memref_slice %arg15[%add3A_130, %dma_wait3A_133] : memref<10240x128xf32, #tpu.memory_space<vmem_shared>> -> memref<64x128xf32, #tpu.memory_space<vmem_shared>>
    tpu.wait_dma2 semaphore(%arg20 : memref<!tpu.dma_semaphore, #tpu.memory_space<semaphore_mem>>) src(%arg10 : memref<64x128xf32, #tpu.memory_space<vmem>>) dst(%dma_wait3A_134 : memref<64x128xf32, #tpu.memory_space<vmem_shared>>)
    %add3A_135 = arith.constant 448 : i32
    %add3A_136 = arith.addi %mul3A_27, %add3A_135 : i32
    %dma_wait3A_137 = arith.constant 0 : i32
    %dma_wait3A_138 = tpu.memref_slice %arg15[%add3A_136, %dma_wait3A_137] : memref<10240x128xf32, #tpu.memory_space<vmem_shared>> -> memref<64x128xf32, #tpu.memory_space<vmem_shared>>
    %dma_wait3A_139 = arith.constant 0 : i32
    %dma_wait3A_140 = tpu.memref_slice %arg15[%add3A_136, %dma_wait3A_139] : memref<10240x128xf32, #tpu.memory_space<vmem_shared>> -> memref<64x128xf32, #tpu.memory_space<vmem_shared>>
    tpu.wait_dma2 semaphore(%arg20 : memref<!tpu.dma_semaphore, #tpu.memory_space<semaphore_mem>>) src(%arg10 : memref<64x128xf32, #tpu.memory_space<vmem>>) dst(%dma_wait3A_140 : memref<64x128xf32, #tpu.memory_space<vmem_shared>>)
    %add3A_141 = arith.constant 512 : i32
    %add3A_142 = arith.addi %mul3A_27, %add3A_141 : i32
    %dma_wait3A_143 = arith.constant 0 : i32
    %dma_wait3A_144 = tpu.memref_slice %arg15[%add3A_142, %dma_wait3A_143] : memref<10240x128xf32, #tpu.memory_space<vmem_shared>> -> memref<64x128xf32, #tpu.memory_space<vmem_shared>>
    %dma_wait3A_145 = arith.constant 0 : i32
    %dma_wait3A_146 = tpu.memref_slice %arg15[%add3A_142, %dma_wait3A_145] : memref<10240x128xf32, #tpu.memory_space<vmem_shared>> -> memref<64x128xf32, #tpu.memory_space<vmem_shared>>
    tpu.wait_dma2 semaphore(%arg20 : memref<!tpu.dma_semaphore, #tpu.memory_space<semaphore_mem>>) src(%arg10 : memref<64x128xf32, #tpu.memory_space<vmem>>) dst(%dma_wait3A_146 : memref<64x128xf32, #tpu.memory_space<vmem_shared>>)
    %add3A_147 = arith.constant 576 : i32
    %add3A_148 = arith.addi %mul3A_27, %add3A_147 : i32
    %dma_wait3A_149 = arith.constant 0 : i32
    %dma_wait3A_150 = tpu.memref_slice %arg15[%add3A_148, %dma_wait3A_149] : memref<10240x128xf32, #tpu.memory_space<vmem_shared>> -> memref<64x128xf32, #tpu.memory_space<vmem_shared>>
    %dma_wait3A_151 = arith.constant 0 : i32
    %dma_wait3A_152 = tpu.memref_slice %arg15[%add3A_148, %dma_wait3A_151] : memref<10240x128xf32, #tpu.memory_space<vmem_shared>> -> memref<64x128xf32, #tpu.memory_space<vmem_shared>>
    tpu.wait_dma2 semaphore(%arg20 : memref<!tpu.dma_semaphore, #tpu.memory_space<semaphore_mem>>) src(%arg10 : memref<64x128xf32, #tpu.memory_space<vmem>>) dst(%dma_wait3A_152 : memref<64x128xf32, #tpu.memory_space<vmem_shared>>)
    %barrier3A = arith.constant 0 : index
    tpu.barrier barrier_id(%barrier3A)
    %dma_wait3A_153 = arith.constant 0 : i32
    %dma_wait3A_154 = arith.constant 0 : i32
    %dma_wait3A_155 = arith.constant 0 : i32
    %dma_wait3A_156 = tpu.memref_slice %arg3[%dma_wait3A_153, %add3A, %dma_wait3A_154, %dma_wait3A_155] : memref<2x32x160x64xi32, #tpu.memory_space<hbm>> -> memref<1x1x8x64xi32, #tpu.memory_space<hbm>>
    %dma_wait3A_157 = tpu.memref_squeeze %dma_wait3A_156 : memref<1x1x8x64xi32, #tpu.memory_space<hbm>> -> memref<8x64xi32, #tpu.memory_space<hbm>>
    %dma_wait3A_158 = arith.constant 0 : i32
    %dma_wait3A_159 = arith.constant 0 : i32
    %dma_wait3A_160 = tpu.memref_slice %arg3[%dma_wait3A_153, %add3A, %dma_wait3A_158, %dma_wait3A_159] : memref<2x32x160x64xi32, #tpu.memory_space<hbm>> -> memref<1x1x8x64xi32, #tpu.memory_space<hbm>>
    %dma_wait3A_161 = tpu.memref_squeeze %dma_wait3A_160 : memref<1x1x8x64xi32, #tpu.memory_space<hbm>> -> memref<8x64xi32, #tpu.memory_space<hbm>>
    tpu.wait_dma2 semaphore(%arg24 : memref<!tpu.dma_semaphore, #tpu.memory_space<semaphore_mem>>) src(%dma_wait3A_161 : memref<8x64xi32, #tpu.memory_space<hbm>>) dst(%arg6 : memref<8x64xi32, #tpu.memory_space<vmem>>)
    %dma_wait3A_162 = arith.constant 1 : i32
    %dma_wait3A_163 = arith.constant 0 : i32
    %dma_wait3A_164 = arith.constant 0 : i32
    %dma_wait3A_165 = tpu.memref_slice %arg3[%dma_wait3A_162, %add3A, %dma_wait3A_163, %dma_wait3A_164] : memref<2x32x160x64xi32, #tpu.memory_space<hbm>> -> memref<1x1x8x64xi32, #tpu.memory_space<hbm>>
    %dma_wait3A_166 = tpu.memref_squeeze %dma_wait3A_165 : memref<1x1x8x64xi32, #tpu.memory_space<hbm>> -> memref<8x64xi32, #tpu.memory_space<hbm>>
    %dma_wait3A_167 = arith.constant 0 : i32
    %dma_wait3A_168 = arith.constant 0 : i32
    %dma_wait3A_169 = tpu.memref_slice %arg3[%dma_wait3A_162, %add3A, %dma_wait3A_167, %dma_wait3A_168] : memref<2x32x160x64xi32, #tpu.memory_space<hbm>> -> memref<1x1x8x64xi32, #tpu.memory_space<hbm>>
    %dma_wait3A_170 = tpu.memref_squeeze %dma_wait3A_169 : memref<1x1x8x64xi32, #tpu.memory_space<hbm>> -> memref<8x64xi32, #tpu.memory_space<hbm>>
    tpu.wait_dma2 semaphore(%arg24 : memref<!tpu.dma_semaphore, #tpu.memory_space<semaphore_mem>>) src(%dma_wait3A_170 : memref<8x64xi32, #tpu.memory_space<hbm>>) dst(%arg8 : memref<8x64xi32, #tpu.memory_space<vmem>>)
    %dma_start3A_171 = arith.constant 0 : i32
    %dma_start3A_172 = arith.constant 0 : i32
    %dma_start3A_173 = tpu.memref_slice %arg6[%dma_start3A_171, %dma_start3A_172] : memref<8x64xi32, #tpu.memory_space<vmem>> -> memref<1x64xi32, #tpu.memory_space<vmem>>
    %dma_start3A_174 = tpu.memref_squeeze %dma_start3A_173 : memref<1x64xi32, #tpu.memory_space<vmem>> -> memref<64xi32, #tpu.memory_space<vmem>>
    %dma_start3A_175 = arith.constant 0 : i32
    %dma_start3A_176 = arith.constant 0 : i32
    %dma_start3A_177 = tpu.memref_slice %arg2[%dma_start3A_175, %dma_start3A_176] : memref<10000x128xf32, #tpu.memory_space<hbm>> -> memref<10000x128xf32, #tpu.memory_space<hbm>>
    tpu.enqueue_indirect_dma source(%dma_start3A_177 : memref<10000x128xf32, #tpu.memory_space<hbm>>) target(%arg10 : memref<64x128xf32, #tpu.memory_space<vmem>>) offsets(%dma_start3A_174 : memref<64xi32, #tpu.memory_space<vmem>>) semaphore(%arg16 : memref<!tpu.dma_semaphore, #tpu.memory_space<semaphore_mem>>)
    %dma_start3A_178 = arith.constant 1 : i32
    %dma_start3A_179 = arith.constant 0 : i32
    %dma_start3A_180 = tpu.memref_slice %arg6[%dma_start3A_178, %dma_start3A_179] : memref<8x64xi32, #tpu.memory_space<vmem>> -> memref<1x64xi32, #tpu.memory_space<vmem>>
    %dma_start3A_181 = tpu.memref_squeeze %dma_start3A_180 : memref<1x64xi32, #tpu.memory_space<vmem>> -> memref<64xi32, #tpu.memory_space<vmem>>
    %dma_start3A_182 = arith.constant 0 : i32
    %dma_start3A_183 = arith.constant 0 : i32
    %dma_start3A_184 = tpu.memref_slice %arg2[%dma_start3A_182, %dma_start3A_183] : memref<10000x128xf32, #tpu.memory_space<hbm>> -> memref<10000x128xf32, #tpu.memory_space<hbm>>
    tpu.enqueue_indirect_dma source(%dma_start3A_184 : memref<10000x128xf32, #tpu.memory_space<hbm>>) target(%arg11 : memref<64x128xf32, #tpu.memory_space<vmem>>) offsets(%dma_start3A_181 : memref<64xi32, #tpu.memory_space<vmem>>) semaphore(%arg17 : memref<!tpu.dma_semaphore, #tpu.memory_space<semaphore_mem>>)
    %dma_start3A_185 = arith.constant 2 : i32
    %dma_start3A_186 = arith.constant 0 : i32
    %dma_start3A_187 = tpu.memref_slice %arg6[%dma_start3A_185, %dma_start3A_186] : memref<8x64xi32, #tpu.memory_space<vmem>> -> memref<1x64xi32, #tpu.memory_space<vmem>>
    %dma_start3A_188 = tpu.memref_squeeze %dma_start3A_187 : memref<1x64xi32, #tpu.memory_space<vmem>> -> memref<64xi32, #tpu.memory_space<vmem>>
    %dma_start3A_189 = arith.constant 0 : i32
    %dma_start3A_190 = arith.constant 0 : i32
    %dma_start3A_191 = tpu.memref_slice %arg2[%dma_start3A_189, %dma_start3A_190] : memref<10000x128xf32, #tpu.memory_space<hbm>> -> memref<10000x128xf32, #tpu.memory_space<hbm>>
    tpu.enqueue_indirect_dma source(%dma_start3A_191 : memref<10000x128xf32, #tpu.memory_space<hbm>>) target(%arg12 : memref<64x128xf32, #tpu.memory_space<vmem>>) offsets(%dma_start3A_188 : memref<64xi32, #tpu.memory_space<vmem>>) semaphore(%arg18 : memref<!tpu.dma_semaphore, #tpu.memory_space<semaphore_mem>>)
    %scan3A_192 = arith.constant 0 : i32
    %scan3A_193 = arith.constant 0 : i32
    %scan3A_194 = arith.constant 10 : i32
    %scan3A_195 = arith.addi %scan3A_193, %scan3A_194 : i32
    %scan3A_196 = arith.constant 1 : i32
    scf.for %scan3A_206 = %scan3A_193 to %scan3A_195 step %scan3A_196  : i32 {
      %mul3A_207 = arith.constant 2 : i32
      %mul3A_208 = arith.muli %scan3A_206, %mul3A_207 : i32
      %add3A_209 = arith.constant 0 : i32
      %add3A_210 = arith.addi %mul3A_208, %add3A_209 : i32
      %mul3A_211 = arith.constant 8 : i32
      %mul3A_212 = arith.muli %add3A_210, %mul3A_211 : i32
      %add3A_213 = arith.constant 0 : i32
      %add3A_214 = arith.addi %mul3A_212, %add3A_213 : i32
      %dma_wait3A_215 = arith.constant 0 : i32
      %dma_wait3A_216 = arith.constant 0 : i32
      %dma_wait3A_217 = tpu.memref_slice %arg6[%dma_wait3A_215, %dma_wait3A_216] : memref<8x64xi32, #tpu.memory_space<vmem>> -> memref<1x64xi32, #tpu.memory_space<vmem>>
      %dma_wait3A_218 = tpu.memref_squeeze %dma_wait3A_217 : memref<1x64xi32, #tpu.memory_space<vmem>> -> memref<64xi32, #tpu.memory_space<vmem>>
      %dma_wait3A_219 = arith.constant 0 : i32
      %dma_wait3A_220 = arith.constant 0 : i32
      %dma_wait3A_221 = tpu.memref_slice %arg2[%dma_wait3A_219, %dma_wait3A_220] : memref<10000x128xf32, #tpu.memory_space<hbm>> -> memref<10000x128xf32, #tpu.memory_space<hbm>>
      tpu.wait_indirect_dma semaphore(%arg16 : memref<!tpu.dma_semaphore, #tpu.memory_space<semaphore_mem>>) src(%dma_wait3A_221 : memref<10000x128xf32, #tpu.memory_space<hbm>>) dst(%arg10 : memref<64x128xf32, #tpu.memory_space<vmem>>)
      %dma_start3A_222 = arith.constant 0 : i32
      %dma_start3A_223 = arith.constant 0 : i32
      %dma_start3A_224 = tpu.memref_slice %arg8[%dma_start3A_222, %dma_start3A_223] : memref<8x64xi32, #tpu.memory_space<vmem>> -> memref<1x64xi32, #tpu.memory_space<vmem>>
      %dma_start3A_225 = tpu.memref_squeeze %dma_start3A_224 : memref<1x64xi32, #tpu.memory_space<vmem>> -> memref<64xi32, #tpu.memory_space<vmem>>
      %dma_start3A_226 = arith.constant 0 : i32
      %dma_start3A_227 = arith.constant 0 : i32
      %dma_start3A_228 = tpu.memref_slice %arg15[%dma_start3A_226, %dma_start3A_227] : memref<10240x128xf32, #tpu.memory_space<vmem_shared>> -> memref<10240x128xf32, #tpu.memory_space<vmem_shared>>
      tpu.enqueue_indirect_dma source(%arg10 : memref<64x128xf32, #tpu.memory_space<vmem>>) target(%dma_start3A_228 : memref<10240x128xf32, #tpu.memory_space<vmem_shared>>) offsets(%dma_start3A_225 : memref<64xi32, #tpu.memory_space<vmem>>) semaphore(%arg20 : memref<!tpu.dma_semaphore, #tpu.memory_space<semaphore_mem>>) {add = true}
      %get3A = arith.constant 0 : i32
      %get3A_229 = arith.index_cast %get3A : i32 to index
      %get3A_230 = arith.constant 0 : index
      %get3A_231 = tpu.vector_load %arg8[%get3A_229, %get3A_230] {strides = array<i32>} : memref<8x64xi32, #tpu.memory_space<vmem>>, vector<16xi32>,
      tpu.vector_store_idx %arg14[%get3A_231], %broadcast_in_dim3A_1 {add = true} : memref<10240xf32, #tpu.memory_space<vmem>>[vector<16xi32>], vector<16xf32>,
      %get3A_232 = arith.constant 0 : i32
      %get3A_233 = arith.index_cast %get3A_232 : i32 to index
      %get3A_234 = arith.constant 16 : index
      %get3A_235 = tpu.vector_load %arg8[%get3A_233, %get3A_234] {strides = array<i32>} : memref<8x64xi32, #tpu.memory_space<vmem>>, vector<16xi32>,
      tpu.vector_store_idx %arg14[%get3A_235], %broadcast_in_dim3A_1 {add = true} : memref<10240xf32, #tpu.memory_space<vmem>>[vector<16xi32>], vector<16xf32>,
      %get3A_236 = arith.constant 0 : i32
      %get3A_237 = arith.index_cast %get3A_236 : i32 to index
      %get3A_238 = arith.constant 32 : index
      %get3A_239 = tpu.vector_load %arg8[%get3A_237, %get3A_238] {strides = array<i32>} : memref<8x64xi32, #tpu.memory_space<vmem>>, vector<16xi32>,
      tpu.vector_store_idx %arg14[%get3A_239], %broadcast_in_dim3A_1 {add = true} : memref<10240xf32, #tpu.memory_space<vmem>>[vector<16xi32>], vector<16xf32>,
      %get3A_240 = arith.constant 0 : i32
      %get3A_241 = arith.index_cast %get3A_240 : i32 to index
      %get3A_242 = arith.constant 48 : index
      %get3A_243 = tpu.vector_load %arg8[%get3A_241, %get3A_242] {strides = array<i32>} : memref<8x64xi32, #tpu.memory_space<vmem>>, vector<16xi32>,
      tpu.vector_store_idx %arg14[%get3A_243], %broadcast_in_dim3A_1 {add = true} : memref<10240xf32, #tpu.memory_space<vmem>>[vector<16xi32>], vector<16xf32>,
      %ge3A = arith.constant 1 : i32
      %ge3A_244 = arith.cmpi sge, %add3A_214, %ge3A : i32
      %convert_element_type3A = arith.extui %ge3A_244 : i1 to i32
      %cond3A = arith.constant 0 : i32
      %cond3A_245 = arith.cmpi ne, %convert_element_type3A, %cond3A : i32
      scf.if %cond3A_245 {
        %dma_wait3A_974 = arith.constant 0 : i32
        %dma_wait3A_975 = arith.constant 0 : i32
        %dma_wait3A_976 = tpu.memref_slice %arg8[%dma_wait3A_974, %dma_wait3A_975] : memref<8x64xi32, #tpu.memory_space<vmem>> -> memref<1x64xi32, #tpu.memory_space<vmem>>
        %dma_wait3A_977 = tpu.memref_squeeze %dma_wait3A_976 : memref<1x64xi32, #tpu.memory_space<vmem>> -> memref<64xi32, #tpu.memory_space<vmem>>
        %dma_wait3A_978 = arith.constant 0 : i32
        %dma_wait3A_979 = arith.constant 0 : i32
        %dma_wait3A_980 = tpu.memref_slice %arg15[%dma_wait3A_978, %dma_wait3A_979] : memref<10240x128xf32, #tpu.memory_space<vmem_shared>> -> memref<10240x128xf32, #tpu.memory_space<vmem_shared>>
        tpu.wait_indirect_dma semaphore(%arg23 : memref<!tpu.dma_semaphore, #tpu.memory_space<semaphore_mem>>) src(%arg13 : memref<64x128xf32, #tpu.memory_space<vmem>>) dst(%dma_wait3A_980 : memref<10240x128xf32, #tpu.memory_space<vmem_shared>>)
      } else {
      }
      %dma_start3A_246 = arith.constant 3 : i32
      %dma_start3A_247 = arith.constant 0 : i32
      %dma_start3A_248 = tpu.memref_slice %arg6[%dma_start3A_246, %dma_start3A_247] : memref<8x64xi32, #tpu.memory_space<vmem>> -> memref<1x64xi32, #tpu.memory_space<vmem>>
      %dma_start3A_249 = tpu.memref_squeeze %dma_start3A_248 : memref<1x64xi32, #tpu.memory_space<vmem>> -> memref<64xi32, #tpu.memory_space<vmem>>
      %dma_start3A_250 = arith.constant 0 : i32
      %dma_start3A_251 = arith.constant 0 : i32
      %dma_start3A_252 = tpu.memref_slice %arg2[%dma_start3A_250, %dma_start3A_251] : memref<10000x128xf32, #tpu.memory_space<hbm>> -> memref<10000x128xf32, #tpu.memory_space<hbm>>
      tpu.enqueue_indirect_dma source(%dma_start3A_252 : memref<10000x128xf32, #tpu.memory_space<hbm>>) target(%arg13 : memref<64x128xf32, #tpu.memory_space<vmem>>) offsets(%dma_start3A_249 : memref<64xi32, #tpu.memory_space<vmem>>) semaphore(%arg19 : memref<!tpu.dma_semaphore, #tpu.memory_space<semaphore_mem>>)
      %mul3A_253 = arith.constant 8 : i32
      %mul3A_254 = arith.muli %add3A_210, %mul3A_253 : i32
      %add3A_255 = arith.constant 1 : i32
      %add3A_256 = arith.addi %mul3A_254, %add3A_255 : i32
      %dma_wait3A_257 = arith.constant 1 : i32
      %dma_wait3A_258 = arith.constant 0 : i32
      %dma_wait3A_259 = tpu.memref_slice %arg6[%dma_wait3A_257, %dma_wait3A_258] : memref<8x64xi32, #tpu.memory_space<vmem>> -> memref<1x64xi32, #tpu.memory_space<vmem>>
      %dma_wait3A_260 = tpu.memref_squeeze %dma_wait3A_259 : memref<1x64xi32, #tpu.memory_space<vmem>> -> memref<64xi32, #tpu.memory_space<vmem>>
      %dma_wait3A_261 = arith.constant 0 : i32
      %dma_wait3A_262 = arith.constant 0 : i32
      %dma_wait3A_263 = tpu.memref_slice %arg2[%dma_wait3A_261, %dma_wait3A_262] : memref<10000x128xf32, #tpu.memory_space<hbm>> -> memref<10000x128xf32, #tpu.memory_space<hbm>>
      tpu.wait_indirect_dma semaphore(%arg17 : memref<!tpu.dma_semaphore, #tpu.memory_space<semaphore_mem>>) src(%dma_wait3A_263 : memref<10000x128xf32, #tpu.memory_space<hbm>>) dst(%arg11 : memref<64x128xf32, #tpu.memory_space<vmem>>)
      %dma_start3A_264 = arith.constant 1 : i32
      %dma_start3A_265 = arith.constant 0 : i32
      %dma_start3A_266 = tpu.memref_slice %arg8[%dma_start3A_264, %dma_start3A_265] : memref<8x64xi32, #tpu.memory_space<vmem>> -> memref<1x64xi32, #tpu.memory_space<vmem>>
      %dma_start3A_267 = tpu.memref_squeeze %dma_start3A_266 : memref<1x64xi32, #tpu.memory_space<vmem>> -> memref<64xi32, #tpu.memory_space<vmem>>
      %dma_start3A_268 = arith.constant 0 : i32
      %dma_start3A_269 = arith.constant 0 : i32
      %dma_start3A_270 = tpu.memref_slice %arg15[%dma_start3A_268, %dma_start3A_269] : memref<10240x128xf32, #tpu.memory_space<vmem_shared>> -> memref<10240x128xf32, #tpu.memory_space<vmem_shared>>
      tpu.enqueue_indirect_dma source(%arg11 : memref<64x128xf32, #tpu.memory_space<vmem>>) target(%dma_start3A_270 : memref<10240x128xf32, #tpu.memory_space<vmem_shared>>) offsets(%dma_start3A_267 : memref<64xi32, #tpu.memory_space<vmem>>) semaphore(%arg21 : memref<!tpu.dma_semaphore, #tpu.memory_space<semaphore_mem>>) {add = true}
      %get3A_271 = arith.constant 1 : i32
      %get3A_272 = arith.index_cast %get3A_271 : i32 to index
      %get3A_273 = arith.constant 0 : index
      %get3A_274 = tpu.vector_load %arg8[%get3A_272, %get3A_273] {strides = array<i32>} : memref<8x64xi32, #tpu.memory_space<vmem>>, vector<16xi32>,
      tpu.vector_store_idx %arg14[%get3A_274], %broadcast_in_dim3A_1 {add = true} : memref<10240xf32, #tpu.memory_space<vmem>>[vector<16xi32>], vector<16xf32>,
      %get3A_275 = arith.constant 1 : i32
      %get3A_276 = arith.index_cast %get3A_275 : i32 to index
      %get3A_277 = arith.constant 16 : index
      %get3A_278 = tpu.vector_load %arg8[%get3A_276, %get3A_277] {strides = array<i32>} : memref<8x64xi32, #tpu.memory_space<vmem>>, vector<16xi32>,
      tpu.vector_store_idx %arg14[%get3A_278], %broadcast_in_dim3A_1 {add = true} : memref<10240xf32, #tpu.memory_space<vmem>>[vector<16xi32>], vector<16xf32>,
      %get3A_279 = arith.constant 1 : i32
      %get3A_280 = arith.index_cast %get3A_279 : i32 to index
      %get3A_281 = arith.constant 32 : index
      %get3A_282 = tpu.vector_load %arg8[%get3A_280, %get3A_281] {strides = array<i32>} : memref<8x64xi32, #tpu.memory_space<vmem>>, vector<16xi32>,
      tpu.vector_store_idx %arg14[%get3A_282], %broadcast_in_dim3A_1 {add = true} : memref<10240xf32, #tpu.memory_space<vmem>>[vector<16xi32>], vector<16xf32>,
      %get3A_283 = arith.constant 1 : i32
      %get3A_284 = arith.index_cast %get3A_283 : i32 to index
      %get3A_285 = arith.constant 48 : index
      %get3A_286 = tpu.vector_load %arg8[%get3A_284, %get3A_285] {strides = array<i32>} : memref<8x64xi32, #tpu.memory_space<vmem>>, vector<16xi32>,
      tpu.vector_store_idx %arg14[%get3A_286], %broadcast_in_dim3A_1 {add = true} : memref<10240xf32, #tpu.memory_space<vmem>>[vector<16xi32>], vector<16xf32>,
      %ge3A_287 = arith.constant 1 : i32
      %ge3A_288 = arith.cmpi sge, %add3A_256, %ge3A_287 : i32
      %convert_element_type3A_289 = arith.extui %ge3A_288 : i1 to i32
      %cond3A_290 = arith.constant 0 : i32
      %cond3A_291 = arith.cmpi ne, %convert_element_type3A_289, %cond3A_290 : i32
      scf.if %cond3A_291 {
        %dma_wait3A_974 = arith.constant 1 : i32
        %dma_wait3A_975 = arith.constant 0 : i32
        %dma_wait3A_976 = tpu.memref_slice %arg8[%dma_wait3A_974, %dma_wait3A_975] : memref<8x64xi32, #tpu.memory_space<vmem>> -> memref<1x64xi32, #tpu.memory_space<vmem>>
        %dma_wait3A_977 = tpu.memref_squeeze %dma_wait3A_976 : memref<1x64xi32, #tpu.memory_space<vmem>> -> memref<64xi32, #tpu.memory_space<vmem>>
        %dma_wait3A_978 = arith.constant 0 : i32
        %dma_wait3A_979 = arith.constant 0 : i32
        %dma_wait3A_980 = tpu.memref_slice %arg15[%dma_wait3A_978, %dma_wait3A_979] : memref<10240x128xf32, #tpu.memory_space<vmem_shared>> -> memref<10240x128xf32, #tpu.memory_space<vmem_shared>>
        tpu.wait_indirect_dma semaphore(%arg20 : memref<!tpu.dma_semaphore, #tpu.memory_space<semaphore_mem>>) src(%arg10 : memref<64x128xf32, #tpu.memory_space<vmem>>) dst(%dma_wait3A_980 : memref<10240x128xf32, #tpu.memory_space<vmem_shared>>)
      } else {
      }
      %dma_start3A_292 = arith.constant 4 : i32
      %dma_start3A_293 = arith.constant 0 : i32
      %dma_start3A_294 = tpu.memref_slice %arg6[%dma_start3A_292, %dma_start3A_293] : memref<8x64xi32, #tpu.memory_space<vmem>> -> memref<1x64xi32, #tpu.memory_space<vmem>>
      %dma_start3A_295 = tpu.memref_squeeze %dma_start3A_294 : memref<1x64xi32, #tpu.memory_space<vmem>> -> memref<64xi32, #tpu.memory_space<vmem>>
      %dma_start3A_296 = arith.constant 0 : i32
      %dma_start3A_297 = arith.constant 0 : i32
      %dma_start3A_298 = tpu.memref_slice %arg2[%dma_start3A_296, %dma_start3A_297] : memref<10000x128xf32, #tpu.memory_space<hbm>> -> memref<10000x128xf32, #tpu.memory_space<hbm>>
      tpu.enqueue_indirect_dma source(%dma_start3A_298 : memref<10000x128xf32, #tpu.memory_space<hbm>>) target(%arg10 : memref<64x128xf32, #tpu.memory_space<vmem>>) offsets(%dma_start3A_295 : memref<64xi32, #tpu.memory_space<vmem>>) semaphore(%arg16 : memref<!tpu.dma_semaphore, #tpu.memory_space<semaphore_mem>>)
      %mul3A_299 = arith.constant 8 : i32
      %mul3A_300 = arith.muli %add3A_210, %mul3A_299 : i32
      %add3A_301 = arith.constant 2 : i32
      %add3A_302 = arith.addi %mul3A_300, %add3A_301 : i32
      %dma_wait3A_303 = arith.constant 2 : i32
      %dma_wait3A_304 = arith.constant 0 : i32
      %dma_wait3A_305 = tpu.memref_slice %arg6[%dma_wait3A_303, %dma_wait3A_304] : memref<8x64xi32, #tpu.memory_space<vmem>> -> memref<1x64xi32, #tpu.memory_space<vmem>>
      %dma_wait3A_306 = tpu.memref_squeeze %dma_wait3A_305 : memref<1x64xi32, #tpu.memory_space<vmem>> -> memref<64xi32, #tpu.memory_space<vmem>>
      %dma_wait3A_307 = arith.constant 0 : i32
      %dma_wait3A_308 = arith.constant 0 : i32
      %dma_wait3A_309 = tpu.memref_slice %arg2[%dma_wait3A_307, %dma_wait3A_308] : memref<10000x128xf32, #tpu.memory_space<hbm>> -> memref<10000x128xf32, #tpu.memory_space<hbm>>
      tpu.wait_indirect_dma semaphore(%arg18 : memref<!tpu.dma_semaphore, #tpu.memory_space<semaphore_mem>>) src(%dma_wait3A_309 : memref<10000x128xf32, #tpu.memory_space<hbm>>) dst(%arg12 : memref<64x128xf32, #tpu.memory_space<vmem>>)
      %dma_start3A_310 = arith.constant 2 : i32
      %dma_start3A_311 = arith.constant 0 : i32
      %dma_start3A_312 = tpu.memref_slice %arg8[%dma_start3A_310, %dma_start3A_311] : memref<8x64xi32, #tpu.memory_space<vmem>> -> memref<1x64xi32, #tpu.memory_space<vmem>>
      %dma_start3A_313 = tpu.memref_squeeze %dma_start3A_312 : memref<1x64xi32, #tpu.memory_space<vmem>> -> memref<64xi32, #tpu.memory_space<vmem>>
      %dma_start3A_314 = arith.constant 0 : i32
      %dma_start3A_315 = arith.constant 0 : i32
      %dma_start3A_316 = tpu.memref_slice %arg15[%dma_start3A_314, %dma_start3A_315] : memref<10240x128xf32, #tpu.memory_space<vmem_shared>> -> memref<10240x128xf32, #tpu.memory_space<vmem_shared>>
      tpu.enqueue_indirect_dma source(%arg12 : memref<64x128xf32, #tpu.memory_space<vmem>>) target(%dma_start3A_316 : memref<10240x128xf32, #tpu.memory_space<vmem_shared>>) offsets(%dma_start3A_313 : memref<64xi32, #tpu.memory_space<vmem>>) semaphore(%arg22 : memref<!tpu.dma_semaphore, #tpu.memory_space<semaphore_mem>>) {add = true}
      %get3A_317 = arith.constant 2 : i32
      %get3A_318 = arith.index_cast %get3A_317 : i32 to index
      %get3A_319 = arith.constant 0 : index
      %get3A_320 = tpu.vector_load %arg8[%get3A_318, %get3A_319] {strides = array<i32>} : memref<8x64xi32, #tpu.memory_space<vmem>>, vector<16xi32>,
      tpu.vector_store_idx %arg14[%get3A_320], %broadcast_in_dim3A_1 {add = true} : memref<10240xf32, #tpu.memory_space<vmem>>[vector<16xi32>], vector<16xf32>,
      %get3A_321 = arith.constant 2 : i32
      %get3A_322 = arith.index_cast %get3A_321 : i32 to index
      %get3A_323 = arith.constant 16 : index
      %get3A_324 = tpu.vector_load %arg8[%get3A_322, %get3A_323] {strides = array<i32>} : memref<8x64xi32, #tpu.memory_space<vmem>>, vector<16xi32>,
      tpu.vector_store_idx %arg14[%get3A_324], %broadcast_in_dim3A_1 {add = true} : memref<10240xf32, #tpu.memory_space<vmem>>[vector<16xi32>], vector<16xf32>,
      %get3A_325 = arith.constant 2 : i32
      %get3A_326 = arith.index_cast %get3A_325 : i32 to index
      %get3A_327 = arith.constant 32 : index
      %get3A_328 = tpu.vector_load %arg8[%get3A_326, %get3A_327] {strides = array<i32>} : memref<8x64xi32, #tpu.memory_space<vmem>>, vector<16xi32>,
      tpu.vector_store_idx %arg14[%get3A_328], %broadcast_in_dim3A_1 {add = true} : memref<10240xf32, #tpu.memory_space<vmem>>[vector<16xi32>], vector<16xf32>,
      %get3A_329 = arith.constant 2 : i32
      %get3A_330 = arith.index_cast %get3A_329 : i32 to index
      %get3A_331 = arith.constant 48 : index
      %get3A_332 = tpu.vector_load %arg8[%get3A_330, %get3A_331] {strides = array<i32>} : memref<8x64xi32, #tpu.memory_space<vmem>>, vector<16xi32>,
      tpu.vector_store_idx %arg14[%get3A_332], %broadcast_in_dim3A_1 {add = true} : memref<10240xf32, #tpu.memory_space<vmem>>[vector<16xi32>], vector<16xf32>,
      %add3A_333 = arith.constant 1 : i32
      %add3A_334 = arith.addi %add3A_210, %add3A_333 : i32
      %lt3A = arith.constant 20 : i32
      %lt3A_335 = arith.cmpi slt, %add3A_334, %lt3A : i32
      %convert_element_type3A_336 = arith.extui %lt3A_335 : i1 to i32
      %cond3A_337 = arith.constant 0 : i32
      %cond3A_338 = arith.cmpi ne, %convert_element_type3A_336, %cond3A_337 : i32
      scf.if %cond3A_338 {
        %add3A_974 = arith.constant 1 : i32
        %add3A_975 = arith.addi %add3A_210, %add3A_974 : i32
        %mul3A_976 = arith.constant 8 : i32
        %mul3A_977 = arith.muli %add3A_975, %mul3A_976 : i32
        %dma_start3A_978 = arith.constant 0 : i32
        %dma_start3A_979 = arith.constant 0 : i32
        %dma_start3A_980 = tpu.memref_slice %arg3[%dma_start3A_978, %add3A, %mul3A_977, %dma_start3A_979] : memref<2x32x160x64xi32, #tpu.memory_space<hbm>> -> memref<1x1x8x64xi32, #tpu.memory_space<hbm>>
        %dma_start3A_981 = tpu.memref_squeeze %dma_start3A_980 : memref<1x1x8x64xi32, #tpu.memory_space<hbm>> -> memref<8x64xi32, #tpu.memory_space<hbm>>
        %dma_start3A_982 = arith.constant 0 : i32
        %dma_start3A_983 = tpu.memref_slice %arg3[%dma_start3A_978, %add3A, %mul3A_977, %dma_start3A_982] : memref<2x32x160x64xi32, #tpu.memory_space<hbm>> -> memref<1x1x8x64xi32, #tpu.memory_space<hbm>>
        %dma_start3A_984 = tpu.memref_squeeze %dma_start3A_983 : memref<1x1x8x64xi32, #tpu.memory_space<hbm>> -> memref<8x64xi32, #tpu.memory_space<hbm>>
        tpu.enqueue_dma source(%dma_start3A_984 : memref<8x64xi32, #tpu.memory_space<hbm>>) target(%arg7 : memref<8x64xi32, #tpu.memory_space<vmem>>) target_semaphore(%arg25 : memref<!tpu.dma_semaphore, #tpu.memory_space<semaphore_mem>>)
        %mul3A_985 = arith.constant 8 : i32
        %mul3A_986 = arith.muli %add3A_975, %mul3A_985 : i32
        %dma_start3A_987 = arith.constant 1 : i32
        %dma_start3A_988 = arith.constant 0 : i32
        %dma_start3A_989 = tpu.memref_slice %arg3[%dma_start3A_987, %add3A, %mul3A_986, %dma_start3A_988] : memref<2x32x160x64xi32, #tpu.memory_space<hbm>> -> memref<1x1x8x64xi32, #tpu.memory_space<hbm>>
        %dma_start3A_990 = tpu.memref_squeeze %dma_start3A_989 : memref<1x1x8x64xi32, #tpu.memory_space<hbm>> -> memref<8x64xi32, #tpu.memory_space<hbm>>
        %dma_start3A_991 = arith.constant 0 : i32
        %dma_start3A_992 = tpu.memref_slice %arg3[%dma_start3A_987, %add3A, %mul3A_986, %dma_start3A_991] : memref<2x32x160x64xi32, #tpu.memory_space<hbm>> -> memref<1x1x8x64xi32, #tpu.memory_space<hbm>>
        %dma_start3A_993 = tpu.memref_squeeze %dma_start3A_992 : memref<1x1x8x64xi32, #tpu.memory_space<hbm>> -> memref<8x64xi32, #tpu.memory_space<hbm>>
        tpu.enqueue_dma source(%dma_start3A_993 : memref<8x64xi32, #tpu.memory_space<hbm>>) target(%arg9 : memref<8x64xi32, #tpu.memory_space<vmem>>) target_semaphore(%arg25 : memref<!tpu.dma_semaphore, #tpu.memory_space<semaphore_mem>>)
      } else {
      }
      %ge3A_339 = arith.constant 1 : i32
      %ge3A_340 = arith.cmpi sge, %add3A_302, %ge3A_339 : i32
      %convert_element_type3A_341 = arith.extui %ge3A_340 : i1 to i32
      %cond3A_342 = arith.constant 0 : i32
      %cond3A_343 = arith.cmpi ne, %convert_element_type3A_341, %cond3A_342 : i32
      scf.if %cond3A_343 {
        %dma_wait3A_974 = arith.constant 2 : i32
        %dma_wait3A_975 = arith.constant 0 : i32
        %dma_wait3A_976 = tpu.memref_slice %arg8[%dma_wait3A_974, %dma_wait3A_975] : memref<8x64xi32, #tpu.memory_space<vmem>> -> memref<1x64xi32, #tpu.memory_space<vmem>>
        %dma_wait3A_977 = tpu.memref_squeeze %dma_wait3A_976 : memref<1x64xi32, #tpu.memory_space<vmem>> -> memref<64xi32, #tpu.memory_space<vmem>>
        %dma_wait3A_978 = arith.constant 0 : i32
        %dma_wait3A_979 = arith.constant 0 : i32
        %dma_wait3A_980 = tpu.memref_slice %arg15[%dma_wait3A_978, %dma_wait3A_979] : memref<10240x128xf32, #tpu.memory_space<vmem_shared>> -> memref<10240x128xf32, #tpu.memory_space<vmem_shared>>
        tpu.wait_indirect_dma semaphore(%arg21 : memref<!tpu.dma_semaphore, #tpu.memory_space<semaphore_mem>>) src(%arg11 : memref<64x128xf32, #tpu.memory_space<vmem>>) dst(%dma_wait3A_980 : memref<10240x128xf32, #tpu.memory_space<vmem_shared>>)
      } else {
      }
      %dma_start3A_344 = arith.constant 5 : i32
      %dma_start3A_345 = arith.constant 0 : i32
      %dma_start3A_346 = tpu.memref_slice %arg6[%dma_start3A_344, %dma_start3A_345] : memref<8x64xi32, #tpu.memory_space<vmem>> -> memref<1x64xi32, #tpu.memory_space<vmem>>
      %dma_start3A_347 = tpu.memref_squeeze %dma_start3A_346 : memref<1x64xi32, #tpu.memory_space<vmem>> -> memref<64xi32, #tpu.memory_space<vmem>>
      %dma_start3A_348 = arith.constant 0 : i32
      %dma_start3A_349 = arith.constant 0 : i32
      %dma_start3A_350 = tpu.memref_slice %arg2[%dma_start3A_348, %dma_start3A_349] : memref<10000x128xf32, #tpu.memory_space<hbm>> -> memref<10000x128xf32, #tpu.memory_space<hbm>>
      tpu.enqueue_indirect_dma source(%dma_start3A_350 : memref<10000x128xf32, #tpu.memory_space<hbm>>) target(%arg11 : memref<64x128xf32, #tpu.memory_space<vmem>>) offsets(%dma_start3A_347 : memref<64xi32, #tpu.memory_space<vmem>>) semaphore(%arg17 : memref<!tpu.dma_semaphore, #tpu.memory_space<semaphore_mem>>)
      %mul3A_351 = arith.constant 8 : i32
      %mul3A_352 = arith.muli %add3A_210, %mul3A_351 : i32
      %add3A_353 = arith.constant 3 : i32
      %add3A_354 = arith.addi %mul3A_352, %add3A_353 : i32
      %dma_wait3A_355 = arith.constant 3 : i32
      %dma_wait3A_356 = arith.constant 0 : i32
      %dma_wait3A_357 = tpu.memref_slice %arg6[%dma_wait3A_355, %dma_wait3A_356] : memref<8x64xi32, #tpu.memory_space<vmem>> -> memref<1x64xi32, #tpu.memory_space<vmem>>
      %dma_wait3A_358 = tpu.memref_squeeze %dma_wait3A_357 : memref<1x64xi32, #tpu.memory_space<vmem>> -> memref<64xi32, #tpu.memory_space<vmem>>
      %dma_wait3A_359 = arith.constant 0 : i32
      %dma_wait3A_360 = arith.constant 0 : i32
      %dma_wait3A_361 = tpu.memref_slice %arg2[%dma_wait3A_359, %dma_wait3A_360] : memref<10000x128xf32, #tpu.memory_space<hbm>> -> memref<10000x128xf32, #tpu.memory_space<hbm>>
      tpu.wait_indirect_dma semaphore(%arg19 : memref<!tpu.dma_semaphore, #tpu.memory_space<semaphore_mem>>) src(%dma_wait3A_361 : memref<10000x128xf32, #tpu.memory_space<hbm>>) dst(%arg13 : memref<64x128xf32, #tpu.memory_space<vmem>>)
      %dma_start3A_362 = arith.constant 3 : i32
      %dma_start3A_363 = arith.constant 0 : i32
      %dma_start3A_364 = tpu.memref_slice %arg8[%dma_start3A_362, %dma_start3A_363] : memref<8x64xi32, #tpu.memory_space<vmem>> -> memref<1x64xi32, #tpu.memory_space<vmem>>
      %dma_start3A_365 = tpu.memref_squeeze %dma_start3A_364 : memref<1x64xi32, #tpu.memory_space<vmem>> -> memref<64xi32, #tpu.memory_space<vmem>>
      %dma_start3A_366 = arith.constant 0 : i32
      %dma_start3A_367 = arith.constant 0 : i32
      %dma_start3A_368 = tpu.memref_slice %arg15[%dma_start3A_366, %dma_start3A_367] : memref<10240x128xf32, #tpu.memory_space<vmem_shared>> -> memref<10240x128xf32, #tpu.memory_space<vmem_shared>>
      tpu.enqueue_indirect_dma source(%arg13 : memref<64x128xf32, #tpu.memory_space<vmem>>) target(%dma_start3A_368 : memref<10240x128xf32, #tpu.memory_space<vmem_shared>>) offsets(%dma_start3A_365 : memref<64xi32, #tpu.memory_space<vmem>>) semaphore(%arg23 : memref<!tpu.dma_semaphore, #tpu.memory_space<semaphore_mem>>) {add = true}
      %get3A_369 = arith.constant 3 : i32
      %get3A_370 = arith.index_cast %get3A_369 : i32 to index
      %get3A_371 = arith.constant 0 : index
      %get3A_372 = tpu.vector_load %arg8[%get3A_370, %get3A_371] {strides = array<i32>} : memref<8x64xi32, #tpu.memory_space<vmem>>, vector<16xi32>,
      tpu.vector_store_idx %arg14[%get3A_372], %broadcast_in_dim3A_1 {add = true} : memref<10240xf32, #tpu.memory_space<vmem>>[vector<16xi32>], vector<16xf32>,
      %get3A_373 = arith.constant 3 : i32
      %get3A_374 = arith.index_cast %get3A_373 : i32 to index
      %get3A_375 = arith.constant 16 : index
      %get3A_376 = tpu.vector_load %arg8[%get3A_374, %get3A_375] {strides = array<i32>} : memref<8x64xi32, #tpu.memory_space<vmem>>, vector<16xi32>,
      tpu.vector_store_idx %arg14[%get3A_376], %broadcast_in_dim3A_1 {add = true} : memref<10240xf32, #tpu.memory_space<vmem>>[vector<16xi32>], vector<16xf32>,
      %get3A_377 = arith.constant 3 : i32
      %get3A_378 = arith.index_cast %get3A_377 : i32 to index
      %get3A_379 = arith.constant 32 : index
      %get3A_380 = tpu.vector_load %arg8[%get3A_378, %get3A_379] {strides = array<i32>} : memref<8x64xi32, #tpu.memory_space<vmem>>, vector<16xi32>,
      tpu.vector_store_idx %arg14[%get3A_380], %broadcast_in_dim3A_1 {add = true} : memref<10240xf32, #tpu.memory_space<vmem>>[vector<16xi32>], vector<16xf32>,
      %get3A_381 = arith.constant 3 : i32
      %get3A_382 = arith.index_cast %get3A_381 : i32 to index
      %get3A_383 = arith.constant 48 : index
      %get3A_384 = tpu.vector_load %arg8[%get3A_382, %get3A_383] {strides = array<i32>} : memref<8x64xi32, #tpu.memory_space<vmem>>, vector<16xi32>,
      tpu.vector_store_idx %arg14[%get3A_384], %broadcast_in_dim3A_1 {add = true} : memref<10240xf32, #tpu.memory_space<vmem>>[vector<16xi32>], vector<16xf32>,
      %ge3A_385 = arith.constant 1 : i32
      %ge3A_386 = arith.cmpi sge, %add3A_354, %ge3A_385 : i32
      %convert_element_type3A_387 = arith.extui %ge3A_386 : i1 to i32
      %cond3A_388 = arith.constant 0 : i32
      %cond3A_389 = arith.cmpi ne, %convert_element_type3A_387, %cond3A_388 : i32
      scf.if %cond3A_389 {
        %dma_wait3A_974 = arith.constant 3 : i32
        %dma_wait3A_975 = arith.constant 0 : i32
        %dma_wait3A_976 = tpu.memref_slice %arg8[%dma_wait3A_974, %dma_wait3A_975] : memref<8x64xi32, #tpu.memory_space<vmem>> -> memref<1x64xi32, #tpu.memory_space<vmem>>
        %dma_wait3A_977 = tpu.memref_squeeze %dma_wait3A_976 : memref<1x64xi32, #tpu.memory_space<vmem>> -> memref<64xi32, #tpu.memory_space<vmem>>
        %dma_wait3A_978 = arith.constant 0 : i32
        %dma_wait3A_979 = arith.constant 0 : i32
        %dma_wait3A_980 = tpu.memref_slice %arg15[%dma_wait3A_978, %dma_wait3A_979] : memref<10240x128xf32, #tpu.memory_space<vmem_shared>> -> memref<10240x128xf32, #tpu.memory_space<vmem_shared>>
        tpu.wait_indirect_dma semaphore(%arg22 : memref<!tpu.dma_semaphore, #tpu.memory_space<semaphore_mem>>) src(%arg12 : memref<64x128xf32, #tpu.memory_space<vmem>>) dst(%dma_wait3A_980 : memref<10240x128xf32, #tpu.memory_space<vmem_shared>>)
      } else {
      }
      %dma_start3A_390 = arith.constant 6 : i32
      %dma_start3A_391 = arith.constant 0 : i32
      %dma_start3A_392 = tpu.memref_slice %arg6[%dma_start3A_390, %dma_start3A_391] : memref<8x64xi32, #tpu.memory_space<vmem>> -> memref<1x64xi32, #tpu.memory_space<vmem>>
      %dma_start3A_393 = tpu.memref_squeeze %dma_start3A_392 : memref<1x64xi32, #tpu.memory_space<vmem>> -> memref<64xi32, #tpu.memory_space<vmem>>
      %dma_start3A_394 = arith.constant 0 : i32
      %dma_start3A_395 = arith.constant 0 : i32
      %dma_start3A_396 = tpu.memref_slice %arg2[%dma_start3A_394, %dma_start3A_395] : memref<10000x128xf32, #tpu.memory_space<hbm>> -> memref<10000x128xf32, #tpu.memory_space<hbm>>
      tpu.enqueue_indirect_dma source(%dma_start3A_396 : memref<10000x128xf32, #tpu.memory_space<hbm>>) target(%arg12 : memref<64x128xf32, #tpu.memory_space<vmem>>) offsets(%dma_start3A_393 : memref<64xi32, #tpu.memory_space<vmem>>) semaphore(%arg18 : memref<!tpu.dma_semaphore, #tpu.memory_space<semaphore_mem>>)
      %mul3A_397 = arith.constant 8 : i32
      %mul3A_398 = arith.muli %add3A_210, %mul3A_397 : i32
      %add3A_399 = arith.constant 4 : i32
      %add3A_400 = arith.addi %mul3A_398, %add3A_399 : i32
      %dma_wait3A_401 = arith.constant 4 : i32
      %dma_wait3A_402 = arith.constant 0 : i32
      %dma_wait3A_403 = tpu.memref_slice %arg6[%dma_wait3A_401, %dma_wait3A_402] : memref<8x64xi32, #tpu.memory_space<vmem>> -> memref<1x64xi32, #tpu.memory_space<vmem>>
      %dma_wait3A_404 = tpu.memref_squeeze %dma_wait3A_403 : memref<1x64xi32, #tpu.memory_space<vmem>> -> memref<64xi32, #tpu.memory_space<vmem>>
      %dma_wait3A_405 = arith.constant 0 : i32
      %dma_wait3A_406 = arith.constant 0 : i32
      %dma_wait3A_407 = tpu.memref_slice %arg2[%dma_wait3A_405, %dma_wait3A_406] : memref<10000x128xf32, #tpu.memory_space<hbm>> -> memref<10000x128xf32, #tpu.memory_space<hbm>>
      tpu.wait_indirect_dma semaphore(%arg16 : memref<!tpu.dma_semaphore, #tpu.memory_space<semaphore_mem>>) src(%dma_wait3A_407 : memref<10000x128xf32, #tpu.memory_space<hbm>>) dst(%arg10 : memref<64x128xf32, #tpu.memory_space<vmem>>)
      %dma_start3A_408 = arith.constant 4 : i32
      %dma_start3A_409 = arith.constant 0 : i32
      %dma_start3A_410 = tpu.memref_slice %arg8[%dma_start3A_408, %dma_start3A_409] : memref<8x64xi32, #tpu.memory_space<vmem>> -> memref<1x64xi32, #tpu.memory_space<vmem>>
      %dma_start3A_411 = tpu.memref_squeeze %dma_start3A_410 : memref<1x64xi32, #tpu.memory_space<vmem>> -> memref<64xi32, #tpu.memory_space<vmem>>
      %dma_start3A_412 = arith.constant 0 : i32
      %dma_start3A_413 = arith.constant 0 : i32
      %dma_start3A_414 = tpu.memref_slice %arg15[%dma_start3A_412, %dma_start3A_413] : memref<10240x128xf32, #tpu.memory_space<vmem_shared>> -> memref<10240x128xf32, #tpu.memory_space<vmem_shared>>
      tpu.enqueue_indirect_dma source(%arg10 : memref<64x128xf32, #tpu.memory_space<vmem>>) target(%dma_start3A_414 : memref<10240x128xf32, #tpu.memory_space<vmem_shared>>) offsets(%dma_start3A_411 : memref<64xi32, #tpu.memory_space<vmem>>) semaphore(%arg20 : memref<!tpu.dma_semaphore, #tpu.memory_space<semaphore_mem>>) {add = true}
      %get3A_415 = arith.constant 4 : i32
      %get3A_416 = arith.index_cast %get3A_415 : i32 to index
      %get3A_417 = arith.constant 0 : index
      %get3A_418 = tpu.vector_load %arg8[%get3A_416, %get3A_417] {strides = array<i32>} : memref<8x64xi32, #tpu.memory_space<vmem>>, vector<16xi32>,
      tpu.vector_store_idx %arg14[%get3A_418], %broadcast_in_dim3A_1 {add = true} : memref<10240xf32, #tpu.memory_space<vmem>>[vector<16xi32>], vector<16xf32>,
      %get3A_419 = arith.constant 4 : i32
      %get3A_420 = arith.index_cast %get3A_419 : i32 to index
      %get3A_421 = arith.constant 16 : index
      %get3A_422 = tpu.vector_load %arg8[%get3A_420, %get3A_421] {strides = array<i32>} : memref<8x64xi32, #tpu.memory_space<vmem>>, vector<16xi32>,
      tpu.vector_store_idx %arg14[%get3A_422], %broadcast_in_dim3A_1 {add = true} : memref<10240xf32, #tpu.memory_space<vmem>>[vector<16xi32>], vector<16xf32>,
      %get3A_423 = arith.constant 4 : i32
      %get3A_424 = arith.index_cast %get3A_423 : i32 to index
      %get3A_425 = arith.constant 32 : index
      %get3A_426 = tpu.vector_load %arg8[%get3A_424, %get3A_425] {strides = array<i32>} : memref<8x64xi32, #tpu.memory_space<vmem>>, vector<16xi32>,
      tpu.vector_store_idx %arg14[%get3A_426], %broadcast_in_dim3A_1 {add = true} : memref<10240xf32, #tpu.memory_space<vmem>>[vector<16xi32>], vector<16xf32>,
      %get3A_427 = arith.constant 4 : i32
      %get3A_428 = arith.index_cast %get3A_427 : i32 to index
      %get3A_429 = arith.constant 48 : index
      %get3A_430 = tpu.vector_load %arg8[%get3A_428, %get3A_429] {strides = array<i32>} : memref<8x64xi32, #tpu.memory_space<vmem>>, vector<16xi32>,
      tpu.vector_store_idx %arg14[%get3A_430], %broadcast_in_dim3A_1 {add = true} : memref<10240xf32, #tpu.memory_space<vmem>>[vector<16xi32>], vector<16xf32>,
      %ge3A_431 = arith.constant 1 : i32
      %ge3A_432 = arith.cmpi sge, %add3A_400, %ge3A_431 : i32
      %convert_element_type3A_433 = arith.extui %ge3A_432 : i1 to i32
      %cond3A_434 = arith.constant 0 : i32
      %cond3A_435 = arith.cmpi ne, %convert_element_type3A_433, %cond3A_434 : i32
      scf.if %cond3A_435 {
        %dma_wait3A_974 = arith.constant 4 : i32
        %dma_wait3A_975 = arith.constant 0 : i32
        %dma_wait3A_976 = tpu.memref_slice %arg8[%dma_wait3A_974, %dma_wait3A_975] : memref<8x64xi32, #tpu.memory_space<vmem>> -> memref<1x64xi32, #tpu.memory_space<vmem>>
        %dma_wait3A_977 = tpu.memref_squeeze %dma_wait3A_976 : memref<1x64xi32, #tpu.memory_space<vmem>> -> memref<64xi32, #tpu.memory_space<vmem>>
        %dma_wait3A_978 = arith.constant 0 : i32
        %dma_wait3A_979 = arith.constant 0 : i32
        %dma_wait3A_980 = tpu.memref_slice %arg15[%dma_wait3A_978, %dma_wait3A_979] : memref<10240x128xf32, #tpu.memory_space<vmem_shared>> -> memref<10240x128xf32, #tpu.memory_space<vmem_shared>>
        tpu.wait_indirect_dma semaphore(%arg23 : memref<!tpu.dma_semaphore, #tpu.memory_space<semaphore_mem>>) src(%arg13 : memref<64x128xf32, #tpu.memory_space<vmem>>) dst(%dma_wait3A_980 : memref<10240x128xf32, #tpu.memory_space<vmem_shared>>)
      } else {
      }
      %dma_start3A_436 = arith.constant 7 : i32
      %dma_start3A_437 = arith.constant 0 : i32
      %dma_start3A_438 = tpu.memref_slice %arg6[%dma_start3A_436, %dma_start3A_437] : memref<8x64xi32, #tpu.memory_space<vmem>> -> memref<1x64xi32, #tpu.memory_space<vmem>>
      %dma_start3A_439 = tpu.memref_squeeze %dma_start3A_438 : memref<1x64xi32, #tpu.memory_space<vmem>> -> memref<64xi32, #tpu.memory_space<vmem>>
      %dma_start3A_440 = arith.constant 0 : i32
      %dma_start3A_441 = arith.constant 0 : i32
      %dma_start3A_442 = tpu.memref_slice %arg2[%dma_start3A_440, %dma_start3A_441] : memref<10000x128xf32, #tpu.memory_space<hbm>> -> memref<10000x128xf32, #tpu.memory_space<hbm>>
      tpu.enqueue_indirect_dma source(%dma_start3A_442 : memref<10000x128xf32, #tpu.memory_space<hbm>>) target(%arg13 : memref<64x128xf32, #tpu.memory_space<vmem>>) offsets(%dma_start3A_439 : memref<64xi32, #tpu.memory_space<vmem>>) semaphore(%arg19 : memref<!tpu.dma_semaphore, #tpu.memory_space<semaphore_mem>>)
      %mul3A_443 = arith.constant 8 : i32
      %mul3A_444 = arith.muli %add3A_210, %mul3A_443 : i32
      %add3A_445 = arith.constant 5 : i32
      %add3A_446 = arith.addi %mul3A_444, %add3A_445 : i32
      %dma_wait3A_447 = arith.constant 5 : i32
      %dma_wait3A_448 = arith.constant 0 : i32
      %dma_wait3A_449 = tpu.memref_slice %arg6[%dma_wait3A_447, %dma_wait3A_448] : memref<8x64xi32, #tpu.memory_space<vmem>> -> memref<1x64xi32, #tpu.memory_space<vmem>>
      %dma_wait3A_450 = tpu.memref_squeeze %dma_wait3A_449 : memref<1x64xi32, #tpu.memory_space<vmem>> -> memref<64xi32, #tpu.memory_space<vmem>>
      %dma_wait3A_451 = arith.constant 0 : i32
      %dma_wait3A_452 = arith.constant 0 : i32
      %dma_wait3A_453 = tpu.memref_slice %arg2[%dma_wait3A_451, %dma_wait3A_452] : memref<10000x128xf32, #tpu.memory_space<hbm>> -> memref<10000x128xf32, #tpu.memory_space<hbm>>
      tpu.wait_indirect_dma semaphore(%arg17 : memref<!tpu.dma_semaphore, #tpu.memory_space<semaphore_mem>>) src(%dma_wait3A_453 : memref<10000x128xf32, #tpu.memory_space<hbm>>) dst(%arg11 : memref<64x128xf32, #tpu.memory_space<vmem>>)
      %dma_start3A_454 = arith.constant 5 : i32
      %dma_start3A_455 = arith.constant 0 : i32
      %dma_start3A_456 = tpu.memref_slice %arg8[%dma_start3A_454, %dma_start3A_455] : memref<8x64xi32, #tpu.memory_space<vmem>> -> memref<1x64xi32, #tpu.memory_space<vmem>>
      %dma_start3A_457 = tpu.memref_squeeze %dma_start3A_456 : memref<1x64xi32, #tpu.memory_space<vmem>> -> memref<64xi32, #tpu.memory_space<vmem>>
      %dma_start3A_458 = arith.constant 0 : i32
      %dma_start3A_459 = arith.constant 0 : i32
      %dma_start3A_460 = tpu.memref_slice %arg15[%dma_start3A_458, %dma_start3A_459] : memref<10240x128xf32, #tpu.memory_space<vmem_shared>> -> memref<10240x128xf32, #tpu.memory_space<vmem_shared>>
      tpu.enqueue_indirect_dma source(%arg11 : memref<64x128xf32, #tpu.memory_space<vmem>>) target(%dma_start3A_460 : memref<10240x128xf32, #tpu.memory_space<vmem_shared>>) offsets(%dma_start3A_457 : memref<64xi32, #tpu.memory_space<vmem>>) semaphore(%arg21 : memref<!tpu.dma_semaphore, #tpu.memory_space<semaphore_mem>>) {add = true}
      %get3A_461 = arith.constant 5 : i32
      %get3A_462 = arith.index_cast %get3A_461 : i32 to index
      %get3A_463 = arith.constant 0 : index
      %get3A_464 = tpu.vector_load %arg8[%get3A_462, %get3A_463] {strides = array<i32>} : memref<8x64xi32, #tpu.memory_space<vmem>>, vector<16xi32>,
      tpu.vector_store_idx %arg14[%get3A_464], %broadcast_in_dim3A_1 {add = true} : memref<10240xf32, #tpu.memory_space<vmem>>[vector<16xi32>], vector<16xf32>,
      %get3A_465 = arith.constant 5 : i32
      %get3A_466 = arith.index_cast %get3A_465 : i32 to index
      %get3A_467 = arith.constant 16 : index
      %get3A_468 = tpu.vector_load %arg8[%get3A_466, %get3A_467] {strides = array<i32>} : memref<8x64xi32, #tpu.memory_space<vmem>>, vector<16xi32>,
      tpu.vector_store_idx %arg14[%get3A_468], %broadcast_in_dim3A_1 {add = true} : memref<10240xf32, #tpu.memory_space<vmem>>[vector<16xi32>], vector<16xf32>,
      %get3A_469 = arith.constant 5 : i32
      %get3A_470 = arith.index_cast %get3A_469 : i32 to index
      %get3A_471 = arith.constant 32 : index
      %get3A_472 = tpu.vector_load %arg8[%get3A_470, %get3A_471] {strides = array<i32>} : memref<8x64xi32, #tpu.memory_space<vmem>>, vector<16xi32>,
      tpu.vector_store_idx %arg14[%get3A_472], %broadcast_in_dim3A_1 {add = true} : memref<10240xf32, #tpu.memory_space<vmem>>[vector<16xi32>], vector<16xf32>,
      %get3A_473 = arith.constant 5 : i32
      %get3A_474 = arith.index_cast %get3A_473 : i32 to index
      %get3A_475 = arith.constant 48 : index
      %get3A_476 = tpu.vector_load %arg8[%get3A_474, %get3A_475] {strides = array<i32>} : memref<8x64xi32, #tpu.memory_space<vmem>>, vector<16xi32>,
      tpu.vector_store_idx %arg14[%get3A_476], %broadcast_in_dim3A_1 {add = true} : memref<10240xf32, #tpu.memory_space<vmem>>[vector<16xi32>], vector<16xf32>,
      %ge3A_477 = arith.constant 1 : i32
      %ge3A_478 = arith.cmpi sge, %add3A_446, %ge3A_477 : i32
      %convert_element_type3A_479 = arith.extui %ge3A_478 : i1 to i32
      %cond3A_480 = arith.constant 0 : i32
      %cond3A_481 = arith.cmpi ne, %convert_element_type3A_479, %cond3A_480 : i32
      scf.if %cond3A_481 {
        %dma_wait3A_974 = arith.constant 5 : i32
        %dma_wait3A_975 = arith.constant 0 : i32
        %dma_wait3A_976 = tpu.memref_slice %arg8[%dma_wait3A_974, %dma_wait3A_975] : memref<8x64xi32, #tpu.memory_space<vmem>> -> memref<1x64xi32, #tpu.memory_space<vmem>>
        %dma_wait3A_977 = tpu.memref_squeeze %dma_wait3A_976 : memref<1x64xi32, #tpu.memory_space<vmem>> -> memref<64xi32, #tpu.memory_space<vmem>>
        %dma_wait3A_978 = arith.constant 0 : i32
        %dma_wait3A_979 = arith.constant 0 : i32
        %dma_wait3A_980 = tpu.memref_slice %arg15[%dma_wait3A_978, %dma_wait3A_979] : memref<10240x128xf32, #tpu.memory_space<vmem_shared>> -> memref<10240x128xf32, #tpu.memory_space<vmem_shared>>
        tpu.wait_indirect_dma semaphore(%arg20 : memref<!tpu.dma_semaphore, #tpu.memory_space<semaphore_mem>>) src(%arg10 : memref<64x128xf32, #tpu.memory_space<vmem>>) dst(%dma_wait3A_980 : memref<10240x128xf32, #tpu.memory_space<vmem_shared>>)
      } else {
      }
      %add3A_482 = arith.constant 1 : i32
      %add3A_483 = arith.addi %add3A_210, %add3A_482 : i32
      %lt3A_484 = arith.constant 20 : i32
      %lt3A_485 = arith.cmpi slt, %add3A_483, %lt3A_484 : i32
      %convert_element_type3A_486 = arith.extui %lt3A_485 : i1 to i32
      %cond3A_487 = arith.constant 0 : i32
      %cond3A_488 = arith.cmpi ne, %convert_element_type3A_486, %cond3A_487 : i32
      scf.if %cond3A_488 {
        %add3A_974 = arith.constant 1 : i32
        %add3A_975 = arith.addi %add3A_210, %add3A_974 : i32
        %mul3A_976 = arith.constant 8 : i32
        %mul3A_977 = arith.muli %add3A_975, %mul3A_976 : i32
        %dma_wait3A_978 = arith.constant 0 : i32
        %dma_wait3A_979 = arith.constant 0 : i32
        %dma_wait3A_980 = tpu.memref_slice %arg3[%dma_wait3A_978, %add3A, %mul3A_977, %dma_wait3A_979] : memref<2x32x160x64xi32, #tpu.memory_space<hbm>> -> memref<1x1x8x64xi32, #tpu.memory_space<hbm>>
        %dma_wait3A_981 = tpu.memref_squeeze %dma_wait3A_980 : memref<1x1x8x64xi32, #tpu.memory_space<hbm>> -> memref<8x64xi32, #tpu.memory_space<hbm>>
        %dma_wait3A_982 = arith.constant 0 : i32
        %dma_wait3A_983 = tpu.memref_slice %arg3[%dma_wait3A_978, %add3A, %mul3A_977, %dma_wait3A_982] : memref<2x32x160x64xi32, #tpu.memory_space<hbm>> -> memref<1x1x8x64xi32, #tpu.memory_space<hbm>>
        %dma_wait3A_984 = tpu.memref_squeeze %dma_wait3A_983 : memref<1x1x8x64xi32, #tpu.memory_space<hbm>> -> memref<8x64xi32, #tpu.memory_space<hbm>>
        tpu.wait_dma2 semaphore(%arg25 : memref<!tpu.dma_semaphore, #tpu.memory_space<semaphore_mem>>) src(%dma_wait3A_984 : memref<8x64xi32, #tpu.memory_space<hbm>>) dst(%arg7 : memref<8x64xi32, #tpu.memory_space<vmem>>)
        %mul3A_985 = arith.constant 8 : i32
        %mul3A_986 = arith.muli %add3A_975, %mul3A_985 : i32
        %dma_wait3A_987 = arith.constant 1 : i32
        %dma_wait3A_988 = arith.constant 0 : i32
        %dma_wait3A_989 = tpu.memref_slice %arg3[%dma_wait3A_987, %add3A, %mul3A_986, %dma_wait3A_988] : memref<2x32x160x64xi32, #tpu.memory_space<hbm>> -> memref<1x1x8x64xi32, #tpu.memory_space<hbm>>
        %dma_wait3A_990 = tpu.memref_squeeze %dma_wait3A_989 : memref<1x1x8x64xi32, #tpu.memory_space<hbm>> -> memref<8x64xi32, #tpu.memory_space<hbm>>
        %dma_wait3A_991 = arith.constant 0 : i32
        %dma_wait3A_992 = tpu.memref_slice %arg3[%dma_wait3A_987, %add3A, %mul3A_986, %dma_wait3A_991] : memref<2x32x160x64xi32, #tpu.memory_space<hbm>> -> memref<1x1x8x64xi32, #tpu.memory_space<hbm>>
        %dma_wait3A_993 = tpu.memref_squeeze %dma_wait3A_992 : memref<1x1x8x64xi32, #tpu.memory_space<hbm>> -> memref<8x64xi32, #tpu.memory_space<hbm>>
        tpu.wait_dma2 semaphore(%arg25 : memref<!tpu.dma_semaphore, #tpu.memory_space<semaphore_mem>>) src(%dma_wait3A_993 : memref<8x64xi32, #tpu.memory_space<hbm>>) dst(%arg9 : memref<8x64xi32, #tpu.memory_space<vmem>>)
      } else {
      }
      %add3A_489 = arith.constant 1 : i32
      %add3A_490 = arith.addi %add3A_210, %add3A_489 : i32
      %lt3A_491 = arith.constant 20 : i32
      %lt3A_492 = arith.cmpi slt, %add3A_490, %lt3A_491 : i32
      %convert_element_type3A_493 = arith.extui %lt3A_492 : i1 to i32
      %cond3A_494 = arith.constant 0 : i32
      %cond3A_495 = arith.cmpi ne, %convert_element_type3A_493, %cond3A_494 : i32
      scf.if %cond3A_495 {
        %dma_start3A_974 = arith.constant 0 : i32
        %dma_start3A_975 = arith.constant 0 : i32
        %dma_start3A_976 = tpu.memref_slice %arg7[%dma_start3A_974, %dma_start3A_975] : memref<8x64xi32, #tpu.memory_space<vmem>> -> memref<1x64xi32, #tpu.memory_space<vmem>>
        %dma_start3A_977 = tpu.memref_squeeze %dma_start3A_976 : memref<1x64xi32, #tpu.memory_space<vmem>> -> memref<64xi32, #tpu.memory_space<vmem>>
        %dma_start3A_978 = arith.constant 0 : i32
        %dma_start3A_979 = arith.constant 0 : i32
        %dma_start3A_980 = tpu.memref_slice %arg2[%dma_start3A_978, %dma_start3A_979] : memref<10000x128xf32, #tpu.memory_space<hbm>> -> memref<10000x128xf32, #tpu.memory_space<hbm>>
        tpu.enqueue_indirect_dma source(%dma_start3A_980 : memref<10000x128xf32, #tpu.memory_space<hbm>>) target(%arg10 : memref<64x128xf32, #tpu.memory_space<vmem>>) offsets(%dma_start3A_977 : memref<64xi32, #tpu.memory_space<vmem>>) semaphore(%arg16 : memref<!tpu.dma_semaphore, #tpu.memory_space<semaphore_mem>>)
      } else {
      }
      %mul3A_496 = arith.constant 8 : i32
      %mul3A_497 = arith.muli %add3A_210, %mul3A_496 : i32
      %add3A_498 = arith.constant 6 : i32
      %add3A_499 = arith.addi %mul3A_497, %add3A_498 : i32
      %dma_wait3A_500 = arith.constant 6 : i32
      %dma_wait3A_501 = arith.constant 0 : i32
      %dma_wait3A_502 = tpu.memref_slice %arg6[%dma_wait3A_500, %dma_wait3A_501] : memref<8x64xi32, #tpu.memory_space<vmem>> -> memref<1x64xi32, #tpu.memory_space<vmem>>
      %dma_wait3A_503 = tpu.memref_squeeze %dma_wait3A_502 : memref<1x64xi32, #tpu.memory_space<vmem>> -> memref<64xi32, #tpu.memory_space<vmem>>
      %dma_wait3A_504 = arith.constant 0 : i32
      %dma_wait3A_505 = arith.constant 0 : i32
      %dma_wait3A_506 = tpu.memref_slice %arg2[%dma_wait3A_504, %dma_wait3A_505] : memref<10000x128xf32, #tpu.memory_space<hbm>> -> memref<10000x128xf32, #tpu.memory_space<hbm>>
      tpu.wait_indirect_dma semaphore(%arg18 : memref<!tpu.dma_semaphore, #tpu.memory_space<semaphore_mem>>) src(%dma_wait3A_506 : memref<10000x128xf32, #tpu.memory_space<hbm>>) dst(%arg12 : memref<64x128xf32, #tpu.memory_space<vmem>>)
      %dma_start3A_507 = arith.constant 6 : i32
      %dma_start3A_508 = arith.constant 0 : i32
      %dma_start3A_509 = tpu.memref_slice %arg8[%dma_start3A_507, %dma_start3A_508] : memref<8x64xi32, #tpu.memory_space<vmem>> -> memref<1x64xi32, #tpu.memory_space<vmem>>
      %dma_start3A_510 = tpu.memref_squeeze %dma_start3A_509 : memref<1x64xi32, #tpu.memory_space<vmem>> -> memref<64xi32, #tpu.memory_space<vmem>>
      %dma_start3A_511 = arith.constant 0 : i32
      %dma_start3A_512 = arith.constant 0 : i32
      %dma_start3A_513 = tpu.memref_slice %arg15[%dma_start3A_511, %dma_start3A_512] : memref<10240x128xf32, #tpu.memory_space<vmem_shared>> -> memref<10240x128xf32, #tpu.memory_space<vmem_shared>>
      tpu.enqueue_indirect_dma source(%arg12 : memref<64x128xf32, #tpu.memory_space<vmem>>) target(%dma_start3A_513 : memref<10240x128xf32, #tpu.memory_space<vmem_shared>>) offsets(%dma_start3A_510 : memref<64xi32, #tpu.memory_space<vmem>>) semaphore(%arg22 : memref<!tpu.dma_semaphore, #tpu.memory_space<semaphore_mem>>) {add = true}
      %get3A_514 = arith.constant 6 : i32
      %get3A_515 = arith.index_cast %get3A_514 : i32 to index
      %get3A_516 = arith.constant 0 : index
      %get3A_517 = tpu.vector_load %arg8[%get3A_515, %get3A_516] {strides = array<i32>} : memref<8x64xi32, #tpu.memory_space<vmem>>, vector<16xi32>,
      tpu.vector_store_idx %arg14[%get3A_517], %broadcast_in_dim3A_1 {add = true} : memref<10240xf32, #tpu.memory_space<vmem>>[vector<16xi32>], vector<16xf32>,
      %get3A_518 = arith.constant 6 : i32
      %get3A_519 = arith.index_cast %get3A_518 : i32 to index
      %get3A_520 = arith.constant 16 : index
      %get3A_521 = tpu.vector_load %arg8[%get3A_519, %get3A_520] {strides = array<i32>} : memref<8x64xi32, #tpu.memory_space<vmem>>, vector<16xi32>,
      tpu.vector_store_idx %arg14[%get3A_521], %broadcast_in_dim3A_1 {add = true} : memref<10240xf32, #tpu.memory_space<vmem>>[vector<16xi32>], vector<16xf32>,
      %get3A_522 = arith.constant 6 : i32
      %get3A_523 = arith.index_cast %get3A_522 : i32 to index
      %get3A_524 = arith.constant 32 : index
      %get3A_525 = tpu.vector_load %arg8[%get3A_523, %get3A_524] {strides = array<i32>} : memref<8x64xi32, #tpu.memory_space<vmem>>, vector<16xi32>,
      tpu.vector_store_idx %arg14[%get3A_525], %broadcast_in_dim3A_1 {add = true} : memref<10240xf32, #tpu.memory_space<vmem>>[vector<16xi32>], vector<16xf32>,
      %get3A_526 = arith.constant 6 : i32
      %get3A_527 = arith.index_cast %get3A_526 : i32 to index
      %get3A_528 = arith.constant 48 : index
      %get3A_529 = tpu.vector_load %arg8[%get3A_527, %get3A_528] {strides = array<i32>} : memref<8x64xi32, #tpu.memory_space<vmem>>, vector<16xi32>,
      tpu.vector_store_idx %arg14[%get3A_529], %broadcast_in_dim3A_1 {add = true} : memref<10240xf32, #tpu.memory_space<vmem>>[vector<16xi32>], vector<16xf32>,
      %ge3A_530 = arith.constant 1 : i32
      %ge3A_531 = arith.cmpi sge, %add3A_499, %ge3A_530 : i32
      %convert_element_type3A_532 = arith.extui %ge3A_531 : i1 to i32
      %cond3A_533 = arith.constant 0 : i32
      %cond3A_534 = arith.cmpi ne, %convert_element_type3A_532, %cond3A_533 : i32
      scf.if %cond3A_534 {
        %dma_wait3A_974 = arith.constant 6 : i32
        %dma_wait3A_975 = arith.constant 0 : i32
        %dma_wait3A_976 = tpu.memref_slice %arg8[%dma_wait3A_974, %dma_wait3A_975] : memref<8x64xi32, #tpu.memory_space<vmem>> -> memref<1x64xi32, #tpu.memory_space<vmem>>
        %dma_wait3A_977 = tpu.memref_squeeze %dma_wait3A_976 : memref<1x64xi32, #tpu.memory_space<vmem>> -> memref<64xi32, #tpu.memory_space<vmem>>
        %dma_wait3A_978 = arith.constant 0 : i32
        %dma_wait3A_979 = arith.constant 0 : i32
        %dma_wait3A_980 = tpu.memref_slice %arg15[%dma_wait3A_978, %dma_wait3A_979] : memref<10240x128xf32, #tpu.memory_space<vmem_shared>> -> memref<10240x128xf32, #tpu.memory_space<vmem_shared>>
        tpu.wait_indirect_dma semaphore(%arg21 : memref<!tpu.dma_semaphore, #tpu.memory_space<semaphore_mem>>) src(%arg11 : memref<64x128xf32, #tpu.memory_space<vmem>>) dst(%dma_wait3A_980 : memref<10240x128xf32, #tpu.memory_space<vmem_shared>>)
      } else {
      }
      %add3A_535 = arith.constant 1 : i32
      %add3A_536 = arith.addi %add3A_210, %add3A_535 : i32
      %lt3A_537 = arith.constant 20 : i32
      %lt3A_538 = arith.cmpi slt, %add3A_536, %lt3A_537 : i32
      %convert_element_type3A_539 = arith.extui %lt3A_538 : i1 to i32
      %cond3A_540 = arith.constant 0 : i32
      %cond3A_541 = arith.cmpi ne, %convert_element_type3A_539, %cond3A_540 : i32
      scf.if %cond3A_541 {
        %dma_start3A_974 = arith.constant 1 : i32
        %dma_start3A_975 = arith.constant 0 : i32
        %dma_start3A_976 = tpu.memref_slice %arg7[%dma_start3A_974, %dma_start3A_975] : memref<8x64xi32, #tpu.memory_space<vmem>> -> memref<1x64xi32, #tpu.memory_space<vmem>>
        %dma_start3A_977 = tpu.memref_squeeze %dma_start3A_976 : memref<1x64xi32, #tpu.memory_space<vmem>> -> memref<64xi32, #tpu.memory_space<vmem>>
        %dma_start3A_978 = arith.constant 0 : i32
        %dma_start3A_979 = arith.constant 0 : i32
        %dma_start3A_980 = tpu.memref_slice %arg2[%dma_start3A_978, %dma_start3A_979] : memref<10000x128xf32, #tpu.memory_space<hbm>> -> memref<10000x128xf32, #tpu.memory_space<hbm>>
        tpu.enqueue_indirect_dma source(%dma_start3A_980 : memref<10000x128xf32, #tpu.memory_space<hbm>>) target(%arg11 : memref<64x128xf32, #tpu.memory_space<vmem>>) offsets(%dma_start3A_977 : memref<64xi32, #tpu.memory_space<vmem>>) semaphore(%arg17 : memref<!tpu.dma_semaphore, #tpu.memory_space<semaphore_mem>>)
      } else {
      }
      %mul3A_542 = arith.constant 8 : i32
      %mul3A_543 = arith.muli %add3A_210, %mul3A_542 : i32
      %add3A_544 = arith.constant 7 : i32
      %add3A_545 = arith.addi %mul3A_543, %add3A_544 : i32
      %dma_wait3A_546 = arith.constant 7 : i32
      %dma_wait3A_547 = arith.constant 0 : i32
      %dma_wait3A_548 = tpu.memref_slice %arg6[%dma_wait3A_546, %dma_wait3A_547] : memref<8x64xi32, #tpu.memory_space<vmem>> -> memref<1x64xi32, #tpu.memory_space<vmem>>
      %dma_wait3A_549 = tpu.memref_squeeze %dma_wait3A_548 : memref<1x64xi32, #tpu.memory_space<vmem>> -> memref<64xi32, #tpu.memory_space<vmem>>
      %dma_wait3A_550 = arith.constant 0 : i32
      %dma_wait3A_551 = arith.constant 0 : i32
      %dma_wait3A_552 = tpu.memref_slice %arg2[%dma_wait3A_550, %dma_wait3A_551] : memref<10000x128xf32, #tpu.memory_space<hbm>> -> memref<10000x128xf32, #tpu.memory_space<hbm>>
      tpu.wait_indirect_dma semaphore(%arg19 : memref<!tpu.dma_semaphore, #tpu.memory_space<semaphore_mem>>) src(%dma_wait3A_552 : memref<10000x128xf32, #tpu.memory_space<hbm>>) dst(%arg13 : memref<64x128xf32, #tpu.memory_space<vmem>>)
      %dma_start3A_553 = arith.constant 7 : i32
      %dma_start3A_554 = arith.constant 0 : i32
      %dma_start3A_555 = tpu.memref_slice %arg8[%dma_start3A_553, %dma_start3A_554] : memref<8x64xi32, #tpu.memory_space<vmem>> -> memref<1x64xi32, #tpu.memory_space<vmem>>
      %dma_start3A_556 = tpu.memref_squeeze %dma_start3A_555 : memref<1x64xi32, #tpu.memory_space<vmem>> -> memref<64xi32, #tpu.memory_space<vmem>>
      %dma_start3A_557 = arith.constant 0 : i32
      %dma_start3A_558 = arith.constant 0 : i32
      %dma_start3A_559 = tpu.memref_slice %arg15[%dma_start3A_557, %dma_start3A_558] : memref<10240x128xf32, #tpu.memory_space<vmem_shared>> -> memref<10240x128xf32, #tpu.memory_space<vmem_shared>>
      tpu.enqueue_indirect_dma source(%arg13 : memref<64x128xf32, #tpu.memory_space<vmem>>) target(%dma_start3A_559 : memref<10240x128xf32, #tpu.memory_space<vmem_shared>>) offsets(%dma_start3A_556 : memref<64xi32, #tpu.memory_space<vmem>>) semaphore(%arg23 : memref<!tpu.dma_semaphore, #tpu.memory_space<semaphore_mem>>) {add = true}
      %get3A_560 = arith.constant 7 : i32
      %get3A_561 = arith.index_cast %get3A_560 : i32 to index
      %get3A_562 = arith.constant 0 : index
      %get3A_563 = tpu.vector_load %arg8[%get3A_561, %get3A_562] {strides = array<i32>} : memref<8x64xi32, #tpu.memory_space<vmem>>, vector<16xi32>,
      tpu.vector_store_idx %arg14[%get3A_563], %broadcast_in_dim3A_1 {add = true} : memref<10240xf32, #tpu.memory_space<vmem>>[vector<16xi32>], vector<16xf32>,
      %get3A_564 = arith.constant 7 : i32
      %get3A_565 = arith.index_cast %get3A_564 : i32 to index
      %get3A_566 = arith.constant 16 : index
      %get3A_567 = tpu.vector_load %arg8[%get3A_565, %get3A_566] {strides = array<i32>} : memref<8x64xi32, #tpu.memory_space<vmem>>, vector<16xi32>,
      tpu.vector_store_idx %arg14[%get3A_567], %broadcast_in_dim3A_1 {add = true} : memref<10240xf32, #tpu.memory_space<vmem>>[vector<16xi32>], vector<16xf32>,
      %get3A_568 = arith.constant 7 : i32
      %get3A_569 = arith.index_cast %get3A_568 : i32 to index
      %get3A_570 = arith.constant 32 : index
      %get3A_571 = tpu.vector_load %arg8[%get3A_569, %get3A_570] {strides = array<i32>} : memref<8x64xi32, #tpu.memory_space<vmem>>, vector<16xi32>,
      tpu.vector_store_idx %arg14[%get3A_571], %broadcast_in_dim3A_1 {add = true} : memref<10240xf32, #tpu.memory_space<vmem>>[vector<16xi32>], vector<16xf32>,
      %get3A_572 = arith.constant 7 : i32
      %get3A_573 = arith.index_cast %get3A_572 : i32 to index
      %get3A_574 = arith.constant 48 : index
      %get3A_575 = tpu.vector_load %arg8[%get3A_573, %get3A_574] {strides = array<i32>} : memref<8x64xi32, #tpu.memory_space<vmem>>, vector<16xi32>,
      tpu.vector_store_idx %arg14[%get3A_575], %broadcast_in_dim3A_1 {add = true} : memref<10240xf32, #tpu.memory_space<vmem>>[vector<16xi32>], vector<16xf32>,
      %ge3A_576 = arith.constant 1 : i32
      %ge3A_577 = arith.cmpi sge, %add3A_545, %ge3A_576 : i32
      %convert_element_type3A_578 = arith.extui %ge3A_577 : i1 to i32
      %cond3A_579 = arith.constant 0 : i32
      %cond3A_580 = arith.cmpi ne, %convert_element_type3A_578, %cond3A_579 : i32
      scf.if %cond3A_580 {
        %dma_wait3A_974 = arith.constant 7 : i32
        %dma_wait3A_975 = arith.constant 0 : i32
        %dma_wait3A_976 = tpu.memref_slice %arg8[%dma_wait3A_974, %dma_wait3A_975] : memref<8x64xi32, #tpu.memory_space<vmem>> -> memref<1x64xi32, #tpu.memory_space<vmem>>
        %dma_wait3A_977 = tpu.memref_squeeze %dma_wait3A_976 : memref<1x64xi32, #tpu.memory_space<vmem>> -> memref<64xi32, #tpu.memory_space<vmem>>
        %dma_wait3A_978 = arith.constant 0 : i32
        %dma_wait3A_979 = arith.constant 0 : i32
        %dma_wait3A_980 = tpu.memref_slice %arg15[%dma_wait3A_978, %dma_wait3A_979] : memref<10240x128xf32, #tpu.memory_space<vmem_shared>> -> memref<10240x128xf32, #tpu.memory_space<vmem_shared>>
        tpu.wait_indirect_dma semaphore(%arg22 : memref<!tpu.dma_semaphore, #tpu.memory_space<semaphore_mem>>) src(%arg12 : memref<64x128xf32, #tpu.memory_space<vmem>>) dst(%dma_wait3A_980 : memref<10240x128xf32, #tpu.memory_space<vmem_shared>>)
      } else {
      }
      %add3A_581 = arith.constant 1 : i32
      %add3A_582 = arith.addi %add3A_210, %add3A_581 : i32
      %lt3A_583 = arith.constant 20 : i32
      %lt3A_584 = arith.cmpi slt, %add3A_582, %lt3A_583 : i32
      %convert_element_type3A_585 = arith.extui %lt3A_584 : i1 to i32
      %cond3A_586 = arith.constant 0 : i32
      %cond3A_587 = arith.cmpi ne, %convert_element_type3A_585, %cond3A_586 : i32
      scf.if %cond3A_587 {
        %dma_start3A_974 = arith.constant 2 : i32
        %dma_start3A_975 = arith.constant 0 : i32
        %dma_start3A_976 = tpu.memref_slice %arg7[%dma_start3A_974, %dma_start3A_975] : memref<8x64xi32, #tpu.memory_space<vmem>> -> memref<1x64xi32, #tpu.memory_space<vmem>>
        %dma_start3A_977 = tpu.memref_squeeze %dma_start3A_976 : memref<1x64xi32, #tpu.memory_space<vmem>> -> memref<64xi32, #tpu.memory_space<vmem>>
        %dma_start3A_978 = arith.constant 0 : i32
        %dma_start3A_979 = arith.constant 0 : i32
        %dma_start3A_980 = tpu.memref_slice %arg2[%dma_start3A_978, %dma_start3A_979] : memref<10000x128xf32, #tpu.memory_space<hbm>> -> memref<10000x128xf32, #tpu.memory_space<hbm>>
        tpu.enqueue_indirect_dma source(%dma_start3A_980 : memref<10000x128xf32, #tpu.memory_space<hbm>>) target(%arg12 : memref<64x128xf32, #tpu.memory_space<vmem>>) offsets(%dma_start3A_977 : memref<64xi32, #tpu.memory_space<vmem>>) semaphore(%arg18 : memref<!tpu.dma_semaphore, #tpu.memory_space<semaphore_mem>>)
      } else {
      }
      %mul3A_588 = arith.constant 2 : i32
      %mul3A_589 = arith.muli %scan3A_206, %mul3A_588 : i32
      %add3A_590 = arith.constant 1 : i32
      %add3A_591 = arith.addi %mul3A_589, %add3A_590 : i32
      %mul3A_592 = arith.constant 8 : i32
      %mul3A_593 = arith.muli %add3A_591, %mul3A_592 : i32
      %add3A_594 = arith.constant 0 : i32
      %add3A_595 = arith.addi %mul3A_593, %add3A_594 : i32
      %dma_wait3A_596 = arith.constant 0 : i32
      %dma_wait3A_597 = arith.constant 0 : i32
      %dma_wait3A_598 = tpu.memref_slice %arg7[%dma_wait3A_596, %dma_wait3A_597] : memref<8x64xi32, #tpu.memory_space<vmem>> -> memref<1x64xi32, #tpu.memory_space<vmem>>
      %dma_wait3A_599 = tpu.memref_squeeze %dma_wait3A_598 : memref<1x64xi32, #tpu.memory_space<vmem>> -> memref<64xi32, #tpu.memory_space<vmem>>
      %dma_wait3A_600 = arith.constant 0 : i32
      %dma_wait3A_601 = arith.constant 0 : i32
      %dma_wait3A_602 = tpu.memref_slice %arg2[%dma_wait3A_600, %dma_wait3A_601] : memref<10000x128xf32, #tpu.memory_space<hbm>> -> memref<10000x128xf32, #tpu.memory_space<hbm>>
      tpu.wait_indirect_dma semaphore(%arg16 : memref<!tpu.dma_semaphore, #tpu.memory_space<semaphore_mem>>) src(%dma_wait3A_602 : memref<10000x128xf32, #tpu.memory_space<hbm>>) dst(%arg10 : memref<64x128xf32, #tpu.memory_space<vmem>>)
      %dma_start3A_603 = arith.constant 0 : i32
      %dma_start3A_604 = arith.constant 0 : i32
      %dma_start3A_605 = tpu.memref_slice %arg9[%dma_start3A_603, %dma_start3A_604] : memref<8x64xi32, #tpu.memory_space<vmem>> -> memref<1x64xi32, #tpu.memory_space<vmem>>
      %dma_start3A_606 = tpu.memref_squeeze %dma_start3A_605 : memref<1x64xi32, #tpu.memory_space<vmem>> -> memref<64xi32, #tpu.memory_space<vmem>>
      %dma_start3A_607 = arith.constant 0 : i32
      %dma_start3A_608 = arith.constant 0 : i32
      %dma_start3A_609 = tpu.memref_slice %arg15[%dma_start3A_607, %dma_start3A_608] : memref<10240x128xf32, #tpu.memory_space<vmem_shared>> -> memref<10240x128xf32, #tpu.memory_space<vmem_shared>>
      tpu.enqueue_indirect_dma source(%arg10 : memref<64x128xf32, #tpu.memory_space<vmem>>) target(%dma_start3A_609 : memref<10240x128xf32, #tpu.memory_space<vmem_shared>>) offsets(%dma_start3A_606 : memref<64xi32, #tpu.memory_space<vmem>>) semaphore(%arg20 : memref<!tpu.dma_semaphore, #tpu.memory_space<semaphore_mem>>) {add = true}
      %get3A_610 = arith.constant 0 : i32
      %get3A_611 = arith.index_cast %get3A_610 : i32 to index
      %get3A_612 = arith.constant 0 : index
      %get3A_613 = tpu.vector_load %arg9[%get3A_611, %get3A_612] {strides = array<i32>} : memref<8x64xi32, #tpu.memory_space<vmem>>, vector<16xi32>,
      tpu.vector_store_idx %arg14[%get3A_613], %broadcast_in_dim3A_1 {add = true} : memref<10240xf32, #tpu.memory_space<vmem>>[vector<16xi32>], vector<16xf32>,
      %get3A_614 = arith.constant 0 : i32
      %get3A_615 = arith.index_cast %get3A_614 : i32 to index
      %get3A_616 = arith.constant 16 : index
      %get3A_617 = tpu.vector_load %arg9[%get3A_615, %get3A_616] {strides = array<i32>} : memref<8x64xi32, #tpu.memory_space<vmem>>, vector<16xi32>,
      tpu.vector_store_idx %arg14[%get3A_617], %broadcast_in_dim3A_1 {add = true} : memref<10240xf32, #tpu.memory_space<vmem>>[vector<16xi32>], vector<16xf32>,
      %get3A_618 = arith.constant 0 : i32
      %get3A_619 = arith.index_cast %get3A_618 : i32 to index
      %get3A_620 = arith.constant 32 : index
      %get3A_621 = tpu.vector_load %arg9[%get3A_619, %get3A_620] {strides = array<i32>} : memref<8x64xi32, #tpu.memory_space<vmem>>, vector<16xi32>,
      tpu.vector_store_idx %arg14[%get3A_621], %broadcast_in_dim3A_1 {add = true} : memref<10240xf32, #tpu.memory_space<vmem>>[vector<16xi32>], vector<16xf32>,
      %get3A_622 = arith.constant 0 : i32
      %get3A_623 = arith.index_cast %get3A_622 : i32 to index
      %get3A_624 = arith.constant 48 : index
      %get3A_625 = tpu.vector_load %arg9[%get3A_623, %get3A_624] {strides = array<i32>} : memref<8x64xi32, #tpu.memory_space<vmem>>, vector<16xi32>,
      tpu.vector_store_idx %arg14[%get3A_625], %broadcast_in_dim3A_1 {add = true} : memref<10240xf32, #tpu.memory_space<vmem>>[vector<16xi32>], vector<16xf32>,
      %ge3A_626 = arith.constant 1 : i32
      %ge3A_627 = arith.cmpi sge, %add3A_595, %ge3A_626 : i32
      %convert_element_type3A_628 = arith.extui %ge3A_627 : i1 to i32
      %cond3A_629 = arith.constant 0 : i32
      %cond3A_630 = arith.cmpi ne, %convert_element_type3A_628, %cond3A_629 : i32
      scf.if %cond3A_630 {
        %dma_wait3A_974 = arith.constant 0 : i32
        %dma_wait3A_975 = arith.constant 0 : i32
        %dma_wait3A_976 = tpu.memref_slice %arg9[%dma_wait3A_974, %dma_wait3A_975] : memref<8x64xi32, #tpu.memory_space<vmem>> -> memref<1x64xi32, #tpu.memory_space<vmem>>
        %dma_wait3A_977 = tpu.memref_squeeze %dma_wait3A_976 : memref<1x64xi32, #tpu.memory_space<vmem>> -> memref<64xi32, #tpu.memory_space<vmem>>
        %dma_wait3A_978 = arith.constant 0 : i32
        %dma_wait3A_979 = arith.constant 0 : i32
        %dma_wait3A_980 = tpu.memref_slice %arg15[%dma_wait3A_978, %dma_wait3A_979] : memref<10240x128xf32, #tpu.memory_space<vmem_shared>> -> memref<10240x128xf32, #tpu.memory_space<vmem_shared>>
        tpu.wait_indirect_dma semaphore(%arg23 : memref<!tpu.dma_semaphore, #tpu.memory_space<semaphore_mem>>) src(%arg13 : memref<64x128xf32, #tpu.memory_space<vmem>>) dst(%dma_wait3A_980 : memref<10240x128xf32, #tpu.memory_space<vmem_shared>>)
      } else {
      }
      %dma_start3A_631 = arith.constant 3 : i32
      %dma_start3A_632 = arith.constant 0 : i32
      %dma_start3A_633 = tpu.memref_slice %arg7[%dma_start3A_631, %dma_start3A_632] : memref<8x64xi32, #tpu.memory_space<vmem>> -> memref<1x64xi32, #tpu.memory_space<vmem>>
      %dma_start3A_634 = tpu.memref_squeeze %dma_start3A_633 : memref<1x64xi32, #tpu.memory_space<vmem>> -> memref<64xi32, #tpu.memory_space<vmem>>
      %dma_start3A_635 = arith.constant 0 : i32
      %dma_start3A_636 = arith.constant 0 : i32
      %dma_start3A_637 = tpu.memref_slice %arg2[%dma_start3A_635, %dma_start3A_636] : memref<10000x128xf32, #tpu.memory_space<hbm>> -> memref<10000x128xf32, #tpu.memory_space<hbm>>
      tpu.enqueue_indirect_dma source(%dma_start3A_637 : memref<10000x128xf32, #tpu.memory_space<hbm>>) target(%arg13 : memref<64x128xf32, #tpu.memory_space<vmem>>) offsets(%dma_start3A_634 : memref<64xi32, #tpu.memory_space<vmem>>) semaphore(%arg19 : memref<!tpu.dma_semaphore, #tpu.memory_space<semaphore_mem>>)
      %mul3A_638 = arith.constant 8 : i32
      %mul3A_639 = arith.muli %add3A_591, %mul3A_638 : i32
      %add3A_640 = arith.constant 1 : i32
      %add3A_641 = arith.addi %mul3A_639, %add3A_640 : i32
      %dma_wait3A_642 = arith.constant 1 : i32
      %dma_wait3A_643 = arith.constant 0 : i32
      %dma_wait3A_644 = tpu.memref_slice %arg7[%dma_wait3A_642, %dma_wait3A_643] : memref<8x64xi32, #tpu.memory_space<vmem>> -> memref<1x64xi32, #tpu.memory_space<vmem>>
      %dma_wait3A_645 = tpu.memref_squeeze %dma_wait3A_644 : memref<1x64xi32, #tpu.memory_space<vmem>> -> memref<64xi32, #tpu.memory_space<vmem>>
      %dma_wait3A_646 = arith.constant 0 : i32
      %dma_wait3A_647 = arith.constant 0 : i32
      %dma_wait3A_648 = tpu.memref_slice %arg2[%dma_wait3A_646, %dma_wait3A_647] : memref<10000x128xf32, #tpu.memory_space<hbm>> -> memref<10000x128xf32, #tpu.memory_space<hbm>>
      tpu.wait_indirect_dma semaphore(%arg17 : memref<!tpu.dma_semaphore, #tpu.memory_space<semaphore_mem>>) src(%dma_wait3A_648 : memref<10000x128xf32, #tpu.memory_space<hbm>>) dst(%arg11 : memref<64x128xf32, #tpu.memory_space<vmem>>)
      %dma_start3A_649 = arith.constant 1 : i32
      %dma_start3A_650 = arith.constant 0 : i32
      %dma_start3A_651 = tpu.memref_slice %arg9[%dma_start3A_649, %dma_start3A_650] : memref<8x64xi32, #tpu.memory_space<vmem>> -> memref<1x64xi32, #tpu.memory_space<vmem>>
      %dma_start3A_652 = tpu.memref_squeeze %dma_start3A_651 : memref<1x64xi32, #tpu.memory_space<vmem>> -> memref<64xi32, #tpu.memory_space<vmem>>
      %dma_start3A_653 = arith.constant 0 : i32
      %dma_start3A_654 = arith.constant 0 : i32
      %dma_start3A_655 = tpu.memref_slice %arg15[%dma_start3A_653, %dma_start3A_654] : memref<10240x128xf32, #tpu.memory_space<vmem_shared>> -> memref<10240x128xf32, #tpu.memory_space<vmem_shared>>
      tpu.enqueue_indirect_dma source(%arg11 : memref<64x128xf32, #tpu.memory_space<vmem>>) target(%dma_start3A_655 : memref<10240x128xf32, #tpu.memory_space<vmem_shared>>) offsets(%dma_start3A_652 : memref<64xi32, #tpu.memory_space<vmem>>) semaphore(%arg21 : memref<!tpu.dma_semaphore, #tpu.memory_space<semaphore_mem>>) {add = true}
      %get3A_656 = arith.constant 1 : i32
      %get3A_657 = arith.index_cast %get3A_656 : i32 to index
      %get3A_658 = arith.constant 0 : index
      %get3A_659 = tpu.vector_load %arg9[%get3A_657, %get3A_658] {strides = array<i32>} : memref<8x64xi32, #tpu.memory_space<vmem>>, vector<16xi32>,
      tpu.vector_store_idx %arg14[%get3A_659], %broadcast_in_dim3A_1 {add = true} : memref<10240xf32, #tpu.memory_space<vmem>>[vector<16xi32>], vector<16xf32>,
      %get3A_660 = arith.constant 1 : i32
      %get3A_661 = arith.index_cast %get3A_660 : i32 to index
      %get3A_662 = arith.constant 16 : index
      %get3A_663 = tpu.vector_load %arg9[%get3A_661, %get3A_662] {strides = array<i32>} : memref<8x64xi32, #tpu.memory_space<vmem>>, vector<16xi32>,
      tpu.vector_store_idx %arg14[%get3A_663], %broadcast_in_dim3A_1 {add = true} : memref<10240xf32, #tpu.memory_space<vmem>>[vector<16xi32>], vector<16xf32>,
      %get3A_664 = arith.constant 1 : i32
      %get3A_665 = arith.index_cast %get3A_664 : i32 to index
      %get3A_666 = arith.constant 32 : index
      %get3A_667 = tpu.vector_load %arg9[%get3A_665, %get3A_666] {strides = array<i32>} : memref<8x64xi32, #tpu.memory_space<vmem>>, vector<16xi32>,
      tpu.vector_store_idx %arg14[%get3A_667], %broadcast_in_dim3A_1 {add = true} : memref<10240xf32, #tpu.memory_space<vmem>>[vector<16xi32>], vector<16xf32>,
      %get3A_668 = arith.constant 1 : i32
      %get3A_669 = arith.index_cast %get3A_668 : i32 to index
      %get3A_670 = arith.constant 48 : index
      %get3A_671 = tpu.vector_load %arg9[%get3A_669, %get3A_670] {strides = array<i32>} : memref<8x64xi32, #tpu.memory_space<vmem>>, vector<16xi32>,
      tpu.vector_store_idx %arg14[%get3A_671], %broadcast_in_dim3A_1 {add = true} : memref<10240xf32, #tpu.memory_space<vmem>>[vector<16xi32>], vector<16xf32>,
      %ge3A_672 = arith.constant 1 : i32
      %ge3A_673 = arith.cmpi sge, %add3A_641, %ge3A_672 : i32
      %convert_element_type3A_674 = arith.extui %ge3A_673 : i1 to i32
      %cond3A_675 = arith.constant 0 : i32
      %cond3A_676 = arith.cmpi ne, %convert_element_type3A_674, %cond3A_675 : i32
      scf.if %cond3A_676 {
        %dma_wait3A_974 = arith.constant 1 : i32
        %dma_wait3A_975 = arith.constant 0 : i32
        %dma_wait3A_976 = tpu.memref_slice %arg9[%dma_wait3A_974, %dma_wait3A_975] : memref<8x64xi32, #tpu.memory_space<vmem>> -> memref<1x64xi32, #tpu.memory_space<vmem>>
        %dma_wait3A_977 = tpu.memref_squeeze %dma_wait3A_976 : memref<1x64xi32, #tpu.memory_space<vmem>> -> memref<64xi32, #tpu.memory_space<vmem>>
        %dma_wait3A_978 = arith.constant 0 : i32
        %dma_wait3A_979 = arith.constant 0 : i32
        %dma_wait3A_980 = tpu.memref_slice %arg15[%dma_wait3A_978, %dma_wait3A_979] : memref<10240x128xf32, #tpu.memory_space<vmem_shared>> -> memref<10240x128xf32, #tpu.memory_space<vmem_shared>>
        tpu.wait_indirect_dma semaphore(%arg20 : memref<!tpu.dma_semaphore, #tpu.memory_space<semaphore_mem>>) src(%arg10 : memref<64x128xf32, #tpu.memory_space<vmem>>) dst(%dma_wait3A_980 : memref<10240x128xf32, #tpu.memory_space<vmem_shared>>)
      } else {
      }
      %dma_start3A_677 = arith.constant 4 : i32
      %dma_start3A_678 = arith.constant 0 : i32
      %dma_start3A_679 = tpu.memref_slice %arg7[%dma_start3A_677, %dma_start3A_678] : memref<8x64xi32, #tpu.memory_space<vmem>> -> memref<1x64xi32, #tpu.memory_space<vmem>>
      %dma_start3A_680 = tpu.memref_squeeze %dma_start3A_679 : memref<1x64xi32, #tpu.memory_space<vmem>> -> memref<64xi32, #tpu.memory_space<vmem>>
      %dma_start3A_681 = arith.constant 0 : i32
      %dma_start3A_682 = arith.constant 0 : i32
      %dma_start3A_683 = tpu.memref_slice %arg2[%dma_start3A_681, %dma_start3A_682] : memref<10000x128xf32, #tpu.memory_space<hbm>> -> memref<10000x128xf32, #tpu.memory_space<hbm>>
      tpu.enqueue_indirect_dma source(%dma_start3A_683 : memref<10000x128xf32, #tpu.memory_space<hbm>>) target(%arg10 : memref<64x128xf32, #tpu.memory_space<vmem>>) offsets(%dma_start3A_680 : memref<64xi32, #tpu.memory_space<vmem>>) semaphore(%arg16 : memref<!tpu.dma_semaphore, #tpu.memory_space<semaphore_mem>>)
      %mul3A_684 = arith.constant 8 : i32
      %mul3A_685 = arith.muli %add3A_591, %mul3A_684 : i32
      %add3A_686 = arith.constant 2 : i32
      %add3A_687 = arith.addi %mul3A_685, %add3A_686 : i32
      %dma_wait3A_688 = arith.constant 2 : i32
      %dma_wait3A_689 = arith.constant 0 : i32
      %dma_wait3A_690 = tpu.memref_slice %arg7[%dma_wait3A_688, %dma_wait3A_689] : memref<8x64xi32, #tpu.memory_space<vmem>> -> memref<1x64xi32, #tpu.memory_space<vmem>>
      %dma_wait3A_691 = tpu.memref_squeeze %dma_wait3A_690 : memref<1x64xi32, #tpu.memory_space<vmem>> -> memref<64xi32, #tpu.memory_space<vmem>>
      %dma_wait3A_692 = arith.constant 0 : i32
      %dma_wait3A_693 = arith.constant 0 : i32
      %dma_wait3A_694 = tpu.memref_slice %arg2[%dma_wait3A_692, %dma_wait3A_693] : memref<10000x128xf32, #tpu.memory_space<hbm>> -> memref<10000x128xf32, #tpu.memory_space<hbm>>
      tpu.wait_indirect_dma semaphore(%arg18 : memref<!tpu.dma_semaphore, #tpu.memory_space<semaphore_mem>>) src(%dma_wait3A_694 : memref<10000x128xf32, #tpu.memory_space<hbm>>) dst(%arg12 : memref<64x128xf32, #tpu.memory_space<vmem>>)
      %dma_start3A_695 = arith.constant 2 : i32
      %dma_start3A_696 = arith.constant 0 : i32
      %dma_start3A_697 = tpu.memref_slice %arg9[%dma_start3A_695, %dma_start3A_696] : memref<8x64xi32, #tpu.memory_space<vmem>> -> memref<1x64xi32, #tpu.memory_space<vmem>>
      %dma_start3A_698 = tpu.memref_squeeze %dma_start3A_697 : memref<1x64xi32, #tpu.memory_space<vmem>> -> memref<64xi32, #tpu.memory_space<vmem>>
      %dma_start3A_699 = arith.constant 0 : i32
      %dma_start3A_700 = arith.constant 0 : i32
      %dma_start3A_701 = tpu.memref_slice %arg15[%dma_start3A_699, %dma_start3A_700] : memref<10240x128xf32, #tpu.memory_space<vmem_shared>> -> memref<10240x128xf32, #tpu.memory_space<vmem_shared>>
      tpu.enqueue_indirect_dma source(%arg12 : memref<64x128xf32, #tpu.memory_space<vmem>>) target(%dma_start3A_701 : memref<10240x128xf32, #tpu.memory_space<vmem_shared>>) offsets(%dma_start3A_698 : memref<64xi32, #tpu.memory_space<vmem>>) semaphore(%arg22 : memref<!tpu.dma_semaphore, #tpu.memory_space<semaphore_mem>>) {add = true}
      %get3A_702 = arith.constant 2 : i32
      %get3A_703 = arith.index_cast %get3A_702 : i32 to index
      %get3A_704 = arith.constant 0 : index
      %get3A_705 = tpu.vector_load %arg9[%get3A_703, %get3A_704] {strides = array<i32>} : memref<8x64xi32, #tpu.memory_space<vmem>>, vector<16xi32>,
      tpu.vector_store_idx %arg14[%get3A_705], %broadcast_in_dim3A_1 {add = true} : memref<10240xf32, #tpu.memory_space<vmem>>[vector<16xi32>], vector<16xf32>,
      %get3A_706 = arith.constant 2 : i32
      %get3A_707 = arith.index_cast %get3A_706 : i32 to index
      %get3A_708 = arith.constant 16 : index
      %get3A_709 = tpu.vector_load %arg9[%get3A_707, %get3A_708] {strides = array<i32>} : memref<8x64xi32, #tpu.memory_space<vmem>>, vector<16xi32>,
      tpu.vector_store_idx %arg14[%get3A_709], %broadcast_in_dim3A_1 {add = true} : memref<10240xf32, #tpu.memory_space<vmem>>[vector<16xi32>], vector<16xf32>,
      %get3A_710 = arith.constant 2 : i32
      %get3A_711 = arith.index_cast %get3A_710 : i32 to index
      %get3A_712 = arith.constant 32 : index
      %get3A_713 = tpu.vector_load %arg9[%get3A_711, %get3A_712] {strides = array<i32>} : memref<8x64xi32, #tpu.memory_space<vmem>>, vector<16xi32>,
      tpu.vector_store_idx %arg14[%get3A_713], %broadcast_in_dim3A_1 {add = true} : memref<10240xf32, #tpu.memory_space<vmem>>[vector<16xi32>], vector<16xf32>,
      %get3A_714 = arith.constant 2 : i32
      %get3A_715 = arith.index_cast %get3A_714 : i32 to index
      %get3A_716 = arith.constant 48 : index
      %get3A_717 = tpu.vector_load %arg9[%get3A_715, %get3A_716] {strides = array<i32>} : memref<8x64xi32, #tpu.memory_space<vmem>>, vector<16xi32>,
      tpu.vector_store_idx %arg14[%get3A_717], %broadcast_in_dim3A_1 {add = true} : memref<10240xf32, #tpu.memory_space<vmem>>[vector<16xi32>], vector<16xf32>,
      %add3A_718 = arith.constant 1 : i32
      %add3A_719 = arith.addi %add3A_591, %add3A_718 : i32
      %lt3A_720 = arith.constant 20 : i32
      %lt3A_721 = arith.cmpi slt, %add3A_719, %lt3A_720 : i32
      %convert_element_type3A_722 = arith.extui %lt3A_721 : i1 to i32
      %cond3A_723 = arith.constant 0 : i32
      %cond3A_724 = arith.cmpi ne, %convert_element_type3A_722, %cond3A_723 : i32
      scf.if %cond3A_724 {
        %add3A_974 = arith.constant 1 : i32
        %add3A_975 = arith.addi %add3A_591, %add3A_974 : i32
        %mul3A_976 = arith.constant 8 : i32
        %mul3A_977 = arith.muli %add3A_975, %mul3A_976 : i32
        %dma_start3A_978 = arith.constant 0 : i32
        %dma_start3A_979 = arith.constant 0 : i32
        %dma_start3A_980 = tpu.memref_slice %arg3[%dma_start3A_978, %add3A, %mul3A_977, %dma_start3A_979] : memref<2x32x160x64xi32, #tpu.memory_space<hbm>> -> memref<1x1x8x64xi32, #tpu.memory_space<hbm>>
        %dma_start3A_981 = tpu.memref_squeeze %dma_start3A_980 : memref<1x1x8x64xi32, #tpu.memory_space<hbm>> -> memref<8x64xi32, #tpu.memory_space<hbm>>
        %dma_start3A_982 = arith.constant 0 : i32
        %dma_start3A_983 = tpu.memref_slice %arg3[%dma_start3A_978, %add3A, %mul3A_977, %dma_start3A_982] : memref<2x32x160x64xi32, #tpu.memory_space<hbm>> -> memref<1x1x8x64xi32, #tpu.memory_space<hbm>>
        %dma_start3A_984 = tpu.memref_squeeze %dma_start3A_983 : memref<1x1x8x64xi32, #tpu.memory_space<hbm>> -> memref<8x64xi32, #tpu.memory_space<hbm>>
        tpu.enqueue_dma source(%dma_start3A_984 : memref<8x64xi32, #tpu.memory_space<hbm>>) target(%arg6 : memref<8x64xi32, #tpu.memory_space<vmem>>) target_semaphore(%arg24 : memref<!tpu.dma_semaphore, #tpu.memory_space<semaphore_mem>>)
        %mul3A_985 = arith.constant 8 : i32
        %mul3A_986 = arith.muli %add3A_975, %mul3A_985 : i32
        %dma_start3A_987 = arith.constant 1 : i32
        %dma_start3A_988 = arith.constant 0 : i32
        %dma_start3A_989 = tpu.memref_slice %arg3[%dma_start3A_987, %add3A, %mul3A_986, %dma_start3A_988] : memref<2x32x160x64xi32, #tpu.memory_space<hbm>> -> memref<1x1x8x64xi32, #tpu.memory_space<hbm>>
        %dma_start3A_990 = tpu.memref_squeeze %dma_start3A_989 : memref<1x1x8x64xi32, #tpu.memory_space<hbm>> -> memref<8x64xi32, #tpu.memory_space<hbm>>
        %dma_start3A_991 = arith.constant 0 : i32
        %dma_start3A_992 = tpu.memref_slice %arg3[%dma_start3A_987, %add3A, %mul3A_986, %dma_start3A_991] : memref<2x32x160x64xi32, #tpu.memory_space<hbm>> -> memref<1x1x8x64xi32, #tpu.memory_space<hbm>>
        %dma_start3A_993 = tpu.memref_squeeze %dma_start3A_992 : memref<1x1x8x64xi32, #tpu.memory_space<hbm>> -> memref<8x64xi32, #tpu.memory_space<hbm>>
        tpu.enqueue_dma source(%dma_start3A_993 : memref<8x64xi32, #tpu.memory_space<hbm>>) target(%arg8 : memref<8x64xi32, #tpu.memory_space<vmem>>) target_semaphore(%arg24 : memref<!tpu.dma_semaphore, #tpu.memory_space<semaphore_mem>>)
      } else {
      }
      %ge3A_725 = arith.constant 1 : i32
      %ge3A_726 = arith.cmpi sge, %add3A_687, %ge3A_725 : i32
      %convert_element_type3A_727 = arith.extui %ge3A_726 : i1 to i32
      %cond3A_728 = arith.constant 0 : i32
      %cond3A_729 = arith.cmpi ne, %convert_element_type3A_727, %cond3A_728 : i32
      scf.if %cond3A_729 {
        %dma_wait3A_974 = arith.constant 2 : i32
        %dma_wait3A_975 = arith.constant 0 : i32
        %dma_wait3A_976 = tpu.memref_slice %arg9[%dma_wait3A_974, %dma_wait3A_975] : memref<8x64xi32, #tpu.memory_space<vmem>> -> memref<1x64xi32, #tpu.memory_space<vmem>>
        %dma_wait3A_977 = tpu.memref_squeeze %dma_wait3A_976 : memref<1x64xi32, #tpu.memory_space<vmem>> -> memref<64xi32, #tpu.memory_space<vmem>>
        %dma_wait3A_978 = arith.constant 0 : i32
        %dma_wait3A_979 = arith.constant 0 : i32
        %dma_wait3A_980 = tpu.memref_slice %arg15[%dma_wait3A_978, %dma_wait3A_979] : memref<10240x128xf32, #tpu.memory_space<vmem_shared>> -> memref<10240x128xf32, #tpu.memory_space<vmem_shared>>
        tpu.wait_indirect_dma semaphore(%arg21 : memref<!tpu.dma_semaphore, #tpu.memory_space<semaphore_mem>>) src(%arg11 : memref<64x128xf32, #tpu.memory_space<vmem>>) dst(%dma_wait3A_980 : memref<10240x128xf32, #tpu.memory_space<vmem_shared>>)
      } else {
      }
      %dma_start3A_730 = arith.constant 5 : i32
      %dma_start3A_731 = arith.constant 0 : i32
      %dma_start3A_732 = tpu.memref_slice %arg7[%dma_start3A_730, %dma_start3A_731] : memref<8x64xi32, #tpu.memory_space<vmem>> -> memref<1x64xi32, #tpu.memory_space<vmem>>
      %dma_start3A_733 = tpu.memref_squeeze %dma_start3A_732 : memref<1x64xi32, #tpu.memory_space<vmem>> -> memref<64xi32, #tpu.memory_space<vmem>>
      %dma_start3A_734 = arith.constant 0 : i32
      %dma_start3A_735 = arith.constant 0 : i32
      %dma_start3A_736 = tpu.memref_slice %arg2[%dma_start3A_734, %dma_start3A_735] : memref<10000x128xf32, #tpu.memory_space<hbm>> -> memref<10000x128xf32, #tpu.memory_space<hbm>>
      tpu.enqueue_indirect_dma source(%dma_start3A_736 : memref<10000x128xf32, #tpu.memory_space<hbm>>) target(%arg11 : memref<64x128xf32, #tpu.memory_space<vmem>>) offsets(%dma_start3A_733 : memref<64xi32, #tpu.memory_space<vmem>>) semaphore(%arg17 : memref<!tpu.dma_semaphore, #tpu.memory_space<semaphore_mem>>)
      %mul3A_737 = arith.constant 8 : i32
      %mul3A_738 = arith.muli %add3A_591, %mul3A_737 : i32
      %add3A_739 = arith.constant 3 : i32
      %add3A_740 = arith.addi %mul3A_738, %add3A_739 : i32
      %dma_wait3A_741 = arith.constant 3 : i32
      %dma_wait3A_742 = arith.constant 0 : i32
      %dma_wait3A_743 = tpu.memref_slice %arg7[%dma_wait3A_741, %dma_wait3A_742] : memref<8x64xi32, #tpu.memory_space<vmem>> -> memref<1x64xi32, #tpu.memory_space<vmem>>
      %dma_wait3A_744 = tpu.memref_squeeze %dma_wait3A_743 : memref<1x64xi32, #tpu.memory_space<vmem>> -> memref<64xi32, #tpu.memory_space<vmem>>
      %dma_wait3A_745 = arith.constant 0 : i32
      %dma_wait3A_746 = arith.constant 0 : i32
      %dma_wait3A_747 = tpu.memref_slice %arg2[%dma_wait3A_745, %dma_wait3A_746] : memref<10000x128xf32, #tpu.memory_space<hbm>> -> memref<10000x128xf32, #tpu.memory_space<hbm>>
      tpu.wait_indirect_dma semaphore(%arg19 : memref<!tpu.dma_semaphore, #tpu.memory_space<semaphore_mem>>) src(%dma_wait3A_747 : memref<10000x128xf32, #tpu.memory_space<hbm>>) dst(%arg13 : memref<64x128xf32, #tpu.memory_space<vmem>>)
      %dma_start3A_748 = arith.constant 3 : i32
      %dma_start3A_749 = arith.constant 0 : i32
      %dma_start3A_750 = tpu.memref_slice %arg9[%dma_start3A_748, %dma_start3A_749] : memref<8x64xi32, #tpu.memory_space<vmem>> -> memref<1x64xi32, #tpu.memory_space<vmem>>
      %dma_start3A_751 = tpu.memref_squeeze %dma_start3A_750 : memref<1x64xi32, #tpu.memory_space<vmem>> -> memref<64xi32, #tpu.memory_space<vmem>>
      %dma_start3A_752 = arith.constant 0 : i32
      %dma_start3A_753 = arith.constant 0 : i32
      %dma_start3A_754 = tpu.memref_slice %arg15[%dma_start3A_752, %dma_start3A_753] : memref<10240x128xf32, #tpu.memory_space<vmem_shared>> -> memref<10240x128xf32, #tpu.memory_space<vmem_shared>>
      tpu.enqueue_indirect_dma source(%arg13 : memref<64x128xf32, #tpu.memory_space<vmem>>) target(%dma_start3A_754 : memref<10240x128xf32, #tpu.memory_space<vmem_shared>>) offsets(%dma_start3A_751 : memref<64xi32, #tpu.memory_space<vmem>>) semaphore(%arg23 : memref<!tpu.dma_semaphore, #tpu.memory_space<semaphore_mem>>) {add = true}
      %get3A_755 = arith.constant 3 : i32
      %get3A_756 = arith.index_cast %get3A_755 : i32 to index
      %get3A_757 = arith.constant 0 : index
      %get3A_758 = tpu.vector_load %arg9[%get3A_756, %get3A_757] {strides = array<i32>} : memref<8x64xi32, #tpu.memory_space<vmem>>, vector<16xi32>,
      tpu.vector_store_idx %arg14[%get3A_758], %broadcast_in_dim3A_1 {add = true} : memref<10240xf32, #tpu.memory_space<vmem>>[vector<16xi32>], vector<16xf32>,
      %get3A_759 = arith.constant 3 : i32
      %get3A_760 = arith.index_cast %get3A_759 : i32 to index
      %get3A_761 = arith.constant 16 : index
      %get3A_762 = tpu.vector_load %arg9[%get3A_760, %get3A_761] {strides = array<i32>} : memref<8x64xi32, #tpu.memory_space<vmem>>, vector<16xi32>,
      tpu.vector_store_idx %arg14[%get3A_762], %broadcast_in_dim3A_1 {add = true} : memref<10240xf32, #tpu.memory_space<vmem>>[vector<16xi32>], vector<16xf32>,
      %get3A_763 = arith.constant 3 : i32
      %get3A_764 = arith.index_cast %get3A_763 : i32 to index
      %get3A_765 = arith.constant 32 : index
      %get3A_766 = tpu.vector_load %arg9[%get3A_764, %get3A_765] {strides = array<i32>} : memref<8x64xi32, #tpu.memory_space<vmem>>, vector<16xi32>,
      tpu.vector_store_idx %arg14[%get3A_766], %broadcast_in_dim3A_1 {add = true} : memref<10240xf32, #tpu.memory_space<vmem>>[vector<16xi32>], vector<16xf32>,
      %get3A_767 = arith.constant 3 : i32
      %get3A_768 = arith.index_cast %get3A_767 : i32 to index
      %get3A_769 = arith.constant 48 : index
      %get3A_770 = tpu.vector_load %arg9[%get3A_768, %get3A_769] {strides = array<i32>} : memref<8x64xi32, #tpu.memory_space<vmem>>, vector<16xi32>,
      tpu.vector_store_idx %arg14[%get3A_770], %broadcast_in_dim3A_1 {add = true} : memref<10240xf32, #tpu.memory_space<vmem>>[vector<16xi32>], vector<16xf32>,
      %ge3A_771 = arith.constant 1 : i32
      %ge3A_772 = arith.cmpi sge, %add3A_740, %ge3A_771 : i32
      %convert_element_type3A_773 = arith.extui %ge3A_772 : i1 to i32
      %cond3A_774 = arith.constant 0 : i32
      %cond3A_775 = arith.cmpi ne, %convert_element_type3A_773, %cond3A_774 : i32
      scf.if %cond3A_775 {
        %dma_wait3A_974 = arith.constant 3 : i32
        %dma_wait3A_975 = arith.constant 0 : i32
        %dma_wait3A_976 = tpu.memref_slice %arg9[%dma_wait3A_974, %dma_wait3A_975] : memref<8x64xi32, #tpu.memory_space<vmem>> -> memref<1x64xi32, #tpu.memory_space<vmem>>
        %dma_wait3A_977 = tpu.memref_squeeze %dma_wait3A_976 : memref<1x64xi32, #tpu.memory_space<vmem>> -> memref<64xi32, #tpu.memory_space<vmem>>
        %dma_wait3A_978 = arith.constant 0 : i32
        %dma_wait3A_979 = arith.constant 0 : i32
        %dma_wait3A_980 = tpu.memref_slice %arg15[%dma_wait3A_978, %dma_wait3A_979] : memref<10240x128xf32, #tpu.memory_space<vmem_shared>> -> memref<10240x128xf32, #tpu.memory_space<vmem_shared>>
        tpu.wait_indirect_dma semaphore(%arg22 : memref<!tpu.dma_semaphore, #tpu.memory_space<semaphore_mem>>) src(%arg12 : memref<64x128xf32, #tpu.memory_space<vmem>>) dst(%dma_wait3A_980 : memref<10240x128xf32, #tpu.memory_space<vmem_shared>>)
      } else {
      }
      %dma_start3A_776 = arith.constant 6 : i32
      %dma_start3A_777 = arith.constant 0 : i32
      %dma_start3A_778 = tpu.memref_slice %arg7[%dma_start3A_776, %dma_start3A_777] : memref<8x64xi32, #tpu.memory_space<vmem>> -> memref<1x64xi32, #tpu.memory_space<vmem>>
      %dma_start3A_779 = tpu.memref_squeeze %dma_start3A_778 : memref<1x64xi32, #tpu.memory_space<vmem>> -> memref<64xi32, #tpu.memory_space<vmem>>
      %dma_start3A_780 = arith.constant 0 : i32
      %dma_start3A_781 = arith.constant 0 : i32
      %dma_start3A_782 = tpu.memref_slice %arg2[%dma_start3A_780, %dma_start3A_781] : memref<10000x128xf32, #tpu.memory_space<hbm>> -> memref<10000x128xf32, #tpu.memory_space<hbm>>
      tpu.enqueue_indirect_dma source(%dma_start3A_782 : memref<10000x128xf32, #tpu.memory_space<hbm>>) target(%arg12 : memref<64x128xf32, #tpu.memory_space<vmem>>) offsets(%dma_start3A_779 : memref<64xi32, #tpu.memory_space<vmem>>) semaphore(%arg18 : memref<!tpu.dma_semaphore, #tpu.memory_space<semaphore_mem>>)
      %mul3A_783 = arith.constant 8 : i32
      %mul3A_784 = arith.muli %add3A_591, %mul3A_783 : i32
      %add3A_785 = arith.constant 4 : i32
      %add3A_786 = arith.addi %mul3A_784, %add3A_785 : i32
      %dma_wait3A_787 = arith.constant 4 : i32
      %dma_wait3A_788 = arith.constant 0 : i32
      %dma_wait3A_789 = tpu.memref_slice %arg7[%dma_wait3A_787, %dma_wait3A_788] : memref<8x64xi32, #tpu.memory_space<vmem>> -> memref<1x64xi32, #tpu.memory_space<vmem>>
      %dma_wait3A_790 = tpu.memref_squeeze %dma_wait3A_789 : memref<1x64xi32, #tpu.memory_space<vmem>> -> memref<64xi32, #tpu.memory_space<vmem>>
      %dma_wait3A_791 = arith.constant 0 : i32
      %dma_wait3A_792 = arith.constant 0 : i32
      %dma_wait3A_793 = tpu.memref_slice %arg2[%dma_wait3A_791, %dma_wait3A_792] : memref<10000x128xf32, #tpu.memory_space<hbm>> -> memref<10000x128xf32, #tpu.memory_space<hbm>>
      tpu.wait_indirect_dma semaphore(%arg16 : memref<!tpu.dma_semaphore, #tpu.memory_space<semaphore_mem>>) src(%dma_wait3A_793 : memref<10000x128xf32, #tpu.memory_space<hbm>>) dst(%arg10 : memref<64x128xf32, #tpu.memory_space<vmem>>)
      %dma_start3A_794 = arith.constant 4 : i32
      %dma_start3A_795 = arith.constant 0 : i32
      %dma_start3A_796 = tpu.memref_slice %arg9[%dma_start3A_794, %dma_start3A_795] : memref<8x64xi32, #tpu.memory_space<vmem>> -> memref<1x64xi32, #tpu.memory_space<vmem>>
      %dma_start3A_797 = tpu.memref_squeeze %dma_start3A_796 : memref<1x64xi32, #tpu.memory_space<vmem>> -> memref<64xi32, #tpu.memory_space<vmem>>
      %dma_start3A_798 = arith.constant 0 : i32
      %dma_start3A_799 = arith.constant 0 : i32
      %dma_start3A_800 = tpu.memref_slice %arg15[%dma_start3A_798, %dma_start3A_799] : memref<10240x128xf32, #tpu.memory_space<vmem_shared>> -> memref<10240x128xf32, #tpu.memory_space<vmem_shared>>
      tpu.enqueue_indirect_dma source(%arg10 : memref<64x128xf32, #tpu.memory_space<vmem>>) target(%dma_start3A_800 : memref<10240x128xf32, #tpu.memory_space<vmem_shared>>) offsets(%dma_start3A_797 : memref<64xi32, #tpu.memory_space<vmem>>) semaphore(%arg20 : memref<!tpu.dma_semaphore, #tpu.memory_space<semaphore_mem>>) {add = true}
      %get3A_801 = arith.constant 4 : i32
      %get3A_802 = arith.index_cast %get3A_801 : i32 to index
      %get3A_803 = arith.constant 0 : index
      %get3A_804 = tpu.vector_load %arg9[%get3A_802, %get3A_803] {strides = array<i32>} : memref<8x64xi32, #tpu.memory_space<vmem>>, vector<16xi32>,
      tpu.vector_store_idx %arg14[%get3A_804], %broadcast_in_dim3A_1 {add = true} : memref<10240xf32, #tpu.memory_space<vmem>>[vector<16xi32>], vector<16xf32>,
      %get3A_805 = arith.constant 4 : i32
      %get3A_806 = arith.index_cast %get3A_805 : i32 to index
      %get3A_807 = arith.constant 16 : index
      %get3A_808 = tpu.vector_load %arg9[%get3A_806, %get3A_807] {strides = array<i32>} : memref<8x64xi32, #tpu.memory_space<vmem>>, vector<16xi32>,
      tpu.vector_store_idx %arg14[%get3A_808], %broadcast_in_dim3A_1 {add = true} : memref<10240xf32, #tpu.memory_space<vmem>>[vector<16xi32>], vector<16xf32>,
      %get3A_809 = arith.constant 4 : i32
      %get3A_810 = arith.index_cast %get3A_809 : i32 to index
      %get3A_811 = arith.constant 32 : index
      %get3A_812 = tpu.vector_load %arg9[%get3A_810, %get3A_811] {strides = array<i32>} : memref<8x64xi32, #tpu.memory_space<vmem>>, vector<16xi32>,
      tpu.vector_store_idx %arg14[%get3A_812], %broadcast_in_dim3A_1 {add = true} : memref<10240xf32, #tpu.memory_space<vmem>>[vector<16xi32>], vector<16xf32>,
      %get3A_813 = arith.constant 4 : i32
      %get3A_814 = arith.index_cast %get3A_813 : i32 to index
      %get3A_815 = arith.constant 48 : index
      %get3A_816 = tpu.vector_load %arg9[%get3A_814, %get3A_815] {strides = array<i32>} : memref<8x64xi32, #tpu.memory_space<vmem>>, vector<16xi32>,
      tpu.vector_store_idx %arg14[%get3A_816], %broadcast_in_dim3A_1 {add = true} : memref<10240xf32, #tpu.memory_space<vmem>>[vector<16xi32>], vector<16xf32>,
      %ge3A_817 = arith.constant 1 : i32
      %ge3A_818 = arith.cmpi sge, %add3A_786, %ge3A_817 : i32
      %convert_element_type3A_819 = arith.extui %ge3A_818 : i1 to i32
      %cond3A_820 = arith.constant 0 : i32
      %cond3A_821 = arith.cmpi ne, %convert_element_type3A_819, %cond3A_820 : i32
      scf.if %cond3A_821 {
        %dma_wait3A_974 = arith.constant 4 : i32
        %dma_wait3A_975 = arith.constant 0 : i32
        %dma_wait3A_976 = tpu.memref_slice %arg9[%dma_wait3A_974, %dma_wait3A_975] : memref<8x64xi32, #tpu.memory_space<vmem>> -> memref<1x64xi32, #tpu.memory_space<vmem>>
        %dma_wait3A_977 = tpu.memref_squeeze %dma_wait3A_976 : memref<1x64xi32, #tpu.memory_space<vmem>> -> memref<64xi32, #tpu.memory_space<vmem>>
        %dma_wait3A_978 = arith.constant 0 : i32
        %dma_wait3A_979 = arith.constant 0 : i32
        %dma_wait3A_980 = tpu.memref_slice %arg15[%dma_wait3A_978, %dma_wait3A_979] : memref<10240x128xf32, #tpu.memory_space<vmem_shared>> -> memref<10240x128xf32, #tpu.memory_space<vmem_shared>>
        tpu.wait_indirect_dma semaphore(%arg23 : memref<!tpu.dma_semaphore, #tpu.memory_space<semaphore_mem>>) src(%arg13 : memref<64x128xf32, #tpu.memory_space<vmem>>) dst(%dma_wait3A_980 : memref<10240x128xf32, #tpu.memory_space<vmem_shared>>)
      } else {
      }
      %dma_start3A_822 = arith.constant 7 : i32
      %dma_start3A_823 = arith.constant 0 : i32
      %dma_start3A_824 = tpu.memref_slice %arg7[%dma_start3A_822, %dma_start3A_823] : memref<8x64xi32, #tpu.memory_space<vmem>> -> memref<1x64xi32, #tpu.memory_space<vmem>>
      %dma_start3A_825 = tpu.memref_squeeze %dma_start3A_824 : memref<1x64xi32, #tpu.memory_space<vmem>> -> memref<64xi32, #tpu.memory_space<vmem>>
      %dma_start3A_826 = arith.constant 0 : i32
      %dma_start3A_827 = arith.constant 0 : i32
      %dma_start3A_828 = tpu.memref_slice %arg2[%dma_start3A_826, %dma_start3A_827] : memref<10000x128xf32, #tpu.memory_space<hbm>> -> memref<10000x128xf32, #tpu.memory_space<hbm>>
      tpu.enqueue_indirect_dma source(%dma_start3A_828 : memref<10000x128xf32, #tpu.memory_space<hbm>>) target(%arg13 : memref<64x128xf32, #tpu.memory_space<vmem>>) offsets(%dma_start3A_825 : memref<64xi32, #tpu.memory_space<vmem>>) semaphore(%arg19 : memref<!tpu.dma_semaphore, #tpu.memory_space<semaphore_mem>>)
      %mul3A_829 = arith.constant 8 : i32
      %mul3A_830 = arith.muli %add3A_591, %mul3A_829 : i32
      %add3A_831 = arith.constant 5 : i32
      %add3A_832 = arith.addi %mul3A_830, %add3A_831 : i32
      %dma_wait3A_833 = arith.constant 5 : i32
      %dma_wait3A_834 = arith.constant 0 : i32
      %dma_wait3A_835 = tpu.memref_slice %arg7[%dma_wait3A_833, %dma_wait3A_834] : memref<8x64xi32, #tpu.memory_space<vmem>> -> memref<1x64xi32, #tpu.memory_space<vmem>>
      %dma_wait3A_836 = tpu.memref_squeeze %dma_wait3A_835 : memref<1x64xi32, #tpu.memory_space<vmem>> -> memref<64xi32, #tpu.memory_space<vmem>>
      %dma_wait3A_837 = arith.constant 0 : i32
      %dma_wait3A_838 = arith.constant 0 : i32
      %dma_wait3A_839 = tpu.memref_slice %arg2[%dma_wait3A_837, %dma_wait3A_838] : memref<10000x128xf32, #tpu.memory_space<hbm>> -> memref<10000x128xf32, #tpu.memory_space<hbm>>
      tpu.wait_indirect_dma semaphore(%arg17 : memref<!tpu.dma_semaphore, #tpu.memory_space<semaphore_mem>>) src(%dma_wait3A_839 : memref<10000x128xf32, #tpu.memory_space<hbm>>) dst(%arg11 : memref<64x128xf32, #tpu.memory_space<vmem>>)
      %dma_start3A_840 = arith.constant 5 : i32
      %dma_start3A_841 = arith.constant 0 : i32
      %dma_start3A_842 = tpu.memref_slice %arg9[%dma_start3A_840, %dma_start3A_841] : memref<8x64xi32, #tpu.memory_space<vmem>> -> memref<1x64xi32, #tpu.memory_space<vmem>>
      %dma_start3A_843 = tpu.memref_squeeze %dma_start3A_842 : memref<1x64xi32, #tpu.memory_space<vmem>> -> memref<64xi32, #tpu.memory_space<vmem>>
      %dma_start3A_844 = arith.constant 0 : i32
      %dma_start3A_845 = arith.constant 0 : i32
      %dma_start3A_846 = tpu.memref_slice %arg15[%dma_start3A_844, %dma_start3A_845] : memref<10240x128xf32, #tpu.memory_space<vmem_shared>> -> memref<10240x128xf32, #tpu.memory_space<vmem_shared>>
      tpu.enqueue_indirect_dma source(%arg11 : memref<64x128xf32, #tpu.memory_space<vmem>>) target(%dma_start3A_846 : memref<10240x128xf32, #tpu.memory_space<vmem_shared>>) offsets(%dma_start3A_843 : memref<64xi32, #tpu.memory_space<vmem>>) semaphore(%arg21 : memref<!tpu.dma_semaphore, #tpu.memory_space<semaphore_mem>>) {add = true}
      %get3A_847 = arith.constant 5 : i32
      %get3A_848 = arith.index_cast %get3A_847 : i32 to index
      %get3A_849 = arith.constant 0 : index
      %get3A_850 = tpu.vector_load %arg9[%get3A_848, %get3A_849] {strides = array<i32>} : memref<8x64xi32, #tpu.memory_space<vmem>>, vector<16xi32>,
      tpu.vector_store_idx %arg14[%get3A_850], %broadcast_in_dim3A_1 {add = true} : memref<10240xf32, #tpu.memory_space<vmem>>[vector<16xi32>], vector<16xf32>,
      %get3A_851 = arith.constant 5 : i32
      %get3A_852 = arith.index_cast %get3A_851 : i32 to index
      %get3A_853 = arith.constant 16 : index
      %get3A_854 = tpu.vector_load %arg9[%get3A_852, %get3A_853] {strides = array<i32>} : memref<8x64xi32, #tpu.memory_space<vmem>>, vector<16xi32>,
      tpu.vector_store_idx %arg14[%get3A_854], %broadcast_in_dim3A_1 {add = true} : memref<10240xf32, #tpu.memory_space<vmem>>[vector<16xi32>], vector<16xf32>,
      %get3A_855 = arith.constant 5 : i32
      %get3A_856 = arith.index_cast %get3A_855 : i32 to index
      %get3A_857 = arith.constant 32 : index
      %get3A_858 = tpu.vector_load %arg9[%get3A_856, %get3A_857] {strides = array<i32>} : memref<8x64xi32, #tpu.memory_space<vmem>>, vector<16xi32>,
      tpu.vector_store_idx %arg14[%get3A_858], %broadcast_in_dim3A_1 {add = true} : memref<10240xf32, #tpu.memory_space<vmem>>[vector<16xi32>], vector<16xf32>,
      %get3A_859 = arith.constant 5 : i32
      %get3A_860 = arith.index_cast %get3A_859 : i32 to index
      %get3A_861 = arith.constant 48 : index
      %get3A_862 = tpu.vector_load %arg9[%get3A_860, %get3A_861] {strides = array<i32>} : memref<8x64xi32, #tpu.memory_space<vmem>>, vector<16xi32>,
      tpu.vector_store_idx %arg14[%get3A_862], %broadcast_in_dim3A_1 {add = true} : memref<10240xf32, #tpu.memory_space<vmem>>[vector<16xi32>], vector<16xf32>,
      %ge3A_863 = arith.constant 1 : i32
      %ge3A_864 = arith.cmpi sge, %add3A_832, %ge3A_863 : i32
      %convert_element_type3A_865 = arith.extui %ge3A_864 : i1 to i32
      %cond3A_866 = arith.constant 0 : i32
      %cond3A_867 = arith.cmpi ne, %convert_element_type3A_865, %cond3A_866 : i32
      scf.if %cond3A_867 {
        %dma_wait3A_974 = arith.constant 5 : i32
        %dma_wait3A_975 = arith.constant 0 : i32
        %dma_wait3A_976 = tpu.memref_slice %arg9[%dma_wait3A_974, %dma_wait3A_975] : memref<8x64xi32, #tpu.memory_space<vmem>> -> memref<1x64xi32, #tpu.memory_space<vmem>>
        %dma_wait3A_977 = tpu.memref_squeeze %dma_wait3A_976 : memref<1x64xi32, #tpu.memory_space<vmem>> -> memref<64xi32, #tpu.memory_space<vmem>>
        %dma_wait3A_978 = arith.constant 0 : i32
        %dma_wait3A_979 = arith.constant 0 : i32
        %dma_wait3A_980 = tpu.memref_slice %arg15[%dma_wait3A_978, %dma_wait3A_979] : memref<10240x128xf32, #tpu.memory_space<vmem_shared>> -> memref<10240x128xf32, #tpu.memory_space<vmem_shared>>
        tpu.wait_indirect_dma semaphore(%arg20 : memref<!tpu.dma_semaphore, #tpu.memory_space<semaphore_mem>>) src(%arg10 : memref<64x128xf32, #tpu.memory_space<vmem>>) dst(%dma_wait3A_980 : memref<10240x128xf32, #tpu.memory_space<vmem_shared>>)
      } else {
      }
      %add3A_868 = arith.constant 1 : i32
      %add3A_869 = arith.addi %add3A_591, %add3A_868 : i32
      %lt3A_870 = arith.constant 20 : i32
      %lt3A_871 = arith.cmpi slt, %add3A_869, %lt3A_870 : i32
      %convert_element_type3A_872 = arith.extui %lt3A_871 : i1 to i32
      %cond3A_873 = arith.constant 0 : i32
      %cond3A_874 = arith.cmpi ne, %convert_element_type3A_872, %cond3A_873 : i32
      scf.if %cond3A_874 {
        %add3A_974 = arith.constant 1 : i32
        %add3A_975 = arith.addi %add3A_591, %add3A_974 : i32
        %mul3A_976 = arith.constant 8 : i32
        %mul3A_977 = arith.muli %add3A_975, %mul3A_976 : i32
        %dma_wait3A_978 = arith.constant 0 : i32
        %dma_wait3A_979 = arith.constant 0 : i32
        %dma_wait3A_980 = tpu.memref_slice %arg3[%dma_wait3A_978, %add3A, %mul3A_977, %dma_wait3A_979] : memref<2x32x160x64xi32, #tpu.memory_space<hbm>> -> memref<1x1x8x64xi32, #tpu.memory_space<hbm>>
        %dma_wait3A_981 = tpu.memref_squeeze %dma_wait3A_980 : memref<1x1x8x64xi32, #tpu.memory_space<hbm>> -> memref<8x64xi32, #tpu.memory_space<hbm>>
        %dma_wait3A_982 = arith.constant 0 : i32
        %dma_wait3A_983 = tpu.memref_slice %arg3[%dma_wait3A_978, %add3A, %mul3A_977, %dma_wait3A_982] : memref<2x32x160x64xi32, #tpu.memory_space<hbm>> -> memref<1x1x8x64xi32, #tpu.memory_space<hbm>>
        %dma_wait3A_984 = tpu.memref_squeeze %dma_wait3A_983 : memref<1x1x8x64xi32, #tpu.memory_space<hbm>> -> memref<8x64xi32, #tpu.memory_space<hbm>>
        tpu.wait_dma2 semaphore(%arg24 : memref<!tpu.dma_semaphore, #tpu.memory_space<semaphore_mem>>) src(%dma_wait3A_984 : memref<8x64xi32, #tpu.memory_space<hbm>>) dst(%arg6 : memref<8x64xi32, #tpu.memory_space<vmem>>)
        %mul3A_985 = arith.constant 8 : i32
        %mul3A_986 = arith.muli %add3A_975, %mul3A_985 : i32
        %dma_wait3A_987 = arith.constant 1 : i32
        %dma_wait3A_988 = arith.constant 0 : i32
        %dma_wait3A_989 = tpu.memref_slice %arg3[%dma_wait3A_987, %add3A, %mul3A_986, %dma_wait3A_988] : memref<2x32x160x64xi32, #tpu.memory_space<hbm>> -> memref<1x1x8x64xi32, #tpu.memory_space<hbm>>
        %dma_wait3A_990 = tpu.memref_squeeze %dma_wait3A_989 : memref<1x1x8x64xi32, #tpu.memory_space<hbm>> -> memref<8x64xi32, #tpu.memory_space<hbm>>
        %dma_wait3A_991 = arith.constant 0 : i32
        %dma_wait3A_992 = tpu.memref_slice %arg3[%dma_wait3A_987, %add3A, %mul3A_986, %dma_wait3A_991] : memref<2x32x160x64xi32, #tpu.memory_space<hbm>> -> memref<1x1x8x64xi32, #tpu.memory_space<hbm>>
        %dma_wait3A_993 = tpu.memref_squeeze %dma_wait3A_992 : memref<1x1x8x64xi32, #tpu.memory_space<hbm>> -> memref<8x64xi32, #tpu.memory_space<hbm>>
        tpu.wait_dma2 semaphore(%arg24 : memref<!tpu.dma_semaphore, #tpu.memory_space<semaphore_mem>>) src(%dma_wait3A_993 : memref<8x64xi32, #tpu.memory_space<hbm>>) dst(%arg8 : memref<8x64xi32, #tpu.memory_space<vmem>>)
      } else {
      }
      %add3A_875 = arith.constant 1 : i32
      %add3A_876 = arith.addi %add3A_591, %add3A_875 : i32
      %lt3A_877 = arith.constant 20 : i32
      %lt3A_878 = arith.cmpi slt, %add3A_876, %lt3A_877 : i32
      %convert_element_type3A_879 = arith.extui %lt3A_878 : i1 to i32
      %cond3A_880 = arith.constant 0 : i32
      %cond3A_881 = arith.cmpi ne, %convert_element_type3A_879, %cond3A_880 : i32
      scf.if %cond3A_881 {
        %dma_start3A_974 = arith.constant 0 : i32
        %dma_start3A_975 = arith.constant 0 : i32
        %dma_start3A_976 = tpu.memref_slice %arg6[%dma_start3A_974, %dma_start3A_975] : memref<8x64xi32, #tpu.memory_space<vmem>> -> memref<1x64xi32, #tpu.memory_space<vmem>>
        %dma_start3A_977 = tpu.memref_squeeze %dma_start3A_976 : memref<1x64xi32, #tpu.memory_space<vmem>> -> memref<64xi32, #tpu.memory_space<vmem>>
        %dma_start3A_978 = arith.constant 0 : i32
        %dma_start3A_979 = arith.constant 0 : i32
        %dma_start3A_980 = tpu.memref_slice %arg2[%dma_start3A_978, %dma_start3A_979] : memref<10000x128xf32, #tpu.memory_space<hbm>> -> memref<10000x128xf32, #tpu.memory_space<hbm>>
        tpu.enqueue_indirect_dma source(%dma_start3A_980 : memref<10000x128xf32, #tpu.memory_space<hbm>>) target(%arg10 : memref<64x128xf32, #tpu.memory_space<vmem>>) offsets(%dma_start3A_977 : memref<64xi32, #tpu.memory_space<vmem>>) semaphore(%arg16 : memref<!tpu.dma_semaphore, #tpu.memory_space<semaphore_mem>>)
      } else {
      }
      %mul3A_882 = arith.constant 8 : i32
      %mul3A_883 = arith.muli %add3A_591, %mul3A_882 : i32
      %add3A_884 = arith.constant 6 : i32
      %add3A_885 = arith.addi %mul3A_883, %add3A_884 : i32
      %dma_wait3A_886 = arith.constant 6 : i32
      %dma_wait3A_887 = arith.constant 0 : i32
      %dma_wait3A_888 = tpu.memref_slice %arg7[%dma_wait3A_886, %dma_wait3A_887] : memref<8x64xi32, #tpu.memory_space<vmem>> -> memref<1x64xi32, #tpu.memory_space<vmem>>
      %dma_wait3A_889 = tpu.memref_squeeze %dma_wait3A_888 : memref<1x64xi32, #tpu.memory_space<vmem>> -> memref<64xi32, #tpu.memory_space<vmem>>
      %dma_wait3A_890 = arith.constant 0 : i32
      %dma_wait3A_891 = arith.constant 0 : i32
      %dma_wait3A_892 = tpu.memref_slice %arg2[%dma_wait3A_890, %dma_wait3A_891] : memref<10000x128xf32, #tpu.memory_space<hbm>> -> memref<10000x128xf32, #tpu.memory_space<hbm>>
      tpu.wait_indirect_dma semaphore(%arg18 : memref<!tpu.dma_semaphore, #tpu.memory_space<semaphore_mem>>) src(%dma_wait3A_892 : memref<10000x128xf32, #tpu.memory_space<hbm>>) dst(%arg12 : memref<64x128xf32, #tpu.memory_space<vmem>>)
      %dma_start3A_893 = arith.constant 6 : i32
      %dma_start3A_894 = arith.constant 0 : i32
      %dma_start3A_895 = tpu.memref_slice %arg9[%dma_start3A_893, %dma_start3A_894] : memref<8x64xi32, #tpu.memory_space<vmem>> -> memref<1x64xi32, #tpu.memory_space<vmem>>
      %dma_start3A_896 = tpu.memref_squeeze %dma_start3A_895 : memref<1x64xi32, #tpu.memory_space<vmem>> -> memref<64xi32, #tpu.memory_space<vmem>>
      %dma_start3A_897 = arith.constant 0 : i32
      %dma_start3A_898 = arith.constant 0 : i32
      %dma_start3A_899 = tpu.memref_slice %arg15[%dma_start3A_897, %dma_start3A_898] : memref<10240x128xf32, #tpu.memory_space<vmem_shared>> -> memref<10240x128xf32, #tpu.memory_space<vmem_shared>>
      tpu.enqueue_indirect_dma source(%arg12 : memref<64x128xf32, #tpu.memory_space<vmem>>) target(%dma_start3A_899 : memref<10240x128xf32, #tpu.memory_space<vmem_shared>>) offsets(%dma_start3A_896 : memref<64xi32, #tpu.memory_space<vmem>>) semaphore(%arg22 : memref<!tpu.dma_semaphore, #tpu.memory_space<semaphore_mem>>) {add = true}
      %get3A_900 = arith.constant 6 : i32
      %get3A_901 = arith.index_cast %get3A_900 : i32 to index
      %get3A_902 = arith.constant 0 : index
      %get3A_903 = tpu.vector_load %arg9[%get3A_901, %get3A_902] {strides = array<i32>} : memref<8x64xi32, #tpu.memory_space<vmem>>, vector<16xi32>,
      tpu.vector_store_idx %arg14[%get3A_903], %broadcast_in_dim3A_1 {add = true} : memref<10240xf32, #tpu.memory_space<vmem>>[vector<16xi32>], vector<16xf32>,
      %get3A_904 = arith.constant 6 : i32
      %get3A_905 = arith.index_cast %get3A_904 : i32 to index
      %get3A_906 = arith.constant 16 : index
      %get3A_907 = tpu.vector_load %arg9[%get3A_905, %get3A_906] {strides = array<i32>} : memref<8x64xi32, #tpu.memory_space<vmem>>, vector<16xi32>,
      tpu.vector_store_idx %arg14[%get3A_907], %broadcast_in_dim3A_1 {add = true} : memref<10240xf32, #tpu.memory_space<vmem>>[vector<16xi32>], vector<16xf32>,
      %get3A_908 = arith.constant 6 : i32
      %get3A_909 = arith.index_cast %get3A_908 : i32 to index
      %get3A_910 = arith.constant 32 : index
      %get3A_911 = tpu.vector_load %arg9[%get3A_909, %get3A_910] {strides = array<i32>} : memref<8x64xi32, #tpu.memory_space<vmem>>, vector<16xi32>,
      tpu.vector_store_idx %arg14[%get3A_911], %broadcast_in_dim3A_1 {add = true} : memref<10240xf32, #tpu.memory_space<vmem>>[vector<16xi32>], vector<16xf32>,
      %get3A_912 = arith.constant 6 : i32
      %get3A_913 = arith.index_cast %get3A_912 : i32 to index
      %get3A_914 = arith.constant 48 : index
      %get3A_915 = tpu.vector_load %arg9[%get3A_913, %get3A_914] {strides = array<i32>} : memref<8x64xi32, #tpu.memory_space<vmem>>, vector<16xi32>,
      tpu.vector_store_idx %arg14[%get3A_915], %broadcast_in_dim3A_1 {add = true} : memref<10240xf32, #tpu.memory_space<vmem>>[vector<16xi32>], vector<16xf32>,
      %ge3A_916 = arith.constant 1 : i32
      %ge3A_917 = arith.cmpi sge, %add3A_885, %ge3A_916 : i32
      %convert_element_type3A_918 = arith.extui %ge3A_917 : i1 to i32
      %cond3A_919 = arith.constant 0 : i32
      %cond3A_920 = arith.cmpi ne, %convert_element_type3A_918, %cond3A_919 : i32
      scf.if %cond3A_920 {
        %dma_wait3A_974 = arith.constant 6 : i32
        %dma_wait3A_975 = arith.constant 0 : i32
        %dma_wait3A_976 = tpu.memref_slice %arg9[%dma_wait3A_974, %dma_wait3A_975] : memref<8x64xi32, #tpu.memory_space<vmem>> -> memref<1x64xi32, #tpu.memory_space<vmem>>
        %dma_wait3A_977 = tpu.memref_squeeze %dma_wait3A_976 : memref<1x64xi32, #tpu.memory_space<vmem>> -> memref<64xi32, #tpu.memory_space<vmem>>
        %dma_wait3A_978 = arith.constant 0 : i32
        %dma_wait3A_979 = arith.constant 0 : i32
        %dma_wait3A_980 = tpu.memref_slice %arg15[%dma_wait3A_978, %dma_wait3A_979] : memref<10240x128xf32, #tpu.memory_space<vmem_shared>> -> memref<10240x128xf32, #tpu.memory_space<vmem_shared>>
        tpu.wait_indirect_dma semaphore(%arg21 : memref<!tpu.dma_semaphore, #tpu.memory_space<semaphore_mem>>) src(%arg11 : memref<64x128xf32, #tpu.memory_space<vmem>>) dst(%dma_wait3A_980 : memref<10240x128xf32, #tpu.memory_space<vmem_shared>>)
      } else {
      }
      %add3A_921 = arith.constant 1 : i32
      %add3A_922 = arith.addi %add3A_591, %add3A_921 : i32
      %lt3A_923 = arith.constant 20 : i32
      %lt3A_924 = arith.cmpi slt, %add3A_922, %lt3A_923 : i32
      %convert_element_type3A_925 = arith.extui %lt3A_924 : i1 to i32
      %cond3A_926 = arith.constant 0 : i32
      %cond3A_927 = arith.cmpi ne, %convert_element_type3A_925, %cond3A_926 : i32
      scf.if %cond3A_927 {
        %dma_start3A_974 = arith.constant 1 : i32
        %dma_start3A_975 = arith.constant 0 : i32
        %dma_start3A_976 = tpu.memref_slice %arg6[%dma_start3A_974, %dma_start3A_975] : memref<8x64xi32, #tpu.memory_space<vmem>> -> memref<1x64xi32, #tpu.memory_space<vmem>>
        %dma_start3A_977 = tpu.memref_squeeze %dma_start3A_976 : memref<1x64xi32, #tpu.memory_space<vmem>> -> memref<64xi32, #tpu.memory_space<vmem>>
        %dma_start3A_978 = arith.constant 0 : i32
        %dma_start3A_979 = arith.constant 0 : i32
        %dma_start3A_980 = tpu.memref_slice %arg2[%dma_start3A_978, %dma_start3A_979] : memref<10000x128xf32, #tpu.memory_space<hbm>> -> memref<10000x128xf32, #tpu.memory_space<hbm>>
        tpu.enqueue_indirect_dma source(%dma_start3A_980 : memref<10000x128xf32, #tpu.memory_space<hbm>>) target(%arg11 : memref<64x128xf32, #tpu.memory_space<vmem>>) offsets(%dma_start3A_977 : memref<64xi32, #tpu.memory_space<vmem>>) semaphore(%arg17 : memref<!tpu.dma_semaphore, #tpu.memory_space<semaphore_mem>>)
      } else {
      }
      %mul3A_928 = arith.constant 8 : i32
      %mul3A_929 = arith.muli %add3A_591, %mul3A_928 : i32
      %add3A_930 = arith.constant 7 : i32
      %add3A_931 = arith.addi %mul3A_929, %add3A_930 : i32
      %dma_wait3A_932 = arith.constant 7 : i32
      %dma_wait3A_933 = arith.constant 0 : i32
      %dma_wait3A_934 = tpu.memref_slice %arg7[%dma_wait3A_932, %dma_wait3A_933] : memref<8x64xi32, #tpu.memory_space<vmem>> -> memref<1x64xi32, #tpu.memory_space<vmem>>
      %dma_wait3A_935 = tpu.memref_squeeze %dma_wait3A_934 : memref<1x64xi32, #tpu.memory_space<vmem>> -> memref<64xi32, #tpu.memory_space<vmem>>
      %dma_wait3A_936 = arith.constant 0 : i32
      %dma_wait3A_937 = arith.constant 0 : i32
      %dma_wait3A_938 = tpu.memref_slice %arg2[%dma_wait3A_936, %dma_wait3A_937] : memref<10000x128xf32, #tpu.memory_space<hbm>> -> memref<10000x128xf32, #tpu.memory_space<hbm>>
      tpu.wait_indirect_dma semaphore(%arg19 : memref<!tpu.dma_semaphore, #tpu.memory_space<semaphore_mem>>) src(%dma_wait3A_938 : memref<10000x128xf32, #tpu.memory_space<hbm>>) dst(%arg13 : memref<64x128xf32, #tpu.memory_space<vmem>>)
      %dma_start3A_939 = arith.constant 7 : i32
      %dma_start3A_940 = arith.constant 0 : i32
      %dma_start3A_941 = tpu.memref_slice %arg9[%dma_start3A_939, %dma_start3A_940] : memref<8x64xi32, #tpu.memory_space<vmem>> -> memref<1x64xi32, #tpu.memory_space<vmem>>
      %dma_start3A_942 = tpu.memref_squeeze %dma_start3A_941 : memref<1x64xi32, #tpu.memory_space<vmem>> -> memref<64xi32, #tpu.memory_space<vmem>>
      %dma_start3A_943 = arith.constant 0 : i32
      %dma_start3A_944 = arith.constant 0 : i32
      %dma_start3A_945 = tpu.memref_slice %arg15[%dma_start3A_943, %dma_start3A_944] : memref<10240x128xf32, #tpu.memory_space<vmem_shared>> -> memref<10240x128xf32, #tpu.memory_space<vmem_shared>>
      tpu.enqueue_indirect_dma source(%arg13 : memref<64x128xf32, #tpu.memory_space<vmem>>) target(%dma_start3A_945 : memref<10240x128xf32, #tpu.memory_space<vmem_shared>>) offsets(%dma_start3A_942 : memref<64xi32, #tpu.memory_space<vmem>>) semaphore(%arg23 : memref<!tpu.dma_semaphore, #tpu.memory_space<semaphore_mem>>) {add = true}
      %get3A_946 = arith.constant 7 : i32
      %get3A_947 = arith.index_cast %get3A_946 : i32 to index
      %get3A_948 = arith.constant 0 : index
      %get3A_949 = tpu.vector_load %arg9[%get3A_947, %get3A_948] {strides = array<i32>} : memref<8x64xi32, #tpu.memory_space<vmem>>, vector<16xi32>,
      tpu.vector_store_idx %arg14[%get3A_949], %broadcast_in_dim3A_1 {add = true} : memref<10240xf32, #tpu.memory_space<vmem>>[vector<16xi32>], vector<16xf32>,
      %get3A_950 = arith.constant 7 : i32
      %get3A_951 = arith.index_cast %get3A_950 : i32 to index
      %get3A_952 = arith.constant 16 : index
      %get3A_953 = tpu.vector_load %arg9[%get3A_951, %get3A_952] {strides = array<i32>} : memref<8x64xi32, #tpu.memory_space<vmem>>, vector<16xi32>,
      tpu.vector_store_idx %arg14[%get3A_953], %broadcast_in_dim3A_1 {add = true} : memref<10240xf32, #tpu.memory_space<vmem>>[vector<16xi32>], vector<16xf32>,
      %get3A_954 = arith.constant 7 : i32
      %get3A_955 = arith.index_cast %get3A_954 : i32 to index
      %get3A_956 = arith.constant 32 : index
      %get3A_957 = tpu.vector_load %arg9[%get3A_955, %get3A_956] {strides = array<i32>} : memref<8x64xi32, #tpu.memory_space<vmem>>, vector<16xi32>,
      tpu.vector_store_idx %arg14[%get3A_957], %broadcast_in_dim3A_1 {add = true} : memref<10240xf32, #tpu.memory_space<vmem>>[vector<16xi32>], vector<16xf32>,
      %get3A_958 = arith.constant 7 : i32
      %get3A_959 = arith.index_cast %get3A_958 : i32 to index
      %get3A_960 = arith.constant 48 : index
      %get3A_961 = tpu.vector_load %arg9[%get3A_959, %get3A_960] {strides = array<i32>} : memref<8x64xi32, #tpu.memory_space<vmem>>, vector<16xi32>,
      tpu.vector_store_idx %arg14[%get3A_961], %broadcast_in_dim3A_1 {add = true} : memref<10240xf32, #tpu.memory_space<vmem>>[vector<16xi32>], vector<16xf32>,
      %ge3A_962 = arith.constant 1 : i32
      %ge3A_963 = arith.cmpi sge, %add3A_931, %ge3A_962 : i32
      %convert_element_type3A_964 = arith.extui %ge3A_963 : i1 to i32
      %cond3A_965 = arith.constant 0 : i32
      %cond3A_966 = arith.cmpi ne, %convert_element_type3A_964, %cond3A_965 : i32
      scf.if %cond3A_966 {
        %dma_wait3A_974 = arith.constant 7 : i32
        %dma_wait3A_975 = arith.constant 0 : i32
        %dma_wait3A_976 = tpu.memref_slice %arg9[%dma_wait3A_974, %dma_wait3A_975] : memref<8x64xi32, #tpu.memory_space<vmem>> -> memref<1x64xi32, #tpu.memory_space<vmem>>
        %dma_wait3A_977 = tpu.memref_squeeze %dma_wait3A_976 : memref<1x64xi32, #tpu.memory_space<vmem>> -> memref<64xi32, #tpu.memory_space<vmem>>
        %dma_wait3A_978 = arith.constant 0 : i32
        %dma_wait3A_979 = arith.constant 0 : i32
        %dma_wait3A_980 = tpu.memref_slice %arg15[%dma_wait3A_978, %dma_wait3A_979] : memref<10240x128xf32, #tpu.memory_space<vmem_shared>> -> memref<10240x128xf32, #tpu.memory_space<vmem_shared>>
        tpu.wait_indirect_dma semaphore(%arg22 : memref<!tpu.dma_semaphore, #tpu.memory_space<semaphore_mem>>) src(%arg12 : memref<64x128xf32, #tpu.memory_space<vmem>>) dst(%dma_wait3A_980 : memref<10240x128xf32, #tpu.memory_space<vmem_shared>>)
      } else {
      }
      %add3A_967 = arith.constant 1 : i32
      %add3A_968 = arith.addi %add3A_591, %add3A_967 : i32
      %lt3A_969 = arith.constant 20 : i32
      %lt3A_970 = arith.cmpi slt, %add3A_968, %lt3A_969 : i32
      %convert_element_type3A_971 = arith.extui %lt3A_970 : i1 to i32
      %cond3A_972 = arith.constant 0 : i32
      %cond3A_973 = arith.cmpi ne, %convert_element_type3A_971, %cond3A_972 : i32
      scf.if %cond3A_973 {
        %dma_start3A_974 = arith.constant 2 : i32
        %dma_start3A_975 = arith.constant 0 : i32
        %dma_start3A_976 = tpu.memref_slice %arg6[%dma_start3A_974, %dma_start3A_975] : memref<8x64xi32, #tpu.memory_space<vmem>> -> memref<1x64xi32, #tpu.memory_space<vmem>>
        %dma_start3A_977 = tpu.memref_squeeze %dma_start3A_976 : memref<1x64xi32, #tpu.memory_space<vmem>> -> memref<64xi32, #tpu.memory_space<vmem>>
        %dma_start3A_978 = arith.constant 0 : i32
        %dma_start3A_979 = arith.constant 0 : i32
        %dma_start3A_980 = tpu.memref_slice %arg2[%dma_start3A_978, %dma_start3A_979] : memref<10000x128xf32, #tpu.memory_space<hbm>> -> memref<10000x128xf32, #tpu.memory_space<hbm>>
        tpu.enqueue_indirect_dma source(%dma_start3A_980 : memref<10000x128xf32, #tpu.memory_space<hbm>>) target(%arg12 : memref<64x128xf32, #tpu.memory_space<vmem>>) offsets(%dma_start3A_977 : memref<64xi32, #tpu.memory_space<vmem>>) semaphore(%arg18 : memref<!tpu.dma_semaphore, #tpu.memory_space<semaphore_mem>>)
      } else {
      }
    }
    %scan3A_197 = arith.constant 10 : i32
    %dma_wait3A_198 = arith.constant 0 : i32
    %dma_wait3A_199 = arith.constant 0 : i32
    %dma_wait3A_200 = tpu.memref_slice %arg8[%dma_wait3A_198, %dma_wait3A_199] : memref<8x64xi32, #tpu.memory_space<vmem>> -> memref<1x64xi32, #tpu.memory_space<vmem>>
    %dma_wait3A_201 = tpu.memref_squeeze %dma_wait3A_200 : memref<1x64xi32, #tpu.memory_space<vmem>> -> memref<64xi32, #tpu.memory_space<vmem>>
    %dma_wait3A_202 = arith.constant 0 : i32
    %dma_wait3A_203 = arith.constant 0 : i32
    %dma_wait3A_204 = tpu.memref_slice %arg15[%dma_wait3A_202, %dma_wait3A_203] : memref<10240x128xf32, #tpu.memory_space<vmem_shared>> -> memref<10240x128xf32, #tpu.memory_space<vmem_shared>>
    tpu.wait_indirect_dma semaphore(%arg23 : memref<!tpu.dma_semaphore, #tpu.memory_space<semaphore_mem>>) src(%arg13 : memref<64x128xf32, #tpu.memory_space<vmem>>) dst(%dma_wait3A_204 : memref<10240x128xf32, #tpu.memory_space<vmem_shared>>)
    %barrier3A_205 = arith.constant 0 : index
    tpu.barrier barrier_id(%barrier3A_205)
    "tpu.region"() ({
      %run_scoped3A = tpu.sem_alloc : memref<!tpu.dma_semaphore, #tpu.memory_space<semaphore_mem>>
      %dma_start3A_206 = arith.constant 0 : i32
      %dma_start3A_207 = tpu.memref_slice %arg4[%arg0, %mul3A_27, %dma_start3A_206] : memref<2x10240x128xf32, #tpu.memory_space<hbm>> -> memref<1x640x128xf32, #tpu.memory_space<hbm>>
      %dma_start3A_208 = tpu.memref_squeeze %dma_start3A_207 : memref<1x640x128xf32, #tpu.memory_space<hbm>> -> memref<640x128xf32, #tpu.memory_space<hbm>>
      %dma_start3A_209 = arith.constant 0 : i32
      %dma_start3A_210 = tpu.memref_slice %arg15[%mul3A_27, %dma_start3A_209] : memref<10240x128xf32, #tpu.memory_space<vmem_shared>> -> memref<640x128xf32, #tpu.memory_space<vmem_shared>>
      tpu.enqueue_dma source(%dma_start3A_210 : memref<640x128xf32, #tpu.memory_space<vmem_shared>>) target(%dma_start3A_208 : memref<640x128xf32, #tpu.memory_space<hbm>>) target_semaphore(%run_scoped3A : memref<!tpu.dma_semaphore, #tpu.memory_space<semaphore_mem>>)
      %dma_wait3A_211 = arith.constant 0 : i32
      %dma_wait3A_212 = tpu.memref_slice %arg4[%arg0, %mul3A_27, %dma_wait3A_211] : memref<2x10240x128xf32, #tpu.memory_space<hbm>> -> memref<1x640x128xf32, #tpu.memory_space<hbm>>
      %dma_wait3A_213 = tpu.memref_squeeze %dma_wait3A_212 : memref<1x640x128xf32, #tpu.memory_space<hbm>> -> memref<640x128xf32, #tpu.memory_space<hbm>>
      %dma_wait3A_214 = arith.constant 0 : i32
      %dma_wait3A_215 = tpu.memref_slice %arg15[%mul3A_27, %dma_wait3A_214] : memref<10240x128xf32, #tpu.memory_space<vmem_shared>> -> memref<640x128xf32, #tpu.memory_space<vmem_shared>>
      tpu.wait_dma2 semaphore(%run_scoped3A : memref<!tpu.dma_semaphore, #tpu.memory_space<semaphore_mem>>) src(%dma_wait3A_215 : memref<640x128xf32, #tpu.memory_space<vmem_shared>>) dst(%dma_wait3A_213 : memref<640x128xf32, #tpu.memory_space<hbm>>)
      tpu.yield
    }) : () -> ()
    "tpu.region"() ({
      %run_scoped3A = tpu.sem_alloc : memref<!tpu.dma_semaphore, #tpu.memory_space<semaphore_mem>>
      %dma_start3A_206 = arith.constant 0 : i32
      %dma_start3A_207 = tpu.memref_slice %arg5[%add3A, %dma_start3A_206] : memref<32x10240xf32, #tpu.memory_space<hbm>> -> memref<1x10240xf32, #tpu.memory_space<hbm>>
      %dma_start3A_208 = tpu.memref_squeeze %dma_start3A_207 : memref<1x10240xf32, #tpu.memory_space<hbm>> -> memref<10240xf32, #tpu.memory_space<hbm>>
      %dma_start3A_209 = arith.constant 0 : i32
      %dma_start3A_210 = tpu.memref_slice %arg5[%add3A, %dma_start3A_209] : memref<32x10240xf32, #tpu.memory_space<hbm>> -> memref<1x10240xf32, #tpu.memory_space<hbm>>
      %dma_start3A_211 = tpu.memref_squeeze %dma_start3A_210 : memref<1x10240xf32, #tpu.memory_space<hbm>> -> memref<10240xf32, #tpu.memory_space<hbm>>
      tpu.enqueue_dma source(%arg14 : memref<10240xf32, #tpu.memory_space<vmem>>) target(%dma_start3A_211 : memref<10240xf32, #tpu.memory_space<hbm>>) target_semaphore(%run_scoped3A : memref<!tpu.dma_semaphore, #tpu.memory_space<semaphore_mem>>)
      %dma_wait3A_212 = arith.constant 0 : i32
      %dma_wait3A_213 = tpu.memref_slice %arg5[%add3A, %dma_wait3A_212] : memref<32x10240xf32, #tpu.memory_space<hbm>> -> memref<1x10240xf32, #tpu.memory_space<hbm>>
      %dma_wait3A_214 = tpu.memref_squeeze %dma_wait3A_213 : memref<1x10240xf32, #tpu.memory_space<hbm>> -> memref<10240xf32, #tpu.memory_space<hbm>>
      %dma_wait3A_215 = arith.constant 0 : i32
      %dma_wait3A_216 = tpu.memref_slice %arg5[%add3A, %dma_wait3A_215] : memref<32x10240xf32, #tpu.memory_space<hbm>> -> memref<1x10240xf32, #tpu.memory_space<hbm>>
      %dma_wait3A_217 = tpu.memref_squeeze %dma_wait3A_216 : memref<1x10240xf32, #tpu.memory_space<hbm>> -> memref<10240xf32, #tpu.memory_space<hbm>>
      tpu.wait_dma2 semaphore(%run_scoped3A : memref<!tpu.dma_semaphore, #tpu.memory_space<semaphore_mem>>) src(%arg14 : memref<10240xf32, #tpu.memory_space<vmem>>) dst(%dma_wait3A_217 : memref<10240xf32, #tpu.memory_space<hbm>>)
      tpu.yield
    }) : () -> ()
    return
  }
}

module attributes {stable_mosaic.version = 14 : i64} {
  func.func @body(%arg0: i32, %arg1: memref<1000x128xf32, #tpu.memory_space<vmem>>, %arg2: memref<128x128xf32, #tpu.memory_space<vmem>>, %arg3: memref<1000x128xf32, #tpu.memory_space<vmem>>) attributes {dimension_semantics = [#tpu.dimension_semantics<arbitrary>], iteration_bounds = array<i64: 10>, scalar_prefetch = 0 : i64, scratch_operands = 0 : i64, tpu.core_type = #tpu.core_type<tc>, window_params = [{transform_indices = @transform_0, window_bounds = array<i64: 1000, 128>}, {pipeline_mode = #tpu.pipeline_mode<synchronous>, transform_indices = @transform_1, window_bounds = array<i64: 128, 128>}, {transform_indices = @transform_2, window_bounds = array<i64: 1000, 128>}]} {
    %get3A = arith.constant 0 : index
    %get3A_0 = arith.constant 0 : index
    %get3A_1 = vector.load %arg1[%get3A, %get3A_0] : memref<1000x128xf32, #tpu.memory_space<vmem>>, vector<1000x128xf32>
    %get3A_2 = arith.constant 0 : index
    %get3A_3 = arith.constant 0 : index
    %get3A_4 = vector.load %arg2[%get3A_2, %get3A_3] : memref<128x128xf32, #tpu.memory_space<vmem>>, vector<128x128xf32>
    %dot_general3A = arith.constant dense<0.000000e+00> : vector<1000x128xf32>
    %dot_general3A_5 = tpu.matmul %get3A_1, %get3A_4, %dot_general3A {dimension_numbers = #tpu.dot_dimension_numbers<[1], [0], [0], [1], [0, 0, 1, 1], [], []>, transpose_lhs_hint = false} : vector<1000x128xf32>, vector<128x128xf32>, vector<1000x128xf32> -> vector<1000x128xf32>
    %swap3A = arith.constant 0 : index
    %swap3A_6 = arith.constant 0 : index
    %swap3A_7 = vector.load %arg3[%swap3A, %swap3A_6] : memref<1000x128xf32, #tpu.memory_space<vmem>>, vector<1000x128xf32>
    tpu.vector_store %arg3[%swap3A, %swap3A_6], %dot_general3A_5 {strides = array<i32>} : memref<1000x128xf32, #tpu.memory_space<vmem>>, vector<1000x128xf32>,
    return
  }
  func.func @transform_0(%arg0: i32) -> (i32, i32) {
    %c0_i32 = arith.constant 0 : i32
    %c0_i32_0 = arith.constant 0 : i32
    return %arg0, %c0_i32 : i32, i32
  }
  func.func @transform_1(%arg0: i32) -> (i32, i32) {
    %c0_i32 = arith.constant 0 : i32
    %c0_i32_0 = arith.constant 0 : i32
    %c0_i32_1 = arith.constant 0 : i32
    return %c0_i32, %c0_i32_0 : i32, i32
  }
  func.func @transform_2(%arg0: i32) -> (i32, i32) {
    %c0_i32 = arith.constant 0 : i32
    %c0_i32_0 = arith.constant 0 : i32
    return %arg0, %c0_i32 : i32, i32
  }
}

module attributes {stable_mosaic.version = 14 : i64} {
  func.func @body(%arg0: i32, %arg1: memref<2x1000x128xf32, #tpu.memory_space<vmem>>, %arg2: memref<1000x32xf32, #tpu.memory_space<vmem>>, %arg3: memref<1000x128xf32, #tpu.memory_space<vmem>>, %arg4: memref<128x128xf32, #tpu.memory_space<vmem>>, %arg5: memref<1000x128xf32, #tpu.memory_space<vmem>>) attributes {dimension_semantics = [#tpu.dimension_semantics<arbitrary>], iteration_bounds = array<i64: 10>, scalar_prefetch = 0 : i64, scratch_operands = 0 : i64, tpu.core_type = #tpu.core_type<tc>, window_params = [{transform_indices = @transform_0, window_bounds = array<i64: 2, 1000, 128>}, {transform_indices = @transform_1, window_bounds = array<i64: 1000, 32>}, {transform_indices = @transform_2, window_bounds = array<i64: 1000, 128>}, {pipeline_mode = #tpu.pipeline_mode<synchronous>, transform_indices = @transform_3, window_bounds = array<i64: 128, 128>}, {transform_indices = @transform_4, window_bounds = array<i64: 1000, 128>}]} {
    %get3A = arith.constant 0 : index
    %get3A_0 = arith.constant 0 : index
    %get3A_1 = vector.load %arg2[%get3A, %get3A_0] : memref<1000x32xf32, #tpu.memory_space<vmem>>, vector<1000x32xf32>
    %reduce_sum3A = arith.constant dense<0.000000e+00> : vector<1000xf32>
    %reduce_sum3A_2 = vector.multi_reduction <add>, %get3A_1, %reduce_sum3A [1] : vector<1000x32xf32> to vector<1000xf32>
    %broadcast_in_dim3A = vector.shape_cast %reduce_sum3A_2 : vector<1000xf32> to vector<1000x1xf32>
    %get3A_3 = arith.constant 0 : index
    %get3A_4 = arith.constant 0 : index
    %get3A_5 = arith.constant 0 : index
    %get3A_6 = vector.load %arg1[%get3A_3, %get3A_4, %get3A_5] : memref<2x1000x128xf32, #tpu.memory_space<vmem>>, vector<1x1000x128xf32>
    %get3A_7 = vector.shape_cast %get3A_6 : vector<1x1000x128xf32> to vector<1000x128xf32>
    %get3A_8 = arith.constant 1 : index
    %get3A_9 = arith.constant 0 : index
    %get3A_10 = arith.constant 0 : index
    %get3A_11 = vector.load %arg1[%get3A_8, %get3A_9, %get3A_10] : memref<2x1000x128xf32, #tpu.memory_space<vmem>>, vector<1x1000x128xf32>
    %get3A_12 = vector.shape_cast %get3A_11 : vector<1x1000x128xf32> to vector<1000x128xf32>
    %add3A = arith.addf %get3A_7, %get3A_12 : vector<1000x128xf32>
    %max3A = arith.constant 1.000000e+00 : f32
    %max3A_13 = vector.broadcast %max3A : f32 to vector<1000x1xf32>
    %max3A_14 = arith.maximumf %broadcast_in_dim3A, %max3A_13 : vector<1000x1xf32>
    %div3A = vector.broadcast %max3A_14 : vector<1000x1xf32> to vector<1000x128xf32>
    %div3A_15 = arith.divf %add3A, %div3A : vector<1000x128xf32>
    %get3A_16 = arith.constant 0 : index
    %get3A_17 = arith.constant 0 : index
    %get3A_18 = vector.load %arg3[%get3A_16, %get3A_17] : memref<1000x128xf32, #tpu.memory_space<vmem>>, vector<1000x128xf32>
    %get3A_19 = arith.constant 0 : index
    %get3A_20 = arith.constant 0 : index
    %get3A_21 = vector.load %arg4[%get3A_19, %get3A_20] : memref<128x128xf32, #tpu.memory_space<vmem>>, vector<128x128xf32>
    %dot_general3A = arith.constant dense<0.000000e+00> : vector<1000x128xf32>
    %dot_general3A_22 = tpu.matmul %div3A_15, %get3A_21, %dot_general3A {dimension_numbers = #tpu.dot_dimension_numbers<[1], [0], [0], [1], [0, 0, 1, 1], [], []>, transpose_lhs_hint = false} : vector<1000x128xf32>, vector<128x128xf32>, vector<1000x128xf32> -> vector<1000x128xf32>
    %add3A_23 = arith.addf %get3A_18, %dot_general3A_22 : vector<1000x128xf32>
    %max3A_24 = arith.constant 0.000000e+00 : f32
    %max3A_25 = vector.broadcast %max3A_24 : f32 to vector<1000x128xf32>
    %max3A_26 = arith.maximumf %add3A_23, %max3A_25 : vector<1000x128xf32>
    %mul3A = arith.mulf %max3A_26, %max3A_26 : vector<1000x128xf32>
    %reduce_sum3A_27 = arith.constant dense<0.000000e+00> : vector<1000xf32>
    %reduce_sum3A_28 = vector.multi_reduction <add>, %mul3A, %reduce_sum3A_27 [1] : vector<1000x128xf32> to vector<1000xf32>
    %broadcast_in_dim3A_29 = vector.shape_cast %reduce_sum3A_28 : vector<1000xf32> to vector<1000x1xf32>
    %sqrt3A = math.sqrt %broadcast_in_dim3A_29 : vector<1000x1xf32>
    %eq3A = arith.constant 0.000000e+00 : f32
    %eq3A_30 = vector.broadcast %eq3A : f32 to vector<1000x1xf32>
    %eq3A_31 = arith.cmpf oeq, %sqrt3A, %eq3A_30 : vector<1000x1xf32>
    %jit3A = arith.constant 1.000000e+00 : f32
    %broadcast_in_dim3A_32 = vector.broadcast %jit3A : f32 to vector<1000x1xf32>
    %select_n3A = arith.select %eq3A_31, %broadcast_in_dim3A_32, %sqrt3A : vector<1000x1xi1>, vector<1000x1xf32>
    %div3A_33 = vector.broadcast %select_n3A : vector<1000x1xf32> to vector<1000x128xf32>
    %div3A_34 = arith.divf %max3A_26, %div3A_33 : vector<1000x128xf32>
    %swap3A = arith.constant 0 : index
    %swap3A_35 = arith.constant 0 : index
    %swap3A_36 = vector.load %arg5[%swap3A, %swap3A_35] : memref<1000x128xf32, #tpu.memory_space<vmem>>, vector<1000x128xf32>
    tpu.vector_store %arg5[%swap3A, %swap3A_35], %div3A_34 {strides = array<i32>} : memref<1000x128xf32, #tpu.memory_space<vmem>>, vector<1000x128xf32>,
    return
  }
  func.func @transform_0(%arg0: i32) -> (i32, i32, i32) {
    %c0_i32 = arith.constant 0 : i32
    %c0_i32_0 = arith.constant 0 : i32
    %c0_i32_1 = arith.constant 0 : i32
    return %c0_i32, %arg0, %c0_i32_0 : i32, i32, i32
  }
  func.func @transform_1(%arg0: i32) -> (i32, i32) {
    %c0_i32 = arith.constant 0 : i32
    %c0_i32_0 = arith.constant 0 : i32
    return %arg0, %c0_i32 : i32, i32
  }
  func.func @transform_2(%arg0: i32) -> (i32, i32) {
    %c0_i32 = arith.constant 0 : i32
    %c0_i32_0 = arith.constant 0 : i32
    return %arg0, %c0_i32 : i32, i32
  }
  func.func @transform_3(%arg0: i32) -> (i32, i32) {
    %c0_i32 = arith.constant 0 : i32
    %c0_i32_0 = arith.constant 0 : i32
    %c0_i32_1 = arith.constant 0 : i32
    return %c0_i32, %c0_i32_0 : i32, i32
  }
  func.func @transform_4(%arg0: i32) -> (i32, i32) {
    %c0_i32 = arith.constant 0 : i32
    %c0_i32_0 = arith.constant 0 : i32
    return %arg0, %c0_i32 : i32, i32
  }
}

</mosaic_0001>

<sc_bundles>
// kernel: kernel.5.cloned.1.call-start
scs
__scs_entry_jumppad:
0x0: {  	(pc) =	sbr.rel $0x88, $3  }
0x1: {  	(tag) =	ssettag $0x0;
	lr =	simm.s32 $0x1  }
0x2: {  	[smem:$0x3F9C] =	sst lr;
	_ =	strace $0xD0000000  }
0x3: {  	_ = 	snop  }
0x4: {  	_ = 	snop  }
0x5: {  	_ = 	snop  }
0x6: {  	_ = 	snop  }
0x7: {  	_ = 	snop  }
__scs_overlays_trampoline_lowered:
0x8: {  	[smem:$0x3FAB] =	sst s0  }
0x9: {  	[smem:$0x3FAC] =	sst s1  }
0xa: {  	[smem:$0x3FAD] =	sst s2  }
0xb: {  	[smem:$0x3FAE] =	sst s3  }
0xc: {  	[smem:$0x3FAF] =	sst s4  }
0xd: {  	[smem:$0x3FB0] =	sst s5  }
0xe: {  	[smem:$0x3FB1] =	sst s6  }
0xf: {  	[smem:$0x3FB2] =	sst s7  }
0x10: {  	[smem:$0x3FB3] =	sst s8  }
0x11: {  	[smem:$0x3FB4] =	sst s9;
	s0 =	simm.s32 @!p0 $0x0  }
0x12: {  	s1 =	sld [smem:$0x3F9A];
	s0 =	simm.s32 @p0 $0x1  }
0x13: {  	[smem:$0x3FB5] =	sst s0;
	s0 =	simm.s32 @!p1 $0x0  }
0x14: {  	s2 =	sld [smem:$0x3F99];
	s0 =	simm.s32 @p1 $0x1  }
0x15: {  	[smem:$0x3FB6] =	sst s0;
	s0 =	simm.s32 @!p2 $0x0  }
0x16: {  	s3 =	sld [smem:$0x3FDB];
	s0 =	simm.s32 @p2 $0x1  }
0x17: {  	s4 =	simm.s32 $0x1BF5;
	[smem:$0x3FB8] =	sst s0  }
0x18: {  	s0 =	sld [smem:$0x3F9B];
	_ =	swait.ge [sflag:s4], $0x0  }
0x19: {  	s7 =	sld [smem:$0x3F9C]  }
0x1a: {  	s8 =	sadd.s32 $0xFFFFE003, lr  }
0x1b: {  	s9 =	sadd.s32 $0xFFFFFEF7, lr;
	s5 =	simm.s32 $0xFFFFFFFF;
	p2 =	slt.u32 s8, $0xFFFFF086  }
0x1c: {  	p1 =	slt.u32 s9, $0xF7A;
	s5 =	simm.s32 @!p2 $0x0  }
0x1d: {  	s5 =	simm.s32 @p1 $0x1;
	p0 =	seq.s32 s7, s2  }
0x1e: {  	s7 =	smul.u32 @!p0 $0xF7A, s2;
	p2 =	seq.s32 @!p0 s5, $0x0  }
0x1f: {  	s9 =	smul.u32 $0xF7A, s1;
	s8 =	simm.s32 @!p0 $0x1BF5;
	p2 =	por !p2, p0  }
0x20: {  	[sflag:s8] =	ssyncset.s32 @!p0 $0xFFFFF086;
	s6 =	sadd.s32 @!p0 s3, s7;
	s7 =	simm.s32 @!p0 $0x108  }
0x21: {  	s3 =	sadd.s32 s3, s9;
	s6 =	sadd.s32 @!p0 $0x88, s6;
	s7 =	simm.s32 @p2 $0x1082  }
0x22: {  	[simem:s7], [sflag:s8] =	dma.local @!p0 [hbm:s6], $0xF7A  }
0x23: {  	s9 =	sor.u32 $0xD0000000, s2;
	s6 =	simm.s32 $0x108;
	_ =	swait.ge @!p0 [sflag:s8], $0x0  }
0x24: {  	s3 =	sadd.s32 $0x88, s3;
	s6 =	simm.s32 @!p1 $0x1082;
	[sflag:s4] =	ssyncset.s32 $0xFFFFF086  }
0x25: {  	[simem:s6], [sflag:s4] =	dma.local [hbm:s3], $0xF7A  }
0x26: {  	[smem:$0x3F9C] =	sst s1;
	(tag) =	ssettag s2;
	_ =	strace s9  }
0x27: {  	s1 =	sld [smem:$0x3FAC]  }
0x28: {  	s2 =	sld [smem:$0x3FAD]  }
0x29: {  	s4 =	sld [smem:$0x3FAF]  }
0x2a: {  	p0 =	seq.s32 s5, $0x0;
	s5 =	sld [smem:$0x3FB0]  }
0x2b: {  	s6 =	sld [smem:$0x3FB1]  }
0x2c: {  	s7 =	sld [smem:$0x3FB2]  }
0x2d: {  	s3 =	simm.s32 $0x108;
	s8 =	sld [smem:$0x3FB3]  }
0x2e: {  	s3 =	simm.s32 @!p0 $0x1082;
	s9 =	sld [smem:$0x3FB4]  }
0x2f: {  	lr =	sadd.s32 s0, s3;
	s0 =	sld [smem:$0x3FAB]  }
0x30: {  	s3 =	sld [smem:$0x3FAE]  }
0x31: {  	[smem:$0x3FB7] =	sst s10  }
0x32: {  	s10 =	sld [smem:$0x3FB5];
	_ =	sdelay $0x3  }
0x33: {  	p0 =	seq.s32 s10, $0x1;
	s10 =	sld [smem:$0x3FB7];
	_ =	sdelay $0x3  }
0x34: {  	[smem:$0x3FB7] =	sst s10  }
0x35: {  	s10 =	sld [smem:$0x3FB6];
	_ =	sdelay $0x3  }
0x36: {  	p1 =	seq.s32 s10, $0x1;
	s10 =	sld [smem:$0x3FB7];
	_ =	sdelay $0x3  }
0x37: {  	[smem:$0x3FB7] =	sst s10  }
0x38: {  	s10 =	sld [smem:$0x3FB8]  }
0x39: {  	_ = 	snop;
	(pc) =	sbr.ind lr, $3  }
0x3a: {  	_ = 	snop  }
0x3b: {  	_ = 	snop  }
0x3c: {  	p2 =	seq.s32 s10, $0x1;
	s10 =	sld [smem:$0x3FB7]  }
0x3d: {  	_ =	shalt  }
0x3e: {  	_ =	shalt  }
0x3f: {  	_ =	shalt  }
0x40: {  	_ =	shalt  }
0x41: {  	_ =	shalt  }
0x42: {  	_ =	shalt  }
0x43: {  	_ =	shalt  }
0x44: {  	_ =	shalt  }
0x45: {  	_ =	shalt  }
0x46: {  	_ =	shalt  }
0x47: {  	_ =	shalt  }
0x48: {  	_ =	shalt  }
0x49: {  	_ =	shalt  }
0x4a: {  	_ =	shalt  }
0x4b: {  	_ =	shalt  }
0x4c: {  	_ =	shalt  }
0x4d: {  	_ =	shalt  }
0x4e: {  	_ =	shalt  }
0x4f: {  	_ =	shalt  }
0x50: {  	_ =	shalt  }
0x51: {  	_ =	shalt  }
0x52: {  	_ =	shalt  }
0x53: {  	_ =	shalt  }
0x54: {  	_ =	shalt  }
0x55: {  	_ =	shalt  }
0x56: {  	_ =	shalt  }
0x57: {  	_ =	shalt  }
0x58: {  	_ =	shalt  }
0x59: {  	_ =	shalt  }
0x5a: {  	_ =	shalt  }
0x5b: {  	_ =	shalt  }
0x5c: {  	_ =	shalt  }
0x5d: {  	_ =	shalt  }
0x5e: {  	_ =	shalt  }
0x5f: {  	_ =	shalt  }
0x60: {  	_ =	shalt  }
0x61: {  	_ =	shalt  }
0x62: {  	_ =	shalt  }
0x63: {  	_ =	shalt  }
0x64: {  	_ =	shalt  }
0x65: {  	_ =	shalt  }
0x66: {  	_ =	shalt  }
0x67: {  	_ =	shalt  }
0x68: {  	_ =	shalt  }
0x69: {  	_ =	shalt  }
0x6a: {  	_ =	shalt  }
0x6b: {  	_ =	shalt  }
0x6c: {  	_ =	shalt  }
0x6d: {  	_ =	shalt  }
0x6e: {  	_ =	shalt  }
0x6f: {  	_ =	shalt  }
0x70: {  	_ =	shalt  }
0x71: {  	_ =	shalt  }
0x72: {  	_ =	shalt  }
0x73: {  	_ =	shalt  }
0x74: {  	_ =	shalt  }
0x75: {  	_ =	shalt  }
0x76: {  	_ =	shalt  }
0x77: {  	_ =	shalt  }
0x78: {  	_ =	shalt  }
0x79: {  	_ =	shalt  }
0x7a: {  	_ =	shalt  }
0x7b: {  	_ =	shalt  }
0x7c: {  	_ =	shalt  }
0x7d: {  	_ =	shalt  }
0x7e: {  	_ =	shalt  }
0x7f: {  	_ =	shalt  }
0x80: {  	_ =	shalt  }
0x81: {  	_ =	shalt  }
0x82: {  	_ =	shalt  }
0x83: {  	_ =	shalt  }
0x84: {  	_ =	shalt  }
0x85: {  	_ =	shalt  }
0x86: {  	_ =	shalt  }
0x87: {  	_ =	shalt  }
.Lfunc_end0:
.L_simem_size_0:
called_computation_lowered:
.L_overlay_start_0:
0x88: {  	s2 =	sld [smem:$0x3FD9]  }
0x89: {  	s3 =	sld [smem:$0x3FFE];
	_ =	sdelay $0x1  }
0x8a: {  	s1 =	srdreg.scid  }
0x8b: {  	s0 =	sand.u32 $0x1, s1  }
0x8c: {  	s17 =	sshll.u32 s0, $0xA;
	s2 =	sadd.s32 s3, s2  }
0x8d: {  	s2 =	sadd.s32 s2, s17  }
0x8e: {  	[smem:$0x3FC3] =	sst s2  }
0x8f: {  	_ = 	snop  }
0x90: {  	s2 =	sld [smem:$0x3FC9]  }
0x91: {  	s18 =	sld [smem:$0x3FD0];
	(tm) =	ssettm $0x1  }
0x92: {  	s4 =	sld [smem:$0x3FFB];
	_ =	sdelay $0x3  }
0x93: {  	_ =	strace s4  }
0x94: {  	s4 =	sld [smem:$0x3FFC];
	_ =	sdelay $0x3  }
0x95: {  	_ =	strace s4  }
0x96: {  	s4 =	sld [smem:$0x3FFD];
	_ =	sdelay $0x3  }
0x97: {  	_ =	strace s4  }
0x98: {  	_ =	strace $0x8FFFFFFF  }
0x99: {  	s19 =	sld [smem:$0x3FDB];
	_ =	sdelay $0x1  }
0x9a: {  	s5 =	simm.s32 $_scs_section_size  }
0x9b: {  	s6 =	simm.s32 $_size__tile_overlayer_lowered;
	s7 =	simm.s32 $_tile_overlayer_lowered  }
0x9c: {  	s22 =	simm.s32 $0x1BFF;
	s21 =	sshll.u32 s7, $0x1;
	s4 =	sadd.s32 s5, s19  }
0x9d: {  	s8 =	simm.s32 $0x0;
	s20 =	sshll.u32 s6, $0x1;
	s6 =	sadd.s32 s21, s4  }
0x9e: {  	[timem:s8], [sflag:s22] =	dma.local [hbm:s6], s20  }
0x9f: {  	_ =	swait.ge [sflag:s22], s20  }
0xa0: {  	s5 =	ssub.s32 $0x0, s20;
	[sflag:s22] =	ssyncset.done $0x0  }
0xa1: {  	[sflag:s22] =	ssyncadd.s32 s5;
	_ =	sdelay $0x1  }
0xa2: {  	s23 =	simm.s32 $0x1B8B  }
0xa3: {  	_ =	swait.ge [sflag:s23], $0x1  }
0xa4: {  	[sflag:s23] =	ssyncset.done $0x0  }
0xa5: {  	s25 =	simm.s32 $0x1B8E;
	s24 =	sld [smem:$0x3FFE];
	[sflag:s23] =	ssyncadd.s32 $0xFFFFFFFF  }
0xa6: {  	s26 =	simm.s32 $execute0_lowered;
	[smem:$0x3FD2] =	sst s25  }
0xa7: {  	s6 =	sshll.u32 s26, $0x1;
	_ =	strace $0x80000046;
	[dreg:$0x1] =	wrdreg $0xFFFFFFFF  }
0xa8: {  	s28 =	simm.s32 $_size_execute0_lowered;
	s4 =	sadd.s32 s4, s6;
	[dreg:$0x0] =	wrdreg $0x0  }
0xa9: {  	s6 =	sshll.u32 s28, $0x1;
	[dreg:$0x2] =	wrdreg s4  }
0xaa: {  	[dreg:$0x3] =	wrdreg s6  }
0xab: {  	[dreg:$0x4] =	wrdreg $0xC0  }
0xac: {  	_ =	task [dreg:s8], $0x5FFFF  }
0xad: {  	[dreg:$0x1] =	wrdreg $0xFFFFFFFF  }
0xae: {  	[dreg:$0x0] =	wrdreg $0x60  }
0xaf: {  	[dreg:$0x2] =	wrdreg s2  }
0xb0: {  	[dreg:$0x3] =	wrdreg s24  }
0xb1: {  	[dreg:$0x4] =	wrdreg s18  }
0xb2: {  	[dreg:$0x5] =	wrdreg $0xB8000  }
0xb3: {  	[dreg:$0x6] =	wrdreg $0x9  }
0xb4: {  	_ =	task.clear_ibuf [dreg:s8], $0x7FFFF;
	_ =	strace $0x90000046  }
0xb5: {  	s29 =	simm.s32 $0x9;
	_ =	strace $0x80000048  }
0xb6: {  	_ =	swait.ge [sflag:s29], $0x1  }
0xb7: {  	[sflag:s29] =	ssyncadd.s32 $0xFFFFFFFF  }
0xb8: {  	_ =	strace $0x90000048  }
0xb9: {  	_ =	sfence  }
0xba: {  	s30 =	sld [smem:$0x0];
	_ =	sdelay $0x2  }
0xbb: {  	s31 =	sshll.u32 s1, $0xD;
	s1 =	sshrl.u32 s1, $0x2  }
0xbc: {  	s3 =	sand.u32 $0x4000, s31;
	s1 =	sadd.s32 s1, s30  }
0xbd: {  	s0 =	sor.u32 s3, s0;
	s1 =	sshll.u32 s1, $0x11  }
0xbe: {  	s0 =	sor.u32 s1, s0  }
0xbf: {  	s0 =	sadd.s32 $0x8F2B, s0  }
0xc0: {  	[sflag:s0] =	ssyncadd.remote.s32 $0x1  }
0xc1: {  	_ =	sfence.sel $0xFFFF  }
0xc2: {  	[dreg:$0x0] =	wrdreg $0xFFFFFFFF;
	(pc) =	sbr.abs _section_cstart, $3  }
0xc3: {  	[dreg:$0x1] =	wrdreg $0xFFFFFFFF  }
0xc4: {  	_ =	task.clear_ibuf [dreg:s8], $0x2FFFF;
	_ =	strace $0x9FFFFFFF  }
0xc5: {  	(tm) =	ssettm $0x7FFFFFFF  }
tec
execute0_lowered:
.L_overlay_start_1:
0x0: {  	(tag) =	ssettag $0x1  }
0x1: {  	s1 =	rddreg [dreg:$0x0]  }
0x2: {  	s0 =	rddreg [dreg:$0x1]  }
0x3: {  	s3 =	rddreg [dreg:$0x2]  }
0x4: {  	s2 =	rddreg [dreg:$0x3];
	s12 =	stileid.u32  }
0x5: {  	s4 =	srdreg.scid;
	s29 =	simm.s32 $0x40;
	s7 =	smul.u32 $0x14000, s12  }
0x6: {  	s31 =	simm.s32 $0x3000;
	s5 =	sand.u32 $0x1, s4;
	s11 =	smul.u32 $0x50000, s12  }
0x7: {  	s4 =	simm.s32 $0x0;
	s9 =	sadd.s32 $0x1600, s0;
	s16 =	smul.u32 $0x5000, s12  }
0x8: {  	s15 =	sshll.u32 s12, $0x7;
	s6 =	smul.u32 $0x140000, s5;
	[smem:$0x7FF] =	sst s4  }
0x9: {  	s8 =	sshll.u32 s5, $0x4;
	s10 =	ssub.s32 $0x2, s5;
	s5 =	smul.u32 $0x50000, s5  }
0xa: {  	_ =	strace $0x80000047;
	s8 =	sor.u32 s12, s8;
	s23 =	sshrl.u32 s10, $0x1  }
0xb: {  	s25 =	sshrl.u32 s11, $0x2;
	s12 =	simm.s32 $0x0;
	s6 =	sadd.s32 s7, s6  }
0xc: {  	s22 =	smul.u32 $0x5000, s8;
	s11 =	sadd.s32 s25, s2;
	s26 =	sshrl.u32 s8, $0x3  }
0xd: {  	s8 =	sand.u32 $0x380, s15;
	s28 =	sadd.s32 $0x2000, s11;
	[dreg:$0x7] =	wrdreg s11  }
0xe: {  	s5 =	sadd.s32 s16, s5;
	s30 =	sadd.s32 $0x4000, s11;
	[dreg:$0x8] =	wrdreg s28  }
0xf: {  	s15 =	simm.s32 $0x400;
	s13 =	sadd.s32 $0x8000, s11;
	[dreg:$0x9] =	wrdreg s30  }
0x10: {  	s16 =	simm.s32 $0xC00;
	s14 =	sadd.s32 $0xA000, s11;
	[dreg:$0xb] =	wrdreg s13  }
0x11: {  	s6 =	sshrl.u32 s6, $0x3;
	s17 =	sadd.s32 $0xC000, s11;
	[dreg:$0xc] =	wrdreg s14  }
0x12: {  	s18 =	sadd.s32 $0xE000, s11;
	s19 =	sadd.s32 $0x10000, s11;
	[dreg:$0xd] =	wrdreg s17  }
0x13: {  	s20 =	sadd.s32 $0x12000, s11;
	s21 =	sor.u32 $0x800, s5;
	[dreg:$0xe] =	wrdreg s18  }
0x14: {  	s25 =	sadd.s32 $0xA0800, s5;
	s0 =	sadd.s32 s6, s0;
	[dreg:$0xf] =	wrdreg s19  }
0x15: {  	s7 =	sshrl.u32 s22, $0x3;
	s6 =	ssub.s32 s10, s23;
	[dreg:$0x10] =	wrdreg s20  }
0x16: {  	s23 =	sshrl.u32 s21, $0x3;
	s14 =	simm.s32 $0x3;
	s17 =	simm.s32 $0x6  }
0x17: {  	s19 =	simm.s32 $0x4;
	s13 =	simm.s32 $0xE80;
	s18 =	simm.s32 $0xF80  }
0x18: {  	s24 =	sadd.s32 s9, s7;
	s7 =	smul.u32 $0x14000, s26;
	s0 =	sadd.s32 $0x29600, s0  }
0x19: {  	s20 =	sadd.s32 s23, s9;
	s26 =	sor.u32 $0x400, s5;
	[dreg:$0x5] =	wrdreg s24  }
0x1a: {  	s5 =	sadd.s32 $0xA0400, s5;
	s10 =	sadd.s32 $0x14000, s24;
	[dreg:$0x11] =	wrdreg s0  }
0x1b: {  	s24 =	smax.u32 s6, $0x1;
	s0 =	sshrl.u32 s25, $0x3;
	s28 =	sshrl.u32 s26, $0x3  }
0x1c: {  	s30 =	sshrl.u32 s5, $0x3;
	s25 =	simm.s32 $0x1000;
	s26 =	simm.s32 $0x5  }
0x1d: {  	s6 =	simm.s32 $0x1;
	s5 =	simm.s32 $0xF00;
	[dreg:$0x6] =	wrdreg s10  }
0x1e: {  	s10 =	sadd.s32 $0x6000, s11;
	s7 =	sor.u32 s8, s7;
	[dreg:$0x13] =	wrdreg s24  }
.Ltmp0:
0x1f: {  	s21 =	sadd.s32 s0, s9;
	s23 =	sadd.s32 s30, s9;
	(pc) =	sbr.rel .LBB2_1-.Ltmp0, $4  }
0x20: {  	s8 =	simm.s32 $0x9000;
	s11 =	simm.s32 $0x2;
	s24 =	simm.s32 $0xA  }
0x21: {  	[dreg:$0xa] =	wrdreg s10;
	s7 =	sshrl.u32 s7, $0x3;
	s10 =	simm.s32 $0x7000  }
0x22: {  	s22 =	sadd.s32 s3, s7;
	s3 =	simm.s32 $0x5000;
	s7 =	simm.s32 $0x7  }
0x23: {  	v0 =	vimm.f32 $0.0e+00;
	v1 =	vimm.f32 $1.000000000e+00;
	[dreg:$0x12] =	wrdreg s22;
	s22 =	sadd.s32 s28, s9;
	s9 =	simm.s32 $0x8  }
.LBB2_8:
0x24: {  	_ =	swait.ge [sflag:s9], $0x2000  }
0x25: {  	[sflag:s9] =	ssyncset.done $0x0  }
0x26: {  	[sflag:s9] =	ssyncadd.s32 $0xFFFFE000  }
0x27: {  	s0 =	stileid.u32;
	[bflag:$0x0] =	sbarrier.arrive $0xFFFF  }
0x28: {  	s0 =	sshll.u32 s0, $0x6;
	s12 =	rddreg [dreg:$0x7]  }
0x29: {  	s0 =	sor.u32 $0x1C0B, s0;
	s28 =	rddreg [dreg:$0x11];
	s12 =	sshrl.u32 s12, $0x3  }
0x2a: {  	[hbm:s28], [sflag:s0] =	dma.local [spmem:s12], $0x2800  }
0x2b: {  	s28 =	simm.s32 $0xB  }
0x2c: {  	_ =	swait.ge [sflag:s28], $0x2800  }
0x2d: {  	[sflag:s28] =	ssyncset.done $0x0  }
0x2e: {  	s30 =	simm.s32 $0x80;
	s12 =	rddreg [dreg:$0x12];
	[sflag:s28] =	ssyncadd.s32 $0xFFFFD800  }
0x2f: {  	[hbm4b:s12+s30] =	stream.strided.scatter [tilespmem:s8], [sflag:$0xB], $0x2800, s15, s30, $0x38;
	[tilespmem:$0x1F800] =	vst v63  }
0x30: {  	_ =	swait.ge [sflag:s28], $0x2800  }
0x31: {  	s0 =	rddreg [dreg:$0x14]  }
0x32: {  	s30 =	rddreg [dreg:$0x13];
	s12 =	sadd.s32 $0x1, s0  }
0x33: {  	p0 =	sne.s32 s12, s30  }
.Ltmp1:
0x34: {  	_ = 	snop;
	(pc) =	sbr.rel @!p0 .LBB2_9-.Ltmp1, $3  }
0x35: {  	_ =	sdelay $0x1  }
0x36: {  	[sflag:s28] =	ssyncset.done $0x0  }
0x37: {  	[sflag:s28] =	ssyncadd.s32 $0xFFFFD800  }
.LBB2_1:
0x38: {  	[dreg:$0x14] =	wrdreg s12;
	s28 =	simm.s32 $0x0;
	s30 =	simm.s32 $0x200  }
.LBB2_2:
0x39: {  	p0 =	sne.s32 s30, $0x7E00;
	[tilespmem:s28+$0x1070] =	vst v0  }
0x3a: {  	[tilespmem:s28+$0x1000] =	vst v0  }
0x3b: {  	[tilespmem:s28+$0x1010] =	vst v0  }
.Ltmp2:
0x3c: {  	[tilespmem:s28+$0x1020] =	vst v0;
	(pc) =	sbr.rel @p0 .LBB2_2-.Ltmp2, $4  }
0x3d: {  	[tilespmem:s28+$0x1030] =	vst v0  }
0x3e: {  	[tilespmem:s28+$0x1040] =	vst v0  }
0x3f: {  	[tilespmem:s28+$0x1050] =	vst v0  }
0x40: {  	[tilespmem:s28+$0x1060] =	vst v0;
	s28 =	sshra.s32 s30, $0x2;
	s30 =	sadd.s32 $0x200, s30  }
0x41: {  	[tilespmem:s28+$0x1070] =	vst v0  }
0x42: {  	[tilespmem:s28+$0x1000] =	vst v0  }
0x43: {  	[tilespmem:s28+$0x1010] =	vst v0  }
0x44: {  	[tilespmem:s28+$0x1020] =	vst v0  }
0x45: {  	[tilespmem:s28+$0x1030] =	vst v0  }
0x46: {  	[tilespmem:s28+$0x1040] =	vst v0  }
0x47: {  	[tilespmem:s28+$0x1050] =	vst v0  }
0x48: {  	[tilespmem:s28+$0x1060] =	vst v0;
	s28 =	simm.s32 $0x0;
	s0 =	rddreg [dreg:$0x5]  }
0x49: {  	[tilespmem:s28], [sflag:$0x9] =	stream.linear.gather [hbm4b:s0+s28], $0x400, $0x38;
	[tilespmem:$0x1F800] =	vst v63  }
0x4a: {  	s12 =	simm.s32 $0x800;
	s0 =	rddreg [dreg:$0x6]  }
0x4b: {  	[tilespmem:s12], [sflag:$0x9] =	stream.linear.gather [hbm4b:s0+s28], $0x400, $0x38;
	[tilespmem:$0x1F800] =	vst v63  }
0x4c: {  	s12 =	rddreg [dreg:$0x7]  }
0x4d: {  	[spmem:s12] =	stream.linear.scatter [tilespmem:s25], [sflag:$0x5], $0x2000, $0x38;
	[tilespmem:$0x1F800] =	vst v63  }
0x4e: {  	s12 =	rddreg [dreg:$0x8]  }
0x4f: {  	[spmem:s12] =	stream.linear.scatter [tilespmem:s25], [sflag:$0x5], $0x2000, $0x38;
	[tilespmem:$0x1F800] =	vst v63  }
0x50: {  	s12 =	rddreg [dreg:$0x9]  }
0x51: {  	[spmem:s12] =	stream.linear.scatter [tilespmem:s25], [sflag:$0x5], $0x2000, $0x38;
	[tilespmem:$0x1F800] =	vst v63  }
0x52: {  	s12 =	rddreg [dreg:$0xa]  }
0x53: {  	[spmem:s12] =	stream.linear.scatter [tilespmem:s25], [sflag:$0x5], $0x2000, $0x38;
	[tilespmem:$0x1F800] =	vst v63  }
0x54: {  	s12 =	rddreg [dreg:$0xb]  }
0x55: {  	[spmem:s12] =	stream.linear.scatter [tilespmem:s25], [sflag:$0x5], $0x2000, $0x38;
	[tilespmem:$0x1F800] =	vst v63  }
0x56: {  	s12 =	rddreg [dreg:$0xc]  }
0x57: {  	[spmem:s12] =	stream.linear.scatter [tilespmem:s25], [sflag:$0x5], $0x2000, $0x38;
	[tilespmem:$0x1F800] =	vst v63  }
0x58: {  	s12 =	rddreg [dreg:$0xd]  }
0x59: {  	[spmem:s12] =	stream.linear.scatter [tilespmem:s25], [sflag:$0x5], $0x2000, $0x38;
	[tilespmem:$0x1F800] =	vst v63  }
0x5a: {  	s12 =	rddreg [dreg:$0xe]  }
0x5b: {  	[spmem:s12] =	stream.linear.scatter [tilespmem:s25], [sflag:$0x5], $0x2000, $0x38;
	[tilespmem:$0x1F800] =	vst v63  }
0x5c: {  	s12 =	rddreg [dreg:$0xf]  }
0x5d: {  	[spmem:s12] =	stream.linear.scatter [tilespmem:s25], [sflag:$0x5], $0x2000, $0x38;
	[tilespmem:$0x1F800] =	vst v63  }
0x5e: {  	s30 =	simm.s32 $0x200;
	s28 =	simm.s32 $0x0;
	s12 =	rddreg [dreg:$0x10]  }
0x5f: {  	[spmem:s12] =	stream.linear.scatter [tilespmem:s25], [sflag:$0x5], $0x2000, $0x38;
	[tilespmem:$0x1F800] =	vst v63  }
.LBB2_4:
0x60: {  	p0 =	sne.s32 s30, $0x9E00;
	[tilespmem:s28+$0x9070] =	vst v0  }
0x61: {  	[tilespmem:s28+$0x9000] =	vst v0  }
0x62: {  	[tilespmem:s28+$0x9010] =	vst v0  }
.Ltmp3:
0x63: {  	[tilespmem:s28+$0x9020] =	vst v0;
	(pc) =	sbr.rel @p0 .LBB2_4-.Ltmp3, $4  }
0x64: {  	[tilespmem:s28+$0x9030] =	vst v0  }
0x65: {  	[tilespmem:s28+$0x9040] =	vst v0  }
0x66: {  	[tilespmem:s28+$0x9050] =	vst v0  }
0x67: {  	[tilespmem:s28+$0x9060] =	vst v0;
	s28 =	sshra.s32 s30, $0x2;
	s30 =	sadd.s32 $0x200, s30  }
0x68: {  	[tilespmem:s28+$0x9070] =	vst v0  }
0x69: {  	[tilespmem:s28+$0x9000] =	vst v0  }
0x6a: {  	[tilespmem:s28+$0x9010] =	vst v0  }
0x6b: {  	[tilespmem:s28+$0x9020] =	vst v0  }
0x6c: {  	[tilespmem:s28+$0x9030] =	vst v0  }
0x6d: {  	[tilespmem:s28+$0x9040] =	vst v0  }
0x6e: {  	[tilespmem:s28+$0x9050] =	vst v0  }
0x6f: {  	[tilespmem:s28+$0x9060] =	vst v0  }
0x70: {  	_ =	swait.ge [sflag:s26], $0x2000  }
0x71: {  	[sflag:s26] =	ssyncset.done $0x0  }
0x72: {  	[sflag:s26] =	ssyncadd.s32 $0xFFFFE000  }
0x73: {  	_ =	swait.ge [sflag:s26], $0x2000  }
0x74: {  	[sflag:s26] =	ssyncset.done $0x0  }
0x75: {  	[sflag:s26] =	ssyncadd.s32 $0xFFFFE000  }
0x76: {  	_ =	swait.ge [sflag:s26], $0x2000  }
0x77: {  	[sflag:s26] =	ssyncset.done $0x0  }
0x78: {  	[sflag:s26] =	ssyncadd.s32 $0xFFFFE000  }
0x79: {  	_ =	swait.ge [sflag:s26], $0x2000  }
0x7a: {  	[sflag:s26] =	ssyncset.done $0x0  }
0x7b: {  	[sflag:s26] =	ssyncadd.s32 $0xFFFFE000  }
0x7c: {  	_ =	swait.ge [sflag:s26], $0x2000  }
0x7d: {  	[sflag:s26] =	ssyncset.done $0x0  }
0x7e: {  	[sflag:s26] =	ssyncadd.s32 $0xFFFFE000  }
0x7f: {  	_ =	swait.ge [sflag:s26], $0x2000  }
0x80: {  	[sflag:s26] =	ssyncset.done $0x0  }
0x81: {  	[sflag:s26] =	ssyncadd.s32 $0xFFFFE000  }
0x82: {  	_ =	swait.ge [sflag:s26], $0x2000  }
0x83: {  	[sflag:s26] =	ssyncset.done $0x0  }
0x84: {  	[sflag:s26] =	ssyncadd.s32 $0xFFFFE000  }
0x85: {  	_ =	swait.ge [sflag:s26], $0x2000  }
0x86: {  	[sflag:s26] =	ssyncset.done $0x0  }
0x87: {  	[sflag:s26] =	ssyncadd.s32 $0xFFFFE000  }
0x88: {  	_ =	swait.ge [sflag:s26], $0x2000  }
0x89: {  	[sflag:s26] =	ssyncset.done $0x0  }
0x8a: {  	[sflag:s26] =	ssyncadd.s32 $0xFFFFE000  }
0x8b: {  	_ =	swait.ge [sflag:s26], $0x2000  }
0x8c: {  	[sflag:s26] =	ssyncset.done $0x0  }
0x8d: {  	[sflag:s26] =	ssyncadd.s32 $0xFFFFE000  }
0x8e: {  	s0 =	simm.s32 $0x9;
	[bflag:$0x0] =	sbarrier.arrive $0xFFFF  }
0x8f: {  	_ =	swait.ge [sflag:s0], $0x400  }
0x90: {  	[sflag:s0] =	ssyncset.done $0x0  }
0x91: {  	[sflag:s0] =	ssyncadd.s32 $0xFFFFFC00  }
0x92: {  	_ =	swait.ge [sflag:s0], $0x400  }
0x93: {  	[sflag:s0] =	ssyncset.done $0x0  }
0x94: {  	s30 =	simm.s32 $0x0;
	[sflag:s0] =	ssyncadd.s32 $0xFFFFFC00  }
0x95: {  	[tilespmem:s25], [sflag:$0x1] =	stream.indirect.gather [hbm4b:s1+s29], $0x80, s30, s29, $0xb8;
	[tilespmem:$0x1F800] =	vst v63  }
0x96: {  	s12 =	simm.s32 $0x80  }
0x97: {  	[tilespmem:s31], [sflag:$0x2] =	stream.indirect.gather [hbm4b:s1+s29], $0x80, s12, s29, $0xb8;
	[tilespmem:$0x1F800] =	vst v63  }
0x98: {  	s28 =	simm.s32 $0x100  }
0x99: {  	[tilespmem:s3], [sflag:$0x3] =	stream.indirect.gather [hbm4b:s1+s29], $0x80, s28, s29, $0xb8;
	[tilespmem:$0x1F800] =	vst v63  }
.LBB2_6:
0x9a: {  	_ =	swait.ge [sflag:s6], $0x2000  }
0x9b: {  	[sflag:s6] =	ssyncset.done $0x0  }
0x9c: {  	s0 =	simm.s32 $0x800;
	[sflag:s6] =	ssyncadd.s32 $0xFFFFE000  }
0x9d: {  	[spmem:s2] =	stream.indirect.scatter.add.f32 [tilespmem:s25], [sflag:$0x5], $0x80, s0, s29, $0xb8;
	[tilespmem:$0x1F800] =	vst v63  }
0x9e: {  	v2 =	vld [tilespmem:$0x800];
	_ =	sdelay $0x7  }
0x9f: {  	[tilespmem:v2+s8+$0x0] =	vst.idx.add.f32.msk $0xffff, v1  }
0xa0: {  	v2 =	vld [tilespmem:$0x810];
	_ =	sdelay $0x7  }
0xa1: {  	[tilespmem:v2+s8+$0x0] =	vst.idx.add.f32.msk $0xffff, v1  }
0xa2: {  	v2 =	vld [tilespmem:$0x820];
	_ =	sdelay $0x7  }
0xa3: {  	[tilespmem:v2+s8+$0x0] =	vst.idx.add.f32.msk $0xffff, v1  }
0xa4: {  	v2 =	vld [tilespmem:$0x830];
	_ =	sdelay $0x6  }
0xa5: {  	p0 =	seq.s32 s30, $0x0  }
0xa6: {  	s28 =	simm.s32 @!p0 $0x8;
	[tilespmem:v2+s8+$0x0] =	vst.idx.add.f32.msk $0xffff, v1  }
0xa7: {  	_ =	swait.ge @!p0 [sflag:s28], $0x2000  }
0xa8: {  	[sflag:s28] =	ssyncset.done @!p0 $0x0  }
0xa9: {  	s12 =	simm.s32 $0x180;
	[sflag:s28] =	ssyncadd.s32 @!p0 $0xFFFFE000  }
0xaa: {  	[tilespmem:s10], [sflag:$0x4] =	stream.indirect.gather [hbm4b:s1+s29], $0x80, s12, s29, $0xb8;
	[tilespmem:$0x1F800] =	vst v63  }
0xab: {  	_ =	swait.ge [sflag:s11], $0x2000  }
0xac: {  	[sflag:s11] =	ssyncset.done $0x0  }
0xad: {  	s28 =	simm.s32 $0x880;
	[sflag:s11] =	ssyncadd.s32 $0xFFFFE000  }
0xae: {  	[spmem:s2] =	stream.indirect.scatter.add.f32 [tilespmem:s31], [sflag:$0x6], $0x80, s28, s29, $0xb8;
	[tilespmem:$0x1F800] =	vst v63  }
0xaf: {  	v2 =	vld [tilespmem:$0x880];
	_ =	sdelay $0x7  }
0xb0: {  	[tilespmem:v2+s8+$0x0] =	vst.idx.add.f32.msk $0xffff, v1  }
0xb1: {  	v2 =	vld [tilespmem:$0x890];
	_ =	sdelay $0x7  }
0xb2: {  	[tilespmem:v2+s8+$0x0] =	vst.idx.add.f32.msk $0xffff, v1  }
0xb3: {  	v2 =	vld [tilespmem:$0x8A0];
	_ =	sdelay $0x7  }
0xb4: {  	[tilespmem:v2+s8+$0x0] =	vst.idx.add.f32.msk $0xffff, v1  }
0xb5: {  	v2 =	vld [tilespmem:$0x8B0];
	_ =	sdelay $0x7  }
0xb6: {  	[tilespmem:v2+s8+$0x0] =	vst.idx.add.f32.msk $0xffff, v1  }
0xb7: {  	_ =	swait.ge [sflag:s26], $0x2000  }
0xb8: {  	[sflag:s26] =	ssyncset.done $0x0  }
0xb9: {  	s12 =	simm.s32 $0x200;
	[sflag:s26] =	ssyncadd.s32 $0xFFFFE000  }
0xba: {  	[tilespmem:s25], [sflag:$0x1] =	stream.indirect.gather [hbm4b:s1+s29], $0x80, s12, s29, $0xb8;
	[tilespmem:$0x1F800] =	vst v63  }
0xbb: {  	_ =	swait.ge [sflag:s14], $0x2000  }
0xbc: {  	[sflag:s14] =	ssyncset.done $0x0  }
0xbd: {  	s28 =	simm.s32 $0x900;
	[sflag:s14] =	ssyncadd.s32 $0xFFFFE000  }
0xbe: {  	[spmem:s2] =	stream.indirect.scatter.add.f32 [tilespmem:s3], [sflag:$0x7], $0x80, s28, s29, $0xb8;
	[tilespmem:$0x1F800] =	vst v63  }
0xbf: {  	v2 =	vld [tilespmem:$0x900];
	_ =	sdelay $0x7  }
0xc0: {  	[tilespmem:v2+s8+$0x0] =	vst.idx.add.f32.msk $0xffff, v1  }
0xc1: {  	v2 =	vld [tilespmem:$0x910];
	_ =	sdelay $0x7  }
0xc2: {  	[tilespmem:v2+s8+$0x0] =	vst.idx.add.f32.msk $0xffff, v1  }
0xc3: {  	v2 =	vld [tilespmem:$0x920];
	_ =	sdelay $0x7  }
0xc4: {  	[tilespmem:v2+s8+$0x0] =	vst.idx.add.f32.msk $0xffff, v1  }
0xc5: {  	v2 =	vld [tilespmem:$0x930];
	_ =	sdelay $0x7  }
0xc6: {  	s12 =	sadd.s32 s30, s22;
	[tilespmem:v2+s8+$0x0] =	vst.idx.add.f32.msk $0xffff, v1  }
0xc7: {  	[tilespmem:s15], [sflag:$0xA] =	stream.linear.gather [hbm4b:s12+s4], $0x400, $0x38;
	[tilespmem:$0x1F800] =	vst v63  }
0xc8: {  	s0 =	sadd.s32 s30, s23  }
0xc9: {  	[tilespmem:s16], [sflag:$0xA] =	stream.linear.gather [hbm4b:s0+s4], $0x400, $0x38;
	[tilespmem:$0x1F800] =	vst v63  }
0xca: {  	_ =	swait.ge [sflag:s17], $0x2000  }
0xcb: {  	[sflag:s17] =	ssyncset.done $0x0  }
0xcc: {  	s12 =	simm.s32 $0x280;
	[sflag:s17] =	ssyncadd.s32 $0xFFFFE000  }
0xcd: {  	[tilespmem:s31], [sflag:$0x2] =	stream.indirect.gather [hbm4b:s1+s29], $0x80, s12, s29, $0xb8;
	[tilespmem:$0x1F800] =	vst v63  }
0xce: {  	_ =	swait.ge [sflag:s19], $0x2000  }
0xcf: {  	[sflag:s19] =	ssyncset.done $0x0  }
0xd0: {  	s28 =	simm.s32 $0x980;
	[sflag:s19] =	ssyncadd.s32 $0xFFFFE000  }
0xd1: {  	[spmem:s2] =	stream.indirect.scatter.add.f32 [tilespmem:s10], [sflag:$0x8], $0x80, s28, s29, $0xb8;
	[tilespmem:$0x1F800] =	vst v63  }
0xd2: {  	v2 =	vld [tilespmem:$0x980];
	_ =	sdelay $0x7  }
0xd3: {  	[tilespmem:v2+s8+$0x0] =	vst.idx.add.f32.msk $0xffff, v1  }
0xd4: {  	v2 =	vld [tilespmem:$0x990];
	_ =	sdelay $0x7  }
0xd5: {  	[tilespmem:v2+s8+$0x0] =	vst.idx.add.f32.msk $0xffff, v1  }
0xd6: {  	v2 =	vld [tilespmem:$0x9A0];
	_ =	sdelay $0x7  }
0xd7: {  	[tilespmem:v2+s8+$0x0] =	vst.idx.add.f32.msk $0xffff, v1  }
0xd8: {  	v2 =	vld [tilespmem:$0x9B0];
	_ =	sdelay $0x7  }
0xd9: {  	[tilespmem:v2+s8+$0x0] =	vst.idx.add.f32.msk $0xffff, v1  }
0xda: {  	_ =	swait.ge [sflag:s7], $0x2000  }
0xdb: {  	[sflag:s7] =	ssyncset.done $0x0  }
0xdc: {  	s12 =	simm.s32 $0x300;
	[sflag:s7] =	ssyncadd.s32 $0xFFFFE000  }
0xdd: {  	[tilespmem:s3], [sflag:$0x3] =	stream.indirect.gather [hbm4b:s1+s29], $0x80, s12, s29, $0xb8;
	[tilespmem:$0x1F800] =	vst v63  }
0xde: {  	_ =	swait.ge [sflag:s6], $0x2000  }
0xdf: {  	[sflag:s6] =	ssyncset.done $0x0  }
0xe0: {  	s28 =	simm.s32 $0xA00;
	[sflag:s6] =	ssyncadd.s32 $0xFFFFE000  }
0xe1: {  	[spmem:s2] =	stream.indirect.scatter.add.f32 [tilespmem:s25], [sflag:$0x5], $0x80, s28, s29, $0xb8;
	[tilespmem:$0x1F800] =	vst v63  }
0xe2: {  	v2 =	vld [tilespmem:$0xA00];
	_ =	sdelay $0x7  }
0xe3: {  	[tilespmem:v2+s8+$0x0] =	vst.idx.add.f32.msk $0xffff, v1  }
0xe4: {  	v2 =	vld [tilespmem:$0xA10];
	_ =	sdelay $0x7  }
0xe5: {  	[tilespmem:v2+s8+$0x0] =	vst.idx.add.f32.msk $0xffff, v1  }
0xe6: {  	v2 =	vld [tilespmem:$0xA20];
	_ =	sdelay $0x7  }
0xe7: {  	[tilespmem:v2+s8+$0x0] =	vst.idx.add.f32.msk $0xffff, v1  }
0xe8: {  	v2 =	vld [tilespmem:$0xA30];
	_ =	sdelay $0x7  }
0xe9: {  	[tilespmem:v2+s8+$0x0] =	vst.idx.add.f32.msk $0xffff, v1  }
0xea: {  	_ =	swait.ge [sflag:s9], $0x2000  }
0xeb: {  	[sflag:s9] =	ssyncset.done $0x0  }
0xec: {  	s12 =	simm.s32 $0x380;
	[sflag:s9] =	ssyncadd.s32 $0xFFFFE000  }
0xed: {  	[tilespmem:s10], [sflag:$0x4] =	stream.indirect.gather [hbm4b:s1+s29], $0x80, s12, s29, $0xb8;
	[tilespmem:$0x1F800] =	vst v63  }
0xee: {  	_ =	swait.ge [sflag:s11], $0x2000  }
0xef: {  	[sflag:s11] =	ssyncset.done $0x0  }
0xf0: {  	s28 =	simm.s32 $0xA80;
	[sflag:s11] =	ssyncadd.s32 $0xFFFFE000  }
0xf1: {  	[spmem:s2] =	stream.indirect.scatter.add.f32 [tilespmem:s31], [sflag:$0x6], $0x80, s28, s29, $0xb8;
	[tilespmem:$0x1F800] =	vst v63  }
0xf2: {  	v2 =	vld [tilespmem:$0xA80];
	_ =	sdelay $0x7  }
0xf3: {  	[tilespmem:v2+s8+$0x0] =	vst.idx.add.f32.msk $0xffff, v1  }
0xf4: {  	v2 =	vld [tilespmem:$0xA90];
	_ =	sdelay $0x7  }
0xf5: {  	[tilespmem:v2+s8+$0x0] =	vst.idx.add.f32.msk $0xffff, v1  }
0xf6: {  	v2 =	vld [tilespmem:$0xAA0];
	_ =	sdelay $0x7  }
0xf7: {  	[tilespmem:v2+s8+$0x0] =	vst.idx.add.f32.msk $0xffff, v1  }
0xf8: {  	v2 =	vld [tilespmem:$0xAB0];
	_ =	sdelay $0x7  }
0xf9: {  	[tilespmem:v2+s8+$0x0] =	vst.idx.add.f32.msk $0xffff, v1  }
0xfa: {  	_ =	swait.ge [sflag:s26], $0x2000  }
0xfb: {  	[sflag:s26] =	ssyncset.done $0x0  }
0xfc: {  	[sflag:s26] =	ssyncadd.s32 $0xFFFFE000  }
0xfd: {  	_ =	swait.ge [sflag:s24], $0x400  }
0xfe: {  	[sflag:s24] =	ssyncset.done $0x0  }
0xff: {  	[sflag:s24] =	ssyncadd.s32 $0xFFFFFC00  }
0x100: {  	_ =	swait.ge [sflag:s24], $0x400  }
0x101: {  	[sflag:s24] =	ssyncset.done $0x0  }
0x102: {  	[sflag:s24] =	ssyncadd.s32 $0xFFFFFC00  }
0x103: {  	[tilespmem:s25], [sflag:$0x1] =	stream.indirect.gather [hbm4b:s1+s29], $0x80, s15, s29, $0xb8;
	[tilespmem:$0x1F800] =	vst v63  }
0x104: {  	_ =	swait.ge [sflag:s14], $0x2000  }
0x105: {  	[sflag:s14] =	ssyncset.done $0x0  }
0x106: {  	s12 =	simm.s32 $0xB00;
	[sflag:s14] =	ssyncadd.s32 $0xFFFFE000  }
0x107: {  	[spmem:s2] =	stream.indirect.scatter.add.f32 [tilespmem:s3], [sflag:$0x7], $0x80, s12, s29, $0xb8;
	[tilespmem:$0x1F800] =	vst v63  }
0x108: {  	v2 =	vld [tilespmem:$0xB00];
	_ =	sdelay $0x7  }
0x109: {  	[tilespmem:v2+s8+$0x0] =	vst.idx.add.f32.msk $0xffff, v1  }
0x10a: {  	v2 =	vld [tilespmem:$0xB10];
	_ =	sdelay $0x7  }
0x10b: {  	[tilespmem:v2+s8+$0x0] =	vst.idx.add.f32.msk $0xffff, v1  }
0x10c: {  	v2 =	vld [tilespmem:$0xB20];
	_ =	sdelay $0x7  }
0x10d: {  	[tilespmem:v2+s8+$0x0] =	vst.idx.add.f32.msk $0xffff, v1  }
0x10e: {  	v2 =	vld [tilespmem:$0xB30];
	_ =	sdelay $0x7  }
0x10f: {  	[tilespmem:v2+s8+$0x0] =	vst.idx.add.f32.msk $0xffff, v1  }
0x110: {  	_ =	swait.ge [sflag:s17], $0x2000  }
0x111: {  	[sflag:s17] =	ssyncset.done $0x0  }
0x112: {  	s28 =	simm.s32 $0x480;
	[sflag:s17] =	ssyncadd.s32 $0xFFFFE000  }
0x113: {  	[tilespmem:s31], [sflag:$0x2] =	stream.indirect.gather [hbm4b:s1+s29], $0x80, s28, s29, $0xb8;
	[tilespmem:$0x1F800] =	vst v63  }
0x114: {  	_ =	swait.ge [sflag:s19], $0x2000  }
0x115: {  	[sflag:s19] =	ssyncset.done $0x0  }
0x116: {  	s12 =	simm.s32 $0xB80;
	[sflag:s19] =	ssyncadd.s32 $0xFFFFE000  }
0x117: {  	[spmem:s2] =	stream.indirect.scatter.add.f32 [tilespmem:s10], [sflag:$0x8], $0x80, s12, s29, $0xb8;
	[tilespmem:$0x1F800] =	vst v63  }
0x118: {  	v2 =	vld [tilespmem:$0xB80];
	_ =	sdelay $0x7  }
0x119: {  	[tilespmem:v2+s8+$0x0] =	vst.idx.add.f32.msk $0xffff, v1  }
0x11a: {  	v2 =	vld [tilespmem:$0xB90];
	_ =	sdelay $0x7  }
0x11b: {  	[tilespmem:v2+s8+$0x0] =	vst.idx.add.f32.msk $0xffff, v1  }
0x11c: {  	v2 =	vld [tilespmem:$0xBA0];
	_ =	sdelay $0x7  }
0x11d: {  	[tilespmem:v2+s8+$0x0] =	vst.idx.add.f32.msk $0xffff, v1  }
0x11e: {  	v2 =	vld [tilespmem:$0xBB0];
	_ =	sdelay $0x7  }
0x11f: {  	[tilespmem:v2+s8+$0x0] =	vst.idx.add.f32.msk $0xffff, v1  }
0x120: {  	_ =	swait.ge [sflag:s7], $0x2000  }
0x121: {  	[sflag:s7] =	ssyncset.done $0x0  }
0x122: {  	s28 =	simm.s32 $0x500;
	[sflag:s7] =	ssyncadd.s32 $0xFFFFE000  }
0x123: {  	[tilespmem:s3], [sflag:$0x3] =	stream.indirect.gather [hbm4b:s1+s29], $0x80, s28, s29, $0xb8;
	[tilespmem:$0x1F800] =	vst v63  }
0x124: {  	_ =	swait.ge [sflag:s6], $0x2000  }
0x125: {  	[sflag:s6] =	ssyncset.done $0x0  }
0x126: {  	[sflag:s6] =	ssyncadd.s32 $0xFFFFE000  }
0x127: {  	[spmem:s2] =	stream.indirect.scatter.add.f32 [tilespmem:s25], [sflag:$0x5], $0x80, s16, s29, $0xb8;
	[tilespmem:$0x1F800] =	vst v63  }
0x128: {  	v2 =	vld [tilespmem:$0xC00];
	_ =	sdelay $0x7  }
0x129: {  	[tilespmem:v2+s8+$0x0] =	vst.idx.add.f32.msk $0xffff, v1  }
0x12a: {  	v2 =	vld [tilespmem:$0xC10];
	_ =	sdelay $0x7  }
0x12b: {  	[tilespmem:v2+s8+$0x0] =	vst.idx.add.f32.msk $0xffff, v1  }
0x12c: {  	v2 =	vld [tilespmem:$0xC20];
	_ =	sdelay $0x7  }
0x12d: {  	[tilespmem:v2+s8+$0x0] =	vst.idx.add.f32.msk $0xffff, v1  }
0x12e: {  	v2 =	vld [tilespmem:$0xC30];
	_ =	sdelay $0x7  }
0x12f: {  	[tilespmem:v2+s8+$0x0] =	vst.idx.add.f32.msk $0xffff, v1  }
0x130: {  	_ =	swait.ge [sflag:s9], $0x2000  }
0x131: {  	[sflag:s9] =	ssyncset.done $0x0  }
0x132: {  	s12 =	simm.s32 $0x580;
	[sflag:s9] =	ssyncadd.s32 $0xFFFFE000  }
0x133: {  	[tilespmem:s10], [sflag:$0x4] =	stream.indirect.gather [hbm4b:s1+s29], $0x80, s12, s29, $0xb8;
	[tilespmem:$0x1F800] =	vst v63  }
0x134: {  	_ =	swait.ge [sflag:s11], $0x2000  }
0x135: {  	[sflag:s11] =	ssyncset.done $0x0  }
0x136: {  	s28 =	simm.s32 $0xC80;
	[sflag:s11] =	ssyncadd.s32 $0xFFFFE000  }
0x137: {  	[spmem:s2] =	stream.indirect.scatter.add.f32 [tilespmem:s31], [sflag:$0x6], $0x80, s28, s29, $0xb8;
	[tilespmem:$0x1F800] =	vst v63  }
0x138: {  	v2 =	vld [tilespmem:$0xC80];
	_ =	sdelay $0x7  }
0x139: {  	[tilespmem:v2+s8+$0x0] =	vst.idx.add.f32.msk $0xffff, v1  }
0x13a: {  	v2 =	vld [tilespmem:$0xC90];
	_ =	sdelay $0x7  }
0x13b: {  	[tilespmem:v2+s8+$0x0] =	vst.idx.add.f32.msk $0xffff, v1  }
0x13c: {  	v2 =	vld [tilespmem:$0xCA0];
	_ =	sdelay $0x7  }
0x13d: {  	[tilespmem:v2+s8+$0x0] =	vst.idx.add.f32.msk $0xffff, v1  }
0x13e: {  	v2 =	vld [tilespmem:$0xCB0];
	_ =	sdelay $0x7  }
0x13f: {  	[tilespmem:v2+s8+$0x0] =	vst.idx.add.f32.msk $0xffff, v1  }
0x140: {  	_ =	swait.ge [sflag:s26], $0x2000  }
0x141: {  	[sflag:s26] =	ssyncset.done $0x0  }
0x142: {  	s12 =	simm.s32 $0x600;
	[sflag:s26] =	ssyncadd.s32 $0xFFFFE000  }
0x143: {  	[tilespmem:s25], [sflag:$0x1] =	stream.indirect.gather [hbm4b:s1+s29], $0x80, s12, s29, $0xb8;
	[tilespmem:$0x1F800] =	vst v63  }
0x144: {  	_ =	swait.ge [sflag:s14], $0x2000  }
0x145: {  	[sflag:s14] =	ssyncset.done $0x0  }
0x146: {  	s28 =	simm.s32 $0xD00;
	[sflag:s14] =	ssyncadd.s32 $0xFFFFE000  }
0x147: {  	[spmem:s2] =	stream.indirect.scatter.add.f32 [tilespmem:s3], [sflag:$0x7], $0x80, s28, s29, $0xb8;
	[tilespmem:$0x1F800] =	vst v63  }
0x148: {  	v2 =	vld [tilespmem:$0xD00];
	_ =	sdelay $0x7  }
0x149: {  	[tilespmem:v2+s8+$0x0] =	vst.idx.add.f32.msk $0xffff, v1  }
0x14a: {  	v2 =	vld [tilespmem:$0xD10];
	_ =	sdelay $0x7  }
0x14b: {  	[tilespmem:v2+s8+$0x0] =	vst.idx.add.f32.msk $0xffff, v1  }
0x14c: {  	v2 =	vld [tilespmem:$0xD20];
	_ =	sdelay $0x7  }
0x14d: {  	[tilespmem:v2+s8+$0x0] =	vst.idx.add.f32.msk $0xffff, v1  }
0x14e: {  	v2 =	vld [tilespmem:$0xD30];
	_ =	sdelay $0x6  }
0x14f: {  	p0 =	seq.s32 s30, $0x900  }
0x150: {  	s0 =	sadd.s32 @!p0 s30, s20;
	s28 =	simm.s32 @!p0 $0x0;
	[tilespmem:v2+s8+$0x0] =	vst.idx.add.f32.msk $0xffff, v1  }
0x151: {  	[tilespmem:s28], [sflag:$0x9] =	stream.linear.gather @!p0 [hbm4b:s0+s28], $0x400, $0x38;
	[tilespmem:$0x1F800] =	vst v63  }
0x152: {  	s12 =	simm.s32 @!p0 $0x800;
	s0 =	sadd.s32 @!p0 s30, s21  }
0x153: {  	[tilespmem:s12], [sflag:$0x9] =	stream.linear.gather @!p0 [hbm4b:s0+s28], $0x400, $0x38;
	[tilespmem:$0x1F800] =	vst v63  }
0x154: {  	_ =	swait.ge [sflag:s17], $0x2000  }
0x155: {  	[sflag:s17] =	ssyncset.done $0x0  }
0x156: {  	s12 =	simm.s32 $0x680;
	[sflag:s17] =	ssyncadd.s32 $0xFFFFE000  }
0x157: {  	[tilespmem:s31], [sflag:$0x2] =	stream.indirect.gather [hbm4b:s1+s29], $0x80, s12, s29, $0xb8;
	[tilespmem:$0x1F800] =	vst v63  }
0x158: {  	_ =	swait.ge [sflag:s19], $0x2000  }
0x159: {  	[sflag:s19] =	ssyncset.done $0x0  }
0x15a: {  	s12 =	simm.s32 $0xD80;
	[sflag:s19] =	ssyncadd.s32 $0xFFFFE000  }
0x15b: {  	[spmem:s2] =	stream.indirect.scatter.add.f32 [tilespmem:s10], [sflag:$0x8], $0x80, s12, s29, $0xb8;
	[tilespmem:$0x1F800] =	vst v63  }
0x15c: {  	v2 =	vld [tilespmem:$0xD80];
	_ =	sdelay $0x7  }
0x15d: {  	[tilespmem:v2+s8+$0x0] =	vst.idx.add.f32.msk $0xffff, v1  }
0x15e: {  	v2 =	vld [tilespmem:$0xD90];
	_ =	sdelay $0x7  }
0x15f: {  	[tilespmem:v2+s8+$0x0] =	vst.idx.add.f32.msk $0xffff, v1  }
0x160: {  	v2 =	vld [tilespmem:$0xDA0];
	_ =	sdelay $0x7  }
0x161: {  	[tilespmem:v2+s8+$0x0] =	vst.idx.add.f32.msk $0xffff, v1  }
0x162: {  	v2 =	vld [tilespmem:$0xDB0];
	_ =	sdelay $0x7  }
0x163: {  	[tilespmem:v2+s8+$0x0] =	vst.idx.add.f32.msk $0xffff, v1  }
0x164: {  	_ =	swait.ge [sflag:s7], $0x2000  }
0x165: {  	[sflag:s7] =	ssyncset.done $0x0  }
0x166: {  	s12 =	simm.s32 $0x700;
	[sflag:s7] =	ssyncadd.s32 $0xFFFFE000  }
0x167: {  	[tilespmem:s3], [sflag:$0x3] =	stream.indirect.gather [hbm4b:s1+s29], $0x80, s12, s29, $0xb8;
	[tilespmem:$0x1F800] =	vst v63  }
0x168: {  	_ =	swait.ge [sflag:s6], $0x2000  }
0x169: {  	[sflag:s6] =	ssyncset.done $0x0  }
0x16a: {  	s12 =	simm.s32 $0xE00;
	[sflag:s6] =	ssyncadd.s32 $0xFFFFE000  }
0x16b: {  	[spmem:s2] =	stream.indirect.scatter.add.f32 [tilespmem:s25], [sflag:$0x5], $0x80, s12, s29, $0xb8;
	[tilespmem:$0x1F800] =	vst v63  }
0x16c: {  	v2 =	vld [tilespmem:$0xE00];
	_ =	sdelay $0x7  }
0x16d: {  	[tilespmem:v2+s8+$0x0] =	vst.idx.add.f32.msk $0xffff, v1  }
0x16e: {  	v2 =	vld [tilespmem:$0xE10];
	_ =	sdelay $0x7  }
0x16f: {  	[tilespmem:v2+s8+$0x0] =	vst.idx.add.f32.msk $0xffff, v1  }
0x170: {  	v2 =	vld [tilespmem:$0xE20];
	_ =	sdelay $0x7  }
0x171: {  	[tilespmem:v2+s8+$0x0] =	vst.idx.add.f32.msk $0xffff, v1  }
0x172: {  	v2 =	vld [tilespmem:$0xE30];
	_ =	sdelay $0x7  }
0x173: {  	[tilespmem:v2+s8+$0x0] =	vst.idx.add.f32.msk $0xffff, v1  }
0x174: {  	_ =	swait.ge [sflag:s9], $0x2000  }
0x175: {  	[sflag:s9] =	ssyncset.done $0x0  }
0x176: {  	s12 =	simm.s32 $0x780;
	[sflag:s9] =	ssyncadd.s32 $0xFFFFE000  }
0x177: {  	[tilespmem:s10], [sflag:$0x4] =	stream.indirect.gather [hbm4b:s1+s29], $0x80, s12, s29, $0xb8;
	[tilespmem:$0x1F800] =	vst v63  }
0x178: {  	_ =	swait.ge [sflag:s11], $0x2000  }
0x179: {  	[sflag:s11] =	ssyncset.done $0x0  }
0x17a: {  	[sflag:s11] =	ssyncadd.s32 $0xFFFFE000  }
0x17b: {  	[spmem:s2] =	stream.indirect.scatter.add.f32 [tilespmem:s31], [sflag:$0x6], $0x80, s13, s29, $0xb8;
	[tilespmem:$0x1F800] =	vst v63  }
0x17c: {  	v2 =	vld [tilespmem:$0xE80];
	_ =	sdelay $0x7  }
0x17d: {  	[tilespmem:v2+s8+$0x0] =	vst.idx.add.f32.msk $0xffff, v1  }
0x17e: {  	v2 =	vld [tilespmem:$0xE90];
	_ =	sdelay $0x7  }
0x17f: {  	[tilespmem:v2+s8+$0x0] =	vst.idx.add.f32.msk $0xffff, v1  }
0x180: {  	v2 =	vld [tilespmem:$0xEA0];
	_ =	sdelay $0x7  }
0x181: {  	[tilespmem:v2+s8+$0x0] =	vst.idx.add.f32.msk $0xffff, v1  }
0x182: {  	v2 =	vld [tilespmem:$0xEB0];
	_ =	sdelay $0x7  }
0x183: {  	[tilespmem:v2+s8+$0x0] =	vst.idx.add.f32.msk $0xffff, v1  }
0x184: {  	_ =	swait.ge [sflag:s26], $0x2000  }
0x185: {  	[sflag:s26] =	ssyncset.done $0x0  }
0x186: {  	s0 =	simm.s32 @!p0 $0x9;
	[sflag:s26] =	ssyncadd.s32 $0xFFFFE000  }
0x187: {  	_ =	swait.ge @!p0 [sflag:s0], $0x400  }
0x188: {  	[sflag:s0] =	ssyncset.done @!p0 $0x0  }
0x189: {  	[sflag:s0] =	ssyncadd.s32 @!p0 $0xFFFFFC00  }
0x18a: {  	_ =	swait.ge @!p0 [sflag:s0], $0x400  }
0x18b: {  	[sflag:s0] =	ssyncset.done @!p0 $0x0  }
0x18c: {  	s12 =	simm.s32 @!p0 $0x1000;
	[sflag:s0] =	ssyncadd.s32 @!p0 $0xFFFFFC00;
	s0 =	simm.s32 @!p0 $0x40  }
0x18d: {  	[tilespmem:s12], [sflag:$0x1] =	stream.indirect.gather @!p0 [hbm4b:s1+s0], $0x80, s28, s0, $0xb8;
	[tilespmem:$0x1F800] =	vst v63  }
0x18e: {  	_ =	swait.ge [sflag:s14], $0x2000  }
0x18f: {  	[sflag:s14] =	ssyncset.done $0x0  }
0x190: {  	[sflag:s14] =	ssyncadd.s32 $0xFFFFE000  }
0x191: {  	[spmem:s2] =	stream.indirect.scatter.add.f32 [tilespmem:s3], [sflag:$0x7], $0x80, s5, s29, $0xb8;
	[tilespmem:$0x1F800] =	vst v63  }
0x192: {  	v2 =	vld [tilespmem:$0xF00];
	_ =	sdelay $0x7  }
0x193: {  	[tilespmem:v2+s8+$0x0] =	vst.idx.add.f32.msk $0xffff, v1  }
0x194: {  	v2 =	vld [tilespmem:$0xF10];
	_ =	sdelay $0x7  }
0x195: {  	[tilespmem:v2+s8+$0x0] =	vst.idx.add.f32.msk $0xffff, v1  }
0x196: {  	v2 =	vld [tilespmem:$0xF20];
	_ =	sdelay $0x7  }
0x197: {  	[tilespmem:v2+s8+$0x0] =	vst.idx.add.f32.msk $0xffff, v1  }
0x198: {  	v2 =	vld [tilespmem:$0xF30];
	_ =	sdelay $0x7  }
0x199: {  	[tilespmem:v2+s8+$0x0] =	vst.idx.add.f32.msk $0xffff, v1  }
0x19a: {  	_ =	swait.ge [sflag:s17], $0x2000  }
0x19b: {  	[sflag:s17] =	ssyncset.done $0x0  }
0x19c: {  	s12 =	simm.s32 @!p0 $0x80;
	s28 =	simm.s32 @!p0 $0x3000;
	[sflag:s17] =	ssyncadd.s32 $0xFFFFE000  }
0x19d: {  	[tilespmem:s28], [sflag:$0x2] =	stream.indirect.gather @!p0 [hbm4b:s1+s0], $0x80, s12, s0, $0xb8;
	[tilespmem:$0x1F800] =	vst v63  }
0x19e: {  	_ =	swait.ge [sflag:s19], $0x2000  }
0x19f: {  	[sflag:s19] =	ssyncset.done $0x0  }
0x1a0: {  	[sflag:s19] =	ssyncadd.s32 $0xFFFFE000  }
0x1a1: {  	[spmem:s2] =	stream.indirect.scatter.add.f32 [tilespmem:s10], [sflag:$0x8], $0x80, s18, s29, $0xb8;
	[tilespmem:$0x1F800] =	vst v63  }
0x1a2: {  	v2 =	vld [tilespmem:$0xF80];
	_ =	sdelay $0x7  }
0x1a3: {  	[tilespmem:v2+s8+$0x0] =	vst.idx.add.f32.msk $0xffff, v1  }
0x1a4: {  	v2 =	vld [tilespmem:$0xF90];
	_ =	sdelay $0x7  }
0x1a5: {  	[tilespmem:v2+s8+$0x0] =	vst.idx.add.f32.msk $0xffff, v1  }
0x1a6: {  	v2 =	vld [tilespmem:$0xFA0];
	_ =	sdelay $0x7  }
0x1a7: {  	[tilespmem:v2+s8+$0x0] =	vst.idx.add.f32.msk $0xffff, v1  }
0x1a8: {  	v2 =	vld [tilespmem:$0xFB0];
	_ =	sdelay $0x6  }
.Ltmp4:
0x1a9: {  	_ = 	snop;
	(pc) =	sbr.rel @p0 .LBB2_8-.Ltmp4, $4  }
0x1aa: {  	[tilespmem:v2+s8+$0x0] =	vst.idx.add.f32.msk $0xffff, v1  }
0x1ab: {  	_ =	swait.ge [sflag:s7], $0x2000  }
0x1ac: {  	[sflag:s7] =	ssyncset.done $0x0  }
0x1ad: {  	[sflag:s7] =	ssyncadd.s32 $0xFFFFE000  }
.Ltmp5:
0x1ae: {  	(pc) =	sbr.rel .LBB2_6-.Ltmp5, $3  }
0x1af: {  	_ =	sdelay $0x1  }
0x1b0: {  	s0 =	simm.s32 $0x100;
	s30 =	sadd.s32 $0x100, s30  }
0x1b1: {  	[tilespmem:s3], [sflag:$0x3] =	stream.indirect.gather [hbm4b:s1+s29], $0x80, s0, s29, $0xb8;
	[tilespmem:$0x1F800] =	vst v63  }
.LBB2_9:
0x1b2: {  	_ =	sfence.sel $0x180000  }
0x1b3: {  	[bflag:$0x0] =	sbarrier.arrive $0xFFFF  }
0x1b4: {  	_ =	strace $0x90000047  }
0x1b5: {  	s0 =	stileid.u32;
	[bflag:$0x2] =	sbarrier.arrive $0xFFFF  }
0x1b6: {  	p0 =	sne.s32 s0, $0x0;
	s0 =	rddreg [dreg:$0x4]  }
0x1b7: {  	s0 =	sadd.s32 @!p0 $0x100000, s0  }
0x1b8: {  	[sflag:s0] =	ssyncadd.tile.s32 @!p0 $0x1;
	_ =	shalt  }
.Lfunc_end2:
_tile_overlayer_lowered:
.L_overlay_start_2:
0x1b9: {  	(tag) =	ssettag $0x2  }
0x1ba: {  	s0 =	rddreg [dreg:$0x0];
	s2 =	stileid.u32  }
0x1bb: {  	s1 =	rddreg [dreg:$0x1];
	p0 =	sne.s32 s2, $0x0  }
0x1bc: {  	s3 =	rddreg [dreg:$0x2];
	[bflag:$0x3] =	sbarrier.arrive $0xFFFF;
	s2 =	simm.s32 @!p0 $0x1C0B  }
0x1bd: {  	[timem:s3], [sflag:s2] =	dma.local @!p0 [hbm:s0], s1  }
0x1be: {  	s0 =	simm.s32 @!p0 $0xB  }
0x1bf: {  	_ =	swait.ge @!p0 [sflag:s0], s1  }
0x1c0: {  	s1 =	ssub.s32 @!p0 $0x0, s1;
	[sflag:s0] =	ssyncset.done @!p0 $0x0  }
0x1c1: {  	[sflag:s0] =	ssyncadd.s32 @!p0 s1  }
0x1c2: {  	[bflag:$0x3] =	sbarrier.arrive $0xFFFF  }
0x1c3: {  	_ =	shalt  }

</sc_bundles>
